<compile_context>
chip_gen: v7x
topology: tpu7x:2x2x1
jax: 0.10.2.dev20260603
libtpu: 0.0.44.dev20260713+nightly
codegen_flags: <defaults>
</compile_context>

<pallas_src>
import functools

import jax
import jax.numpy as jnp
from jax import lax
from jax.experimental import pallas as pl
from jax.experimental.pallas import tpu as pltpu
from jax.experimental.pallas import tpu_sc as plsc

N_NODES = 10000
N_EDGES = 320000
D = 128
NC = 2
NS = 16
NW = NC * NS
N_PAD = 10240
EPT = N_EDGES // NW
CH = 64
SB = 10
NBLK = 16
NCHUNK = SB * NBLK
EPT_PAD = NCHUNK * CH
CH_D = 128
NCHUNK_D = 80
ROWS_PT = N_PAD // NS
ZCHUNKS = [(k * 64, 64) for k in range(10)]

_f32 = jnp.float32


def _deg_body(dst_hbm, deg_hbm, deg_sh, idx_v, ones_v, zbuf):
    c = lax.axis_index("c")
    s = lax.axis_index("s")
    wid = c * NS + s

    def z16(i, _):
        zbuf[pl.ds(i * 16, 16)] = jnp.zeros((16,), _f32)
        return 0

    lax.fori_loop(0, ROWS_PT // 16, z16, 0)
    pltpu.sync_copy(zbuf,
                    deg_sh.at[pl.ds(s * ROWS_PT, ROWS_PT)])

    def o16(i, _):
        ones_v[pl.ds(i * 16, 16)] = jnp.ones((16,), _f32)
        return 0

    lax.fori_loop(0, CH_D // 16, o16, 0)
    pltpu.sync_copy(dst_hbm.at[wid], idx_v)
    plsc.subcore_barrier()

    def chunk(j, _):
        pltpu.sync_copy(ones_v, deg_sh.at[idx_v.at[j]], add=True)
        return 0

    lax.fori_loop(0, NCHUNK_D, chunk, 0)
    plsc.subcore_barrier()
    pltpu.sync_copy(deg_sh.at[pl.ds(s * ROWS_PT, ROWS_PT)],
                    deg_hbm.at[c, pl.ds(s * ROWS_PT, ROWS_PT)])


def _dis_of(deg_ref):
    deg = deg_ref[0, :] + deg_ref[1, :]
    return jnp.where(deg > 0, lax.rsqrt(jnp.maximum(deg, 1e-12)), 0.0)


def _mm_body(x_ref, w_ref, xw_ref):
    xw_ref[...] = jnp.dot(x_ref[...], w_ref[...], preferred_element_type=_f32)


BR = 2048


def _scale_body(deg_ref, xw_ref, y_ref):
    i = pl.program_id(0)
    dis = _dis_of(deg_ref)
    rows = i * BR + lax.broadcasted_iota(jnp.int32, (BR, 1), 0)
    y_ref[...] = jnp.where(rows < N_NODES, xw_ref[...] * dis[:, None], 0.0)


NBUF = 5


def _edge_body(y_hbm, src_hbm, dst_hbm, part_hbm, acc_sh, srcb, dstb,
               r0, r1, r2, r3, r4, si0, si1, s0, s1, s2, s3, s4):
    rows = (r0, r1, r2, r3, r4)
    sems = (s0, s1, s2, s3, s4)
    si = (si0, si1)
    c = lax.axis_index("c")
    s = lax.axis_index("s")
    wid = c * NS + s

    def z(i, _):
        r0[i // 8, pl.ds((i % 8) * 16, 16)] = jnp.zeros((16,), _f32)
        return 0

    lax.fori_loop(0, CH * 8, z, 0)
    for off, ln in ZCHUNKS:
        pltpu.sync_copy(r0.at[pl.ds(0, ln)],
                        acc_sh.at[pl.ds(s * ROWS_PT + off, ln)])
    pltpu.sync_copy(src_hbm.at[wid, 0], srcb.at[0])
    pltpu.sync_copy(dst_hbm.at[wid, 0], dstb.at[0])
    plsc.subcore_barrier()
    for b in range(NBUF - 1):
        pltpu.async_copy(y_hbm.at[srcb.at[0, b]], rows[b], sems[b])

    FB = (SB - 1) % NBUF

    def gwait(slot, jl, b):
        pltpu.make_async_copy(y_hbm.at[srcb.at[slot, jl]], rows[b],
                              sems[b]).wait()

    def sissue(slot, jl, b):
        pltpu.async_copy(rows[b], acc_sh.at[dstb.at[slot, jl]], sems[b],
                         add=True)

    def swait(slot, jl, b):
        pltpu.make_async_copy(rows[b], acc_sh.at[dstb.at[slot, jl]],
                              sems[b]).wait()

    def gissue(slot, jl, b):
        pltpu.async_copy(y_hbm.at[srcb.at[slot, jl]], rows[b], sems[b])

    def do_block(blk, slot, nslot):
        def step(ii, _):
            for b in range(NBUF):
                jl = NBUF * ii + b
                cb = (b + NBUF - 1) % NBUF
                gwait(slot, jl, b)
                sissue(slot, jl, b)
                @pl.when(jl >= 1)
                def _():
                    swait(slot, jl - 1, cb)

                @pl.when(jl + NBUF - 1 < SB)
                def _():
                    gissue(slot, jl + NBUF - 1, cb)
            return 0

        lax.fori_loop(0, SB // NBUF - 1, step, 0)
        @pl.when(blk + 1 < NBLK)
        def _():
            pltpu.make_async_copy(src_hbm.at[wid, blk + 1], srcb.at[nslot],
                                  si[nslot]).wait()
            pltpu.make_async_copy(dst_hbm.at[wid, blk + 1], dstb.at[nslot],
                                  si[nslot]).wait()

        for b in range(NBUF):
            jl = SB - NBUF + b
            cb = (b + NBUF - 1) % NBUF
            gwait(slot, jl, b)
            sissue(slot, jl, b)
            swait(slot, jl - 1, cb)
            t = jl + NBUF - 1
            if t < SB:
                gissue(slot, t, cb)
            else:
                @pl.when(blk + 1 < NBLK)
                def _():
                    gissue(nslot, t - SB, cb)

    def pair(p, _):
        for slot in range(2):
            blk = 2 * p + slot
            nslot = 1 - slot
            @pl.when(blk >= 1)
            def _():
                swait(nslot, SB - 1, FB)

            @pl.when(blk + 1 < NBLK)
            def _():
                pltpu.async_copy(src_hbm.at[wid, blk + 1], srcb.at[nslot],
                                 si[nslot])
                pltpu.async_copy(dst_hbm.at[wid, blk + 1], dstb.at[nslot],
                                 si[nslot])

            do_block(blk, slot, nslot)
        return 0

    lax.fori_loop(0, NBLK // 2, pair, 0)
    swait(1, SB - 1, FB)
    plsc.subcore_barrier()

    for off, ln in ZCHUNKS:
        pltpu.sync_copy(acc_sh.at[pl.ds(s * ROWS_PT + off, ln)],
                        part_hbm.at[c, pl.ds(s * ROWS_PT + off, ln)])


def _fin_body(part_ref, deg_ref, b_ref, out_ref):
    dis = _dis_of(deg_ref)
    p = part_ref[0, :, :] + part_ref[1, :, :]
    out_ref[...] = p * dis[:, None] + b_ref[...][None, :]


@functools.lru_cache(maxsize=1)
def _build():
    mesh = plsc.VectorSubcoreMesh(core_axis_name="c", subcore_axis_name="s",
                                  num_cores=NC, num_subcores=NS)
    deg_call = pl.kernel(
        _deg_body,
        out_type=jax.ShapeDtypeStruct((NC, N_PAD), _f32),
        mesh=mesh,
        scratch_types=[
            pltpu.VMEM_SHARED((N_PAD,), _f32),
            pltpu.VMEM((NCHUNK_D, CH_D), jnp.int32),
            pltpu.VMEM((CH_D,), _f32),
            pltpu.VMEM((ROWS_PT,), _f32),
        ],
    )
    mm_call = pl.pallas_call(
        _mm_body,
        grid=(N_NODES // 1000,),
        in_specs=[pl.BlockSpec((1000, D), lambda i: (i, 0)),
                  pl.BlockSpec((D, D), lambda i: (0, 0))],
        out_specs=pl.BlockSpec((1000, D), lambda i: (i, 0)),
        out_shape=jax.ShapeDtypeStruct((N_NODES, D), _f32),
    )
    scale_call = pl.pallas_call(
        _scale_body,
        grid=(N_PAD // BR,),
        in_specs=[pl.BlockSpec((NC, BR), lambda i: (0, i)),
                  pl.BlockSpec((BR, D), lambda i: (i, 0))],
        out_specs=pl.BlockSpec((BR, D), lambda i: (i, 0)),
        out_shape=jax.ShapeDtypeStruct((N_PAD, D), _f32),
    )
    edge_call = pl.kernel(
        _edge_body,
        out_type=jax.ShapeDtypeStruct((NC, N_PAD, D), _f32),
        mesh=mesh,
        scratch_types=[
            pltpu.VMEM_SHARED((N_PAD, D), _f32),
            pltpu.VMEM((2, SB, CH), jnp.int32),
            pltpu.VMEM((2, SB, CH), jnp.int32),
            pltpu.VMEM((CH, D), _f32),
            pltpu.VMEM((CH, D), _f32),
            pltpu.VMEM((CH, D), _f32),
            pltpu.VMEM((CH, D), _f32),
            pltpu.VMEM((CH, D), _f32),
            pltpu.SemaphoreType.DMA,
            pltpu.SemaphoreType.DMA,
            pltpu.SemaphoreType.DMA,
            pltpu.SemaphoreType.DMA,
            pltpu.SemaphoreType.DMA,
            pltpu.SemaphoreType.DMA,
            pltpu.SemaphoreType.DMA,
        ],
    )
    fin_call = pl.pallas_call(
        _fin_body,
        grid=(N_PAD // BR,),
        in_specs=[pl.BlockSpec((NC, BR, D), lambda i: (0, i, 0)),
                  pl.BlockSpec((NC, BR), lambda i: (0, i)),
                  pl.BlockSpec((D,), lambda i: (0,))],
        out_specs=pl.BlockSpec((BR, D), lambda i: (i, 0)),
        out_shape=jax.ShapeDtypeStruct((N_NODES, D), _f32),
    )
    return deg_call, mm_call, scale_call, edge_call, fin_call


def kernel(x, edge_index, W, b):
    deg_call, mm_call, scale_call, edge_call, fin_call = _build()
    src = edge_index[0].astype(jnp.int32)
    dst = edge_index[1].astype(jnp.int32)
    padi = N_NODES + (jnp.arange(EPT_PAD - EPT, dtype=jnp.int32)
                      % (N_PAD - N_NODES))
    pad_t = jnp.broadcast_to(padi, (NW, EPT_PAD - EPT))
    src_p = jnp.concatenate([src.reshape(NW, EPT), pad_t],
                            axis=1).reshape(NW, NBLK, SB, CH)
    dst_p = jnp.concatenate([dst.reshape(NW, EPT), pad_t],
                            axis=1).reshape(NW, NBLK, SB, CH)
    dst_d = jnp.concatenate([dst.reshape(NW, EPT), pad_t],
                            axis=1).reshape(NW, NCHUNK_D, CH_D)
    deg_p = deg_call(dst_d)
    xw = mm_call(x, W)
    y = scale_call(deg_p, xw)
    part = edge_call(y, src_p, dst_p)
    out = fin_call(part, deg_p, b)
    return (out, edge_index)

# --- scband reference (transcript-rebuilt; emitter-appended) ---
"""Pipeline reference for scband-graph-layer-45999099740494 (READ-ONLY COPY).

The authoritative reference and input builder live on the scoring server;
editing this copy changes nothing except your own understanding.
"""

import jax, jax.numpy as jnp
import numpy as np

N_NODES = 10000
N_EDGES = 320000
D_IN = 128
D_OUT = 128


def setup_inputs(seed: int = 0) -> dict:
    key = jax.random.key(seed)
    k1, k2, k3 = jax.random.split(key, 3)
    x = jax.random.normal(k1, (N_NODES, D_IN), dtype=jnp.float32)
    edge_index = jax.random.randint(k2, (2, N_EDGES), 0, N_NODES, dtype=jnp.int32)
    # GCNConv linear weight (kaiming-like scaling) and bias
    W = jax.random.normal(k3, (D_IN, D_OUT), dtype=jnp.float32) * (1.0 / np.sqrt(D_IN))
    b = jnp.zeros((D_OUT,), dtype=jnp.float32)
    return {"x": x, "edge_index": edge_index, "W": W, "b": b}


def reference(x, edge_index, W, b):
    # GraphLayer with type_model='GCN', hidden_channels=[128]: a single
    # GCNConv(in_channels, 128, add_self_loops=False). Single layer so no
    # act/norm is applied; dropout is inference no-op. Returns (x, edge_index, edge_attr=None).
    src = edge_index[0]  # row (source)
    dst = edge_index[1]  # col (target, aggregation side)
    n = x.shape[0]
    # gcn_norm with edge_weight = 1, no self loops
    ones = jnp.ones((src.shape[0],), dtype=x.dtype)
    deg = jnp.zeros((n,), dtype=x.dtype).at[dst].add(ones)
    deg_inv_sqrt = jnp.where(deg > 0, jax.lax.rsqrt(jnp.maximum(deg, 1e-12)), 0.0)
    norm = deg_inv_sqrt[src] * deg_inv_sqrt[dst]
    # linear transform then message-passing: out[dst] += norm * (x W)[src]
    xw = x @ W
    msg = xw[src] * norm[:, None]
    out = jnp.zeros((n, xw.shape[1]), dtype=x.dtype).at[dst].add(msg)
    out = out + b
    return (out, edge_index)

if __name__ == "__main__":
    import jax
    _d = setup_inputs()
    print(jax.jit(kernel)(*tuple(_d.values())))

</pallas_src>

<mosaic_0001>
#map = affine_map<(d0, d1) -> (0, 0)>
#map1 = affine_map<(d0, d1) -> (0, 0, 0, 0)>
#map2 = affine_map<(d0, d1) -> (0, 0, 0)>
module attributes {stable_mosaic.version = 14 : i64} {
  func.func @_edge_body(%arg0: i32, %arg1: i32, %arg2: memref<10240x128xf32, #tpu.memory_space<hbm>>, %arg3: memref<32x16x10x64xi32, #tpu.memory_space<hbm>>, %arg4: memref<32x16x10x64xi32, #tpu.memory_space<hbm>>, %arg5: memref<2x10240x128xf32, #tpu.memory_space<hbm>>, %arg6: memref<10240x128xf32, #tpu.memory_space<vmem_shared>>, %arg7: memref<2x10x64xi32, #tpu.memory_space<vmem>>, %arg8: memref<2x10x64xi32, #tpu.memory_space<vmem>>, %arg9: memref<64x128xf32, #tpu.memory_space<vmem>>, %arg10: memref<64x128xf32, #tpu.memory_space<vmem>>, %arg11: memref<64x128xf32, #tpu.memory_space<vmem>>, %arg12: memref<64x128xf32, #tpu.memory_space<vmem>>, %arg13: memref<64x128xf32, #tpu.memory_space<vmem>>, %arg14: memref<!tpu.dma_semaphore, #tpu.memory_space<semaphore_mem>>, %arg15: memref<!tpu.dma_semaphore, #tpu.memory_space<semaphore_mem>>, %arg16: memref<!tpu.dma_semaphore, #tpu.memory_space<semaphore_mem>>, %arg17: memref<!tpu.dma_semaphore, #tpu.memory_space<semaphore_mem>>, %arg18: memref<!tpu.dma_semaphore, #tpu.memory_space<semaphore_mem>>, %arg19: memref<!tpu.dma_semaphore, #tpu.memory_space<semaphore_mem>>, %arg20: memref<!tpu.dma_semaphore, #tpu.memory_space<semaphore_mem>>) attributes {dimension_semantics = [#tpu.dimension_semantics<core_parallel>, #tpu.dimension_semantics<subcore_parallel>], iteration_bounds = array<i64: 2, 16>, scalar_prefetch = 0 : i64, scratch_operands = 15 : i64, tpu.core_type = #tpu.core_type<sc_vector_subcore>, window_params = [{transform_indices = #map}, {transform_indices = #map1}, {transform_indices = #map1}, {transform_indices = #map2}]} {
    %mul3A = arith.constant 16 : i32
    %mul3A_0 = arith.muli %arg0, %mul3A : i32
    %add3A = arith.addi %mul3A_0, %arg1 : i32
    %scan3A = arith.constant 0 : i32
    %scan3A_1 = arith.constant 0 : i32
    %scan3A_2 = arith.constant 512 : i32
    %scan3A_3 = arith.addi %scan3A_1, %scan3A_2 : i32
    %scan3A_4 = arith.constant 1 : i32
    %scan3A_5 = scf.for %scan3A_176 = %scan3A_1 to %scan3A_3 step %scan3A_4 iter_args(%scan3A_177 = %scan3A) -> (i32)  : i32 {
      %broadcast_in_dim3A = arith.constant 0.000000e+00 : f32
      %broadcast_in_dim3A_178 = vector.broadcast %broadcast_in_dim3A : f32 to vector<16xf32>
      %jit3A = arith.constant 8 : i32
      %div3A = arith.divsi %scan3A_176, %jit3A : i32
      %sign3A = arith.constant 0 : i32
      %sign3A_179 = arith.cmpi sgt, %scan3A_176, %sign3A : i32
      %sign3A_180 = arith.extui %sign3A_179 : i1 to i32
      %sign3A_181 = arith.constant 0 : i32
      %sign3A_182 = arith.cmpi slt, %scan3A_176, %sign3A_181 : i32
      %sign3A_183 = arith.extui %sign3A_182 : i1 to i32
      %sign3A_184 = arith.subi %sign3A_180, %sign3A_183 : i32
      %sign3A_185 = arith.constant 0 : i32
      %sign3A_186 = arith.cmpi sgt, %jit3A, %sign3A_185 : i32
      %sign3A_187 = arith.extui %sign3A_186 : i1 to i32
      %sign3A_188 = arith.constant 0 : i32
      %sign3A_189 = arith.cmpi slt, %jit3A, %sign3A_188 : i32
      %sign3A_190 = arith.extui %sign3A_189 : i1 to i32
      %sign3A_191 = arith.subi %sign3A_187, %sign3A_190 : i32
      %ne3A = arith.cmpi ne, %sign3A_184, %sign3A_191 : i32
      %rem3A = arith.remsi %scan3A_176, %jit3A : i32
      %ne3A_192 = arith.constant 0 : i32
      %ne3A_193 = arith.cmpi ne, %rem3A, %ne3A_192 : i32
      %and3A = arith.andi %ne3A, %ne3A_193 : i1
      %sub3A = arith.constant 1 : i32
      %sub3A_194 = arith.subi %div3A, %sub3A : i32
      %select_n3A = arith.select %and3A, %sub3A_194, %div3A : i32
      %jit3A_195 = arith.constant 8 : i32
      %eq3A = arith.constant 0 : i32
      %eq3A_196 = arith.cmpi eq, %jit3A_195, %eq3A : i32
      %jit3A_197 = arith.constant 1 : i32
      %select_n3A_198 = arith.select %eq3A_196, %jit3A_197, %jit3A_195 : i32
      %rem3A_199 = arith.remsi %scan3A_176, %select_n3A_198 : i32
      %ne3A_200 = arith.constant 0 : i32
      %ne3A_201 = arith.cmpi ne, %rem3A_199, %ne3A_200 : i32
      %lt3A = arith.constant 0 : i32
      %lt3A_202 = arith.cmpi slt, %rem3A_199, %lt3A : i32
      %lt3A_203 = arith.constant 0 : i32
      %lt3A_204 = arith.cmpi slt, %select_n3A_198, %lt3A_203 : i32
      %ne3A_205 = arith.xori %lt3A_202, %lt3A_204 : i1
      %and3A_206 = arith.andi %ne3A_205, %ne3A_201 : i1
      %add3A_207 = arith.addi %rem3A_199, %select_n3A_198 : i32
      %select_n3A_208 = arith.select %and3A_206, %add3A_207, %rem3A_199 : i32
      %mul3A_209 = arith.constant 16 : i32
      %mul3A_210 = arith.muli %select_n3A_208, %mul3A_209 : i32
      %swap3A = arith.index_cast %select_n3A : i32 to index
      %swap3A_211 = arith.index_cast %mul3A_210 : i32 to index
      %swap3A_212 = tpu.vector_load %arg9[%swap3A, %swap3A_211] {strides = array<i32>} : memref<64x128xf32, #tpu.memory_space<vmem>>, vector<1x16xf32>,
      %swap3A_213 = vector.shape_cast %swap3A_212 : vector<1x16xf32> to vector<16xf32>
      %swap3A_214 = vector.shape_cast %broadcast_in_dim3A_178 : vector<16xf32> to vector<1x16xf32>
      tpu.vector_store %arg9[%swap3A, %swap3A_211], %swap3A_214 {strides = array<i32>} : memref<64x128xf32, #tpu.memory_space<vmem>>, vector<1x16xf32>,
      %scan3A_215 = arith.constant 0 : i32
      scf.yield %scan3A_215 : i32
    }
    %scan3A_6 = arith.constant 512 : i32
    %mul3A_7 = arith.constant 640 : i32
    %mul3A_8 = arith.muli %arg1, %mul3A_7 : i32
    %add3A_9 = arith.constant 0 : i32
    %add3A_10 = arith.addi %mul3A_8, %add3A_9 : i32
    "tpu.region"() ({
      %run_scoped3A_176 = tpu.sem_alloc : memref<!tpu.dma_semaphore, #tpu.memory_space<semaphore_mem>>
      %dma_start3A_177 = arith.constant 0 : i32
      %dma_start3A_178 = arith.constant 0 : i32
      %dma_start3A_179 = tpu.memref_slice %arg9[%dma_start3A_177, %dma_start3A_178] : memref<64x128xf32, #tpu.memory_space<vmem>> -> memref<64x128xf32, #tpu.memory_space<vmem>>
      %dma_start3A_180 = arith.constant 0 : i32
      %dma_start3A_181 = tpu.memref_slice %arg6[%add3A_10, %dma_start3A_180] : memref<10240x128xf32, #tpu.memory_space<vmem_shared>> -> memref<64x128xf32, #tpu.memory_space<vmem_shared>>
      %dma_start3A_182 = arith.constant 0 : i32
      %dma_start3A_183 = tpu.memref_slice %arg6[%add3A_10, %dma_start3A_182] : memref<10240x128xf32, #tpu.memory_space<vmem_shared>> -> memref<64x128xf32, #tpu.memory_space<vmem_shared>>
      %dma_start3A_184 = arith.constant 0 : i32
      %dma_start3A_185 = arith.constant 0 : i32
      %dma_start3A_186 = tpu.memref_slice %arg9[%dma_start3A_184, %dma_start3A_185] : memref<64x128xf32, #tpu.memory_space<vmem>> -> memref<64x128xf32, #tpu.memory_space<vmem>>
      tpu.enqueue_dma source(%dma_start3A_186 : memref<64x128xf32, #tpu.memory_space<vmem>>) target(%dma_start3A_183 : memref<64x128xf32, #tpu.memory_space<vmem_shared>>) target_semaphore(%run_scoped3A_176 : memref<!tpu.dma_semaphore, #tpu.memory_space<semaphore_mem>>)
      %dma_wait3A_187 = arith.constant 0 : i32
      %dma_wait3A_188 = arith.constant 0 : i32
      %dma_wait3A_189 = tpu.memref_slice %arg9[%dma_wait3A_187, %dma_wait3A_188] : memref<64x128xf32, #tpu.memory_space<vmem>> -> memref<64x128xf32, #tpu.memory_space<vmem>>
      %dma_wait3A_190 = arith.constant 0 : i32
      %dma_wait3A_191 = tpu.memref_slice %arg6[%add3A_10, %dma_wait3A_190] : memref<10240x128xf32, #tpu.memory_space<vmem_shared>> -> memref<64x128xf32, #tpu.memory_space<vmem_shared>>
      %dma_wait3A_192 = arith.constant 0 : i32
      %dma_wait3A_193 = tpu.memref_slice %arg6[%add3A_10, %dma_wait3A_192] : memref<10240x128xf32, #tpu.memory_space<vmem_shared>> -> memref<64x128xf32, #tpu.memory_space<vmem_shared>>
      %dma_wait3A_194 = arith.constant 0 : i32
      %dma_wait3A_195 = arith.constant 0 : i32
      %dma_wait3A_196 = tpu.memref_slice %arg9[%dma_wait3A_194, %dma_wait3A_195] : memref<64x128xf32, #tpu.memory_space<vmem>> -> memref<64x128xf32, #tpu.memory_space<vmem>>
      tpu.wait_dma2 semaphore(%run_scoped3A_176 : memref<!tpu.dma_semaphore, #tpu.memory_space<semaphore_mem>>) src(%dma_wait3A_196 : memref<64x128xf32, #tpu.memory_space<vmem>>) dst(%dma_wait3A_193 : memref<64x128xf32, #tpu.memory_space<vmem_shared>>)
      tpu.yield
    }) : () -> ()
    %mul3A_11 = arith.constant 640 : i32
    %mul3A_12 = arith.muli %arg1, %mul3A_11 : i32
    %add3A_13 = arith.constant 64 : i32
    %add3A_14 = arith.addi %mul3A_12, %add3A_13 : i32
    "tpu.region"() ({
      %run_scoped3A_176 = tpu.sem_alloc : memref<!tpu.dma_semaphore, #tpu.memory_space<semaphore_mem>>
      %dma_start3A_177 = arith.constant 0 : i32
      %dma_start3A_178 = arith.constant 0 : i32
      %dma_start3A_179 = tpu.memref_slice %arg9[%dma_start3A_177, %dma_start3A_178] : memref<64x128xf32, #tpu.memory_space<vmem>> -> memref<64x128xf32, #tpu.memory_space<vmem>>
      %dma_start3A_180 = arith.constant 0 : i32
      %dma_start3A_181 = tpu.memref_slice %arg6[%add3A_14, %dma_start3A_180] : memref<10240x128xf32, #tpu.memory_space<vmem_shared>> -> memref<64x128xf32, #tpu.memory_space<vmem_shared>>
      %dma_start3A_182 = arith.constant 0 : i32
      %dma_start3A_183 = tpu.memref_slice %arg6[%add3A_14, %dma_start3A_182] : memref<10240x128xf32, #tpu.memory_space<vmem_shared>> -> memref<64x128xf32, #tpu.memory_space<vmem_shared>>
      %dma_start3A_184 = arith.constant 0 : i32
      %dma_start3A_185 = arith.constant 0 : i32
      %dma_start3A_186 = tpu.memref_slice %arg9[%dma_start3A_184, %dma_start3A_185] : memref<64x128xf32, #tpu.memory_space<vmem>> -> memref<64x128xf32, #tpu.memory_space<vmem>>
      tpu.enqueue_dma source(%dma_start3A_186 : memref<64x128xf32, #tpu.memory_space<vmem>>) target(%dma_start3A_183 : memref<64x128xf32, #tpu.memory_space<vmem_shared>>) target_semaphore(%run_scoped3A_176 : memref<!tpu.dma_semaphore, #tpu.memory_space<semaphore_mem>>)
      %dma_wait3A_187 = arith.constant 0 : i32
      %dma_wait3A_188 = arith.constant 0 : i32
      %dma_wait3A_189 = tpu.memref_slice %arg9[%dma_wait3A_187, %dma_wait3A_188] : memref<64x128xf32, #tpu.memory_space<vmem>> -> memref<64x128xf32, #tpu.memory_space<vmem>>
      %dma_wait3A_190 = arith.constant 0 : i32
      %dma_wait3A_191 = tpu.memref_slice %arg6[%add3A_14, %dma_wait3A_190] : memref<10240x128xf32, #tpu.memory_space<vmem_shared>> -> memref<64x128xf32, #tpu.memory_space<vmem_shared>>
      %dma_wait3A_192 = arith.constant 0 : i32
      %dma_wait3A_193 = tpu.memref_slice %arg6[%add3A_14, %dma_wait3A_192] : memref<10240x128xf32, #tpu.memory_space<vmem_shared>> -> memref<64x128xf32, #tpu.memory_space<vmem_shared>>
      %dma_wait3A_194 = arith.constant 0 : i32
      %dma_wait3A_195 = arith.constant 0 : i32
      %dma_wait3A_196 = tpu.memref_slice %arg9[%dma_wait3A_194, %dma_wait3A_195] : memref<64x128xf32, #tpu.memory_space<vmem>> -> memref<64x128xf32, #tpu.memory_space<vmem>>
      tpu.wait_dma2 semaphore(%run_scoped3A_176 : memref<!tpu.dma_semaphore, #tpu.memory_space<semaphore_mem>>) src(%dma_wait3A_196 : memref<64x128xf32, #tpu.memory_space<vmem>>) dst(%dma_wait3A_193 : memref<64x128xf32, #tpu.memory_space<vmem_shared>>)
      tpu.yield
    }) : () -> ()
    %mul3A_15 = arith.constant 640 : i32
    %mul3A_16 = arith.muli %arg1, %mul3A_15 : i32
    %add3A_17 = arith.constant 128 : i32
    %add3A_18 = arith.addi %mul3A_16, %add3A_17 : i32
    "tpu.region"() ({
      %run_scoped3A_176 = tpu.sem_alloc : memref<!tpu.dma_semaphore, #tpu.memory_space<semaphore_mem>>
      %dma_start3A_177 = arith.constant 0 : i32
      %dma_start3A_178 = arith.constant 0 : i32
      %dma_start3A_179 = tpu.memref_slice %arg9[%dma_start3A_177, %dma_start3A_178] : memref<64x128xf32, #tpu.memory_space<vmem>> -> memref<64x128xf32, #tpu.memory_space<vmem>>
      %dma_start3A_180 = arith.constant 0 : i32
      %dma_start3A_181 = tpu.memref_slice %arg6[%add3A_18, %dma_start3A_180] : memref<10240x128xf32, #tpu.memory_space<vmem_shared>> -> memref<64x128xf32, #tpu.memory_space<vmem_shared>>
      %dma_start3A_182 = arith.constant 0 : i32
      %dma_start3A_183 = tpu.memref_slice %arg6[%add3A_18, %dma_start3A_182] : memref<10240x128xf32, #tpu.memory_space<vmem_shared>> -> memref<64x128xf32, #tpu.memory_space<vmem_shared>>
      %dma_start3A_184 = arith.constant 0 : i32
      %dma_start3A_185 = arith.constant 0 : i32
      %dma_start3A_186 = tpu.memref_slice %arg9[%dma_start3A_184, %dma_start3A_185] : memref<64x128xf32, #tpu.memory_space<vmem>> -> memref<64x128xf32, #tpu.memory_space<vmem>>
      tpu.enqueue_dma source(%dma_start3A_186 : memref<64x128xf32, #tpu.memory_space<vmem>>) target(%dma_start3A_183 : memref<64x128xf32, #tpu.memory_space<vmem_shared>>) target_semaphore(%run_scoped3A_176 : memref<!tpu.dma_semaphore, #tpu.memory_space<semaphore_mem>>)
      %dma_wait3A_187 = arith.constant 0 : i32
      %dma_wait3A_188 = arith.constant 0 : i32
      %dma_wait3A_189 = tpu.memref_slice %arg9[%dma_wait3A_187, %dma_wait3A_188] : memref<64x128xf32, #tpu.memory_space<vmem>> -> memref<64x128xf32, #tpu.memory_space<vmem>>
      %dma_wait3A_190 = arith.constant 0 : i32
      %dma_wait3A_191 = tpu.memref_slice %arg6[%add3A_18, %dma_wait3A_190] : memref<10240x128xf32, #tpu.memory_space<vmem_shared>> -> memref<64x128xf32, #tpu.memory_space<vmem_shared>>
      %dma_wait3A_192 = arith.constant 0 : i32
      %dma_wait3A_193 = tpu.memref_slice %arg6[%add3A_18, %dma_wait3A_192] : memref<10240x128xf32, #tpu.memory_space<vmem_shared>> -> memref<64x128xf32, #tpu.memory_space<vmem_shared>>
      %dma_wait3A_194 = arith.constant 0 : i32
      %dma_wait3A_195 = arith.constant 0 : i32
      %dma_wait3A_196 = tpu.memref_slice %arg9[%dma_wait3A_194, %dma_wait3A_195] : memref<64x128xf32, #tpu.memory_space<vmem>> -> memref<64x128xf32, #tpu.memory_space<vmem>>
      tpu.wait_dma2 semaphore(%run_scoped3A_176 : memref<!tpu.dma_semaphore, #tpu.memory_space<semaphore_mem>>) src(%dma_wait3A_196 : memref<64x128xf32, #tpu.memory_space<vmem>>) dst(%dma_wait3A_193 : memref<64x128xf32, #tpu.memory_space<vmem_shared>>)
      tpu.yield
    }) : () -> ()
    %mul3A_19 = arith.constant 640 : i32
    %mul3A_20 = arith.muli %arg1, %mul3A_19 : i32
    %add3A_21 = arith.constant 192 : i32
    %add3A_22 = arith.addi %mul3A_20, %add3A_21 : i32
    "tpu.region"() ({
      %run_scoped3A_176 = tpu.sem_alloc : memref<!tpu.dma_semaphore, #tpu.memory_space<semaphore_mem>>
      %dma_start3A_177 = arith.constant 0 : i32
      %dma_start3A_178 = arith.constant 0 : i32
      %dma_start3A_179 = tpu.memref_slice %arg9[%dma_start3A_177, %dma_start3A_178] : memref<64x128xf32, #tpu.memory_space<vmem>> -> memref<64x128xf32, #tpu.memory_space<vmem>>
      %dma_start3A_180 = arith.constant 0 : i32
      %dma_start3A_181 = tpu.memref_slice %arg6[%add3A_22, %dma_start3A_180] : memref<10240x128xf32, #tpu.memory_space<vmem_shared>> -> memref<64x128xf32, #tpu.memory_space<vmem_shared>>
      %dma_start3A_182 = arith.constant 0 : i32
      %dma_start3A_183 = tpu.memref_slice %arg6[%add3A_22, %dma_start3A_182] : memref<10240x128xf32, #tpu.memory_space<vmem_shared>> -> memref<64x128xf32, #tpu.memory_space<vmem_shared>>
      %dma_start3A_184 = arith.constant 0 : i32
      %dma_start3A_185 = arith.constant 0 : i32
      %dma_start3A_186 = tpu.memref_slice %arg9[%dma_start3A_184, %dma_start3A_185] : memref<64x128xf32, #tpu.memory_space<vmem>> -> memref<64x128xf32, #tpu.memory_space<vmem>>
      tpu.enqueue_dma source(%dma_start3A_186 : memref<64x128xf32, #tpu.memory_space<vmem>>) target(%dma_start3A_183 : memref<64x128xf32, #tpu.memory_space<vmem_shared>>) target_semaphore(%run_scoped3A_176 : memref<!tpu.dma_semaphore, #tpu.memory_space<semaphore_mem>>)
      %dma_wait3A_187 = arith.constant 0 : i32
      %dma_wait3A_188 = arith.constant 0 : i32
      %dma_wait3A_189 = tpu.memref_slice %arg9[%dma_wait3A_187, %dma_wait3A_188] : memref<64x128xf32, #tpu.memory_space<vmem>> -> memref<64x128xf32, #tpu.memory_space<vmem>>
      %dma_wait3A_190 = arith.constant 0 : i32
      %dma_wait3A_191 = tpu.memref_slice %arg6[%add3A_22, %dma_wait3A_190] : memref<10240x128xf32, #tpu.memory_space<vmem_shared>> -> memref<64x128xf32, #tpu.memory_space<vmem_shared>>
      %dma_wait3A_192 = arith.constant 0 : i32
      %dma_wait3A_193 = tpu.memref_slice %arg6[%add3A_22, %dma_wait3A_192] : memref<10240x128xf32, #tpu.memory_space<vmem_shared>> -> memref<64x128xf32, #tpu.memory_space<vmem_shared>>
      %dma_wait3A_194 = arith.constant 0 : i32
      %dma_wait3A_195 = arith.constant 0 : i32
      %dma_wait3A_196 = tpu.memref_slice %arg9[%dma_wait3A_194, %dma_wait3A_195] : memref<64x128xf32, #tpu.memory_space<vmem>> -> memref<64x128xf32, #tpu.memory_space<vmem>>
      tpu.wait_dma2 semaphore(%run_scoped3A_176 : memref<!tpu.dma_semaphore, #tpu.memory_space<semaphore_mem>>) src(%dma_wait3A_196 : memref<64x128xf32, #tpu.memory_space<vmem>>) dst(%dma_wait3A_193 : memref<64x128xf32, #tpu.memory_space<vmem_shared>>)
      tpu.yield
    }) : () -> ()
    %mul3A_23 = arith.constant 640 : i32
    %mul3A_24 = arith.muli %arg1, %mul3A_23 : i32
    %add3A_25 = arith.constant 256 : i32
    %add3A_26 = arith.addi %mul3A_24, %add3A_25 : i32
    "tpu.region"() ({
      %run_scoped3A_176 = tpu.sem_alloc : memref<!tpu.dma_semaphore, #tpu.memory_space<semaphore_mem>>
      %dma_start3A_177 = arith.constant 0 : i32
      %dma_start3A_178 = arith.constant 0 : i32
      %dma_start3A_179 = tpu.memref_slice %arg9[%dma_start3A_177, %dma_start3A_178] : memref<64x128xf32, #tpu.memory_space<vmem>> -> memref<64x128xf32, #tpu.memory_space<vmem>>
      %dma_start3A_180 = arith.constant 0 : i32
      %dma_start3A_181 = tpu.memref_slice %arg6[%add3A_26, %dma_start3A_180] : memref<10240x128xf32, #tpu.memory_space<vmem_shared>> -> memref<64x128xf32, #tpu.memory_space<vmem_shared>>
      %dma_start3A_182 = arith.constant 0 : i32
      %dma_start3A_183 = tpu.memref_slice %arg6[%add3A_26, %dma_start3A_182] : memref<10240x128xf32, #tpu.memory_space<vmem_shared>> -> memref<64x128xf32, #tpu.memory_space<vmem_shared>>
      %dma_start3A_184 = arith.constant 0 : i32
      %dma_start3A_185 = arith.constant 0 : i32
      %dma_start3A_186 = tpu.memref_slice %arg9[%dma_start3A_184, %dma_start3A_185] : memref<64x128xf32, #tpu.memory_space<vmem>> -> memref<64x128xf32, #tpu.memory_space<vmem>>
      tpu.enqueue_dma source(%dma_start3A_186 : memref<64x128xf32, #tpu.memory_space<vmem>>) target(%dma_start3A_183 : memref<64x128xf32, #tpu.memory_space<vmem_shared>>) target_semaphore(%run_scoped3A_176 : memref<!tpu.dma_semaphore, #tpu.memory_space<semaphore_mem>>)
      %dma_wait3A_187 = arith.constant 0 : i32
      %dma_wait3A_188 = arith.constant 0 : i32
      %dma_wait3A_189 = tpu.memref_slice %arg9[%dma_wait3A_187, %dma_wait3A_188] : memref<64x128xf32, #tpu.memory_space<vmem>> -> memref<64x128xf32, #tpu.memory_space<vmem>>
      %dma_wait3A_190 = arith.constant 0 : i32
      %dma_wait3A_191 = tpu.memref_slice %arg6[%add3A_26, %dma_wait3A_190] : memref<10240x128xf32, #tpu.memory_space<vmem_shared>> -> memref<64x128xf32, #tpu.memory_space<vmem_shared>>
      %dma_wait3A_192 = arith.constant 0 : i32
      %dma_wait3A_193 = tpu.memref_slice %arg6[%add3A_26, %dma_wait3A_192] : memref<10240x128xf32, #tpu.memory_space<vmem_shared>> -> memref<64x128xf32, #tpu.memory_space<vmem_shared>>
      %dma_wait3A_194 = arith.constant 0 : i32
      %dma_wait3A_195 = arith.constant 0 : i32
      %dma_wait3A_196 = tpu.memref_slice %arg9[%dma_wait3A_194, %dma_wait3A_195] : memref<64x128xf32, #tpu.memory_space<vmem>> -> memref<64x128xf32, #tpu.memory_space<vmem>>
      tpu.wait_dma2 semaphore(%run_scoped3A_176 : memref<!tpu.dma_semaphore, #tpu.memory_space<semaphore_mem>>) src(%dma_wait3A_196 : memref<64x128xf32, #tpu.memory_space<vmem>>) dst(%dma_wait3A_193 : memref<64x128xf32, #tpu.memory_space<vmem_shared>>)
      tpu.yield
    }) : () -> ()
    %mul3A_27 = arith.constant 640 : i32
    %mul3A_28 = arith.muli %arg1, %mul3A_27 : i32
    %add3A_29 = arith.constant 320 : i32
    %add3A_30 = arith.addi %mul3A_28, %add3A_29 : i32
    "tpu.region"() ({
      %run_scoped3A_176 = tpu.sem_alloc : memref<!tpu.dma_semaphore, #tpu.memory_space<semaphore_mem>>
      %dma_start3A_177 = arith.constant 0 : i32
      %dma_start3A_178 = arith.constant 0 : i32
      %dma_start3A_179 = tpu.memref_slice %arg9[%dma_start3A_177, %dma_start3A_178] : memref<64x128xf32, #tpu.memory_space<vmem>> -> memref<64x128xf32, #tpu.memory_space<vmem>>
      %dma_start3A_180 = arith.constant 0 : i32
      %dma_start3A_181 = tpu.memref_slice %arg6[%add3A_30, %dma_start3A_180] : memref<10240x128xf32, #tpu.memory_space<vmem_shared>> -> memref<64x128xf32, #tpu.memory_space<vmem_shared>>
      %dma_start3A_182 = arith.constant 0 : i32
      %dma_start3A_183 = tpu.memref_slice %arg6[%add3A_30, %dma_start3A_182] : memref<10240x128xf32, #tpu.memory_space<vmem_shared>> -> memref<64x128xf32, #tpu.memory_space<vmem_shared>>
      %dma_start3A_184 = arith.constant 0 : i32
      %dma_start3A_185 = arith.constant 0 : i32
      %dma_start3A_186 = tpu.memref_slice %arg9[%dma_start3A_184, %dma_start3A_185] : memref<64x128xf32, #tpu.memory_space<vmem>> -> memref<64x128xf32, #tpu.memory_space<vmem>>
      tpu.enqueue_dma source(%dma_start3A_186 : memref<64x128xf32, #tpu.memory_space<vmem>>) target(%dma_start3A_183 : memref<64x128xf32, #tpu.memory_space<vmem_shared>>) target_semaphore(%run_scoped3A_176 : memref<!tpu.dma_semaphore, #tpu.memory_space<semaphore_mem>>)
      %dma_wait3A_187 = arith.constant 0 : i32
      %dma_wait3A_188 = arith.constant 0 : i32
      %dma_wait3A_189 = tpu.memref_slice %arg9[%dma_wait3A_187, %dma_wait3A_188] : memref<64x128xf32, #tpu.memory_space<vmem>> -> memref<64x128xf32, #tpu.memory_space<vmem>>
      %dma_wait3A_190 = arith.constant 0 : i32
      %dma_wait3A_191 = tpu.memref_slice %arg6[%add3A_30, %dma_wait3A_190] : memref<10240x128xf32, #tpu.memory_space<vmem_shared>> -> memref<64x128xf32, #tpu.memory_space<vmem_shared>>
      %dma_wait3A_192 = arith.constant 0 : i32
      %dma_wait3A_193 = tpu.memref_slice %arg6[%add3A_30, %dma_wait3A_192] : memref<10240x128xf32, #tpu.memory_space<vmem_shared>> -> memref<64x128xf32, #tpu.memory_space<vmem_shared>>
      %dma_wait3A_194 = arith.constant 0 : i32
      %dma_wait3A_195 = arith.constant 0 : i32
      %dma_wait3A_196 = tpu.memref_slice %arg9[%dma_wait3A_194, %dma_wait3A_195] : memref<64x128xf32, #tpu.memory_space<vmem>> -> memref<64x128xf32, #tpu.memory_space<vmem>>
      tpu.wait_dma2 semaphore(%run_scoped3A_176 : memref<!tpu.dma_semaphore, #tpu.memory_space<semaphore_mem>>) src(%dma_wait3A_196 : memref<64x128xf32, #tpu.memory_space<vmem>>) dst(%dma_wait3A_193 : memref<64x128xf32, #tpu.memory_space<vmem_shared>>)
      tpu.yield
    }) : () -> ()
    %mul3A_31 = arith.constant 640 : i32
    %mul3A_32 = arith.muli %arg1, %mul3A_31 : i32
    %add3A_33 = arith.constant 384 : i32
    %add3A_34 = arith.addi %mul3A_32, %add3A_33 : i32
    "tpu.region"() ({
      %run_scoped3A_176 = tpu.sem_alloc : memref<!tpu.dma_semaphore, #tpu.memory_space<semaphore_mem>>
      %dma_start3A_177 = arith.constant 0 : i32
      %dma_start3A_178 = arith.constant 0 : i32
      %dma_start3A_179 = tpu.memref_slice %arg9[%dma_start3A_177, %dma_start3A_178] : memref<64x128xf32, #tpu.memory_space<vmem>> -> memref<64x128xf32, #tpu.memory_space<vmem>>
      %dma_start3A_180 = arith.constant 0 : i32
      %dma_start3A_181 = tpu.memref_slice %arg6[%add3A_34, %dma_start3A_180] : memref<10240x128xf32, #tpu.memory_space<vmem_shared>> -> memref<64x128xf32, #tpu.memory_space<vmem_shared>>
      %dma_start3A_182 = arith.constant 0 : i32
      %dma_start3A_183 = tpu.memref_slice %arg6[%add3A_34, %dma_start3A_182] : memref<10240x128xf32, #tpu.memory_space<vmem_shared>> -> memref<64x128xf32, #tpu.memory_space<vmem_shared>>
      %dma_start3A_184 = arith.constant 0 : i32
      %dma_start3A_185 = arith.constant 0 : i32
      %dma_start3A_186 = tpu.memref_slice %arg9[%dma_start3A_184, %dma_start3A_185] : memref<64x128xf32, #tpu.memory_space<vmem>> -> memref<64x128xf32, #tpu.memory_space<vmem>>
      tpu.enqueue_dma source(%dma_start3A_186 : memref<64x128xf32, #tpu.memory_space<vmem>>) target(%dma_start3A_183 : memref<64x128xf32, #tpu.memory_space<vmem_shared>>) target_semaphore(%run_scoped3A_176 : memref<!tpu.dma_semaphore, #tpu.memory_space<semaphore_mem>>)
      %dma_wait3A_187 = arith.constant 0 : i32
      %dma_wait3A_188 = arith.constant 0 : i32
      %dma_wait3A_189 = tpu.memref_slice %arg9[%dma_wait3A_187, %dma_wait3A_188] : memref<64x128xf32, #tpu.memory_space<vmem>> -> memref<64x128xf32, #tpu.memory_space<vmem>>
      %dma_wait3A_190 = arith.constant 0 : i32
      %dma_wait3A_191 = tpu.memref_slice %arg6[%add3A_34, %dma_wait3A_190] : memref<10240x128xf32, #tpu.memory_space<vmem_shared>> -> memref<64x128xf32, #tpu.memory_space<vmem_shared>>
      %dma_wait3A_192 = arith.constant 0 : i32
      %dma_wait3A_193 = tpu.memref_slice %arg6[%add3A_34, %dma_wait3A_192] : memref<10240x128xf32, #tpu.memory_space<vmem_shared>> -> memref<64x128xf32, #tpu.memory_space<vmem_shared>>
      %dma_wait3A_194 = arith.constant 0 : i32
      %dma_wait3A_195 = arith.constant 0 : i32
      %dma_wait3A_196 = tpu.memref_slice %arg9[%dma_wait3A_194, %dma_wait3A_195] : memref<64x128xf32, #tpu.memory_space<vmem>> -> memref<64x128xf32, #tpu.memory_space<vmem>>
      tpu.wait_dma2 semaphore(%run_scoped3A_176 : memref<!tpu.dma_semaphore, #tpu.memory_space<semaphore_mem>>) src(%dma_wait3A_196 : memref<64x128xf32, #tpu.memory_space<vmem>>) dst(%dma_wait3A_193 : memref<64x128xf32, #tpu.memory_space<vmem_shared>>)
      tpu.yield
    }) : () -> ()
    %mul3A_35 = arith.constant 640 : i32
    %mul3A_36 = arith.muli %arg1, %mul3A_35 : i32
    %add3A_37 = arith.constant 448 : i32
    %add3A_38 = arith.addi %mul3A_36, %add3A_37 : i32
    "tpu.region"() ({
      %run_scoped3A_176 = tpu.sem_alloc : memref<!tpu.dma_semaphore, #tpu.memory_space<semaphore_mem>>
      %dma_start3A_177 = arith.constant 0 : i32
      %dma_start3A_178 = arith.constant 0 : i32
      %dma_start3A_179 = tpu.memref_slice %arg9[%dma_start3A_177, %dma_start3A_178] : memref<64x128xf32, #tpu.memory_space<vmem>> -> memref<64x128xf32, #tpu.memory_space<vmem>>
      %dma_start3A_180 = arith.constant 0 : i32
      %dma_start3A_181 = tpu.memref_slice %arg6[%add3A_38, %dma_start3A_180] : memref<10240x128xf32, #tpu.memory_space<vmem_shared>> -> memref<64x128xf32, #tpu.memory_space<vmem_shared>>
      %dma_start3A_182 = arith.constant 0 : i32
      %dma_start3A_183 = tpu.memref_slice %arg6[%add3A_38, %dma_start3A_182] : memref<10240x128xf32, #tpu.memory_space<vmem_shared>> -> memref<64x128xf32, #tpu.memory_space<vmem_shared>>
      %dma_start3A_184 = arith.constant 0 : i32
      %dma_start3A_185 = arith.constant 0 : i32
      %dma_start3A_186 = tpu.memref_slice %arg9[%dma_start3A_184, %dma_start3A_185] : memref<64x128xf32, #tpu.memory_space<vmem>> -> memref<64x128xf32, #tpu.memory_space<vmem>>
      tpu.enqueue_dma source(%dma_start3A_186 : memref<64x128xf32, #tpu.memory_space<vmem>>) target(%dma_start3A_183 : memref<64x128xf32, #tpu.memory_space<vmem_shared>>) target_semaphore(%run_scoped3A_176 : memref<!tpu.dma_semaphore, #tpu.memory_space<semaphore_mem>>)
      %dma_wait3A_187 = arith.constant 0 : i32
      %dma_wait3A_188 = arith.constant 0 : i32
      %dma_wait3A_189 = tpu.memref_slice %arg9[%dma_wait3A_187, %dma_wait3A_188] : memref<64x128xf32, #tpu.memory_space<vmem>> -> memref<64x128xf32, #tpu.memory_space<vmem>>
      %dma_wait3A_190 = arith.constant 0 : i32
      %dma_wait3A_191 = tpu.memref_slice %arg6[%add3A_38, %dma_wait3A_190] : memref<10240x128xf32, #tpu.memory_space<vmem_shared>> -> memref<64x128xf32, #tpu.memory_space<vmem_shared>>
      %dma_wait3A_192 = arith.constant 0 : i32
      %dma_wait3A_193 = tpu.memref_slice %arg6[%add3A_38, %dma_wait3A_192] : memref<10240x128xf32, #tpu.memory_space<vmem_shared>> -> memref<64x128xf32, #tpu.memory_space<vmem_shared>>
      %dma_wait3A_194 = arith.constant 0 : i32
      %dma_wait3A_195 = arith.constant 0 : i32
      %dma_wait3A_196 = tpu.memref_slice %arg9[%dma_wait3A_194, %dma_wait3A_195] : memref<64x128xf32, #tpu.memory_space<vmem>> -> memref<64x128xf32, #tpu.memory_space<vmem>>
      tpu.wait_dma2 semaphore(%run_scoped3A_176 : memref<!tpu.dma_semaphore, #tpu.memory_space<semaphore_mem>>) src(%dma_wait3A_196 : memref<64x128xf32, #tpu.memory_space<vmem>>) dst(%dma_wait3A_193 : memref<64x128xf32, #tpu.memory_space<vmem_shared>>)
      tpu.yield
    }) : () -> ()
    %mul3A_39 = arith.constant 640 : i32
    %mul3A_40 = arith.muli %arg1, %mul3A_39 : i32
    %add3A_41 = arith.constant 512 : i32
    %add3A_42 = arith.addi %mul3A_40, %add3A_41 : i32
    "tpu.region"() ({
      %run_scoped3A_176 = tpu.sem_alloc : memref<!tpu.dma_semaphore, #tpu.memory_space<semaphore_mem>>
      %dma_start3A_177 = arith.constant 0 : i32
      %dma_start3A_178 = arith.constant 0 : i32
      %dma_start3A_179 = tpu.memref_slice %arg9[%dma_start3A_177, %dma_start3A_178] : memref<64x128xf32, #tpu.memory_space<vmem>> -> memref<64x128xf32, #tpu.memory_space<vmem>>
      %dma_start3A_180 = arith.constant 0 : i32
      %dma_start3A_181 = tpu.memref_slice %arg6[%add3A_42, %dma_start3A_180] : memref<10240x128xf32, #tpu.memory_space<vmem_shared>> -> memref<64x128xf32, #tpu.memory_space<vmem_shared>>
      %dma_start3A_182 = arith.constant 0 : i32
      %dma_start3A_183 = tpu.memref_slice %arg6[%add3A_42, %dma_start3A_182] : memref<10240x128xf32, #tpu.memory_space<vmem_shared>> -> memref<64x128xf32, #tpu.memory_space<vmem_shared>>
      %dma_start3A_184 = arith.constant 0 : i32
      %dma_start3A_185 = arith.constant 0 : i32
      %dma_start3A_186 = tpu.memref_slice %arg9[%dma_start3A_184, %dma_start3A_185] : memref<64x128xf32, #tpu.memory_space<vmem>> -> memref<64x128xf32, #tpu.memory_space<vmem>>
      tpu.enqueue_dma source(%dma_start3A_186 : memref<64x128xf32, #tpu.memory_space<vmem>>) target(%dma_start3A_183 : memref<64x128xf32, #tpu.memory_space<vmem_shared>>) target_semaphore(%run_scoped3A_176 : memref<!tpu.dma_semaphore, #tpu.memory_space<semaphore_mem>>)
      %dma_wait3A_187 = arith.constant 0 : i32
      %dma_wait3A_188 = arith.constant 0 : i32
      %dma_wait3A_189 = tpu.memref_slice %arg9[%dma_wait3A_187, %dma_wait3A_188] : memref<64x128xf32, #tpu.memory_space<vmem>> -> memref<64x128xf32, #tpu.memory_space<vmem>>
      %dma_wait3A_190 = arith.constant 0 : i32
      %dma_wait3A_191 = tpu.memref_slice %arg6[%add3A_42, %dma_wait3A_190] : memref<10240x128xf32, #tpu.memory_space<vmem_shared>> -> memref<64x128xf32, #tpu.memory_space<vmem_shared>>
      %dma_wait3A_192 = arith.constant 0 : i32
      %dma_wait3A_193 = tpu.memref_slice %arg6[%add3A_42, %dma_wait3A_192] : memref<10240x128xf32, #tpu.memory_space<vmem_shared>> -> memref<64x128xf32, #tpu.memory_space<vmem_shared>>
      %dma_wait3A_194 = arith.constant 0 : i32
      %dma_wait3A_195 = arith.constant 0 : i32
      %dma_wait3A_196 = tpu.memref_slice %arg9[%dma_wait3A_194, %dma_wait3A_195] : memref<64x128xf32, #tpu.memory_space<vmem>> -> memref<64x128xf32, #tpu.memory_space<vmem>>
      tpu.wait_dma2 semaphore(%run_scoped3A_176 : memref<!tpu.dma_semaphore, #tpu.memory_space<semaphore_mem>>) src(%dma_wait3A_196 : memref<64x128xf32, #tpu.memory_space<vmem>>) dst(%dma_wait3A_193 : memref<64x128xf32, #tpu.memory_space<vmem_shared>>)
      tpu.yield
    }) : () -> ()
    %mul3A_43 = arith.constant 640 : i32
    %mul3A_44 = arith.muli %arg1, %mul3A_43 : i32
    %add3A_45 = arith.constant 576 : i32
    %add3A_46 = arith.addi %mul3A_44, %add3A_45 : i32
    "tpu.region"() ({
      %run_scoped3A_176 = tpu.sem_alloc : memref<!tpu.dma_semaphore, #tpu.memory_space<semaphore_mem>>
      %dma_start3A_177 = arith.constant 0 : i32
      %dma_start3A_178 = arith.constant 0 : i32
      %dma_start3A_179 = tpu.memref_slice %arg9[%dma_start3A_177, %dma_start3A_178] : memref<64x128xf32, #tpu.memory_space<vmem>> -> memref<64x128xf32, #tpu.memory_space<vmem>>
      %dma_start3A_180 = arith.constant 0 : i32
      %dma_start3A_181 = tpu.memref_slice %arg6[%add3A_46, %dma_start3A_180] : memref<10240x128xf32, #tpu.memory_space<vmem_shared>> -> memref<64x128xf32, #tpu.memory_space<vmem_shared>>
      %dma_start3A_182 = arith.constant 0 : i32
      %dma_start3A_183 = tpu.memref_slice %arg6[%add3A_46, %dma_start3A_182] : memref<10240x128xf32, #tpu.memory_space<vmem_shared>> -> memref<64x128xf32, #tpu.memory_space<vmem_shared>>
      %dma_start3A_184 = arith.constant 0 : i32
      %dma_start3A_185 = arith.constant 0 : i32
      %dma_start3A_186 = tpu.memref_slice %arg9[%dma_start3A_184, %dma_start3A_185] : memref<64x128xf32, #tpu.memory_space<vmem>> -> memref<64x128xf32, #tpu.memory_space<vmem>>
      tpu.enqueue_dma source(%dma_start3A_186 : memref<64x128xf32, #tpu.memory_space<vmem>>) target(%dma_start3A_183 : memref<64x128xf32, #tpu.memory_space<vmem_shared>>) target_semaphore(%run_scoped3A_176 : memref<!tpu.dma_semaphore, #tpu.memory_space<semaphore_mem>>)
      %dma_wait3A_187 = arith.constant 0 : i32
      %dma_wait3A_188 = arith.constant 0 : i32
      %dma_wait3A_189 = tpu.memref_slice %arg9[%dma_wait3A_187, %dma_wait3A_188] : memref<64x128xf32, #tpu.memory_space<vmem>> -> memref<64x128xf32, #tpu.memory_space<vmem>>
      %dma_wait3A_190 = arith.constant 0 : i32
      %dma_wait3A_191 = tpu.memref_slice %arg6[%add3A_46, %dma_wait3A_190] : memref<10240x128xf32, #tpu.memory_space<vmem_shared>> -> memref<64x128xf32, #tpu.memory_space<vmem_shared>>
      %dma_wait3A_192 = arith.constant 0 : i32
      %dma_wait3A_193 = tpu.memref_slice %arg6[%add3A_46, %dma_wait3A_192] : memref<10240x128xf32, #tpu.memory_space<vmem_shared>> -> memref<64x128xf32, #tpu.memory_space<vmem_shared>>
      %dma_wait3A_194 = arith.constant 0 : i32
      %dma_wait3A_195 = arith.constant 0 : i32
      %dma_wait3A_196 = tpu.memref_slice %arg9[%dma_wait3A_194, %dma_wait3A_195] : memref<64x128xf32, #tpu.memory_space<vmem>> -> memref<64x128xf32, #tpu.memory_space<vmem>>
      tpu.wait_dma2 semaphore(%run_scoped3A_176 : memref<!tpu.dma_semaphore, #tpu.memory_space<semaphore_mem>>) src(%dma_wait3A_196 : memref<64x128xf32, #tpu.memory_space<vmem>>) dst(%dma_wait3A_193 : memref<64x128xf32, #tpu.memory_space<vmem_shared>>)
      tpu.yield
    }) : () -> ()
    %run_scoped3A = arith.constant 0 : i32
    %run_scoped3A_47 = arith.constant 0 : i32
    "tpu.region"() ({
      %run_scoped3A_176 = tpu.sem_alloc : memref<!tpu.dma_semaphore, #tpu.memory_space<semaphore_mem>>
      %dma_start3A_177 = arith.constant 0 : i32
      %dma_start3A_178 = arith.constant 0 : i32
      %dma_start3A_179 = tpu.memref_slice %arg7[%run_scoped3A_47, %dma_start3A_177, %dma_start3A_178] : memref<2x10x64xi32, #tpu.memory_space<vmem>> -> memref<1x10x64xi32, #tpu.memory_space<vmem>>
      %dma_start3A_180 = tpu.memref_squeeze %dma_start3A_179 : memref<1x10x64xi32, #tpu.memory_space<vmem>> -> memref<10x64xi32, #tpu.memory_space<vmem>>
      %dma_start3A_181 = arith.constant 0 : i32
      %dma_start3A_182 = arith.constant 0 : i32
      %dma_start3A_183 = tpu.memref_slice %arg3[%add3A, %run_scoped3A, %dma_start3A_181, %dma_start3A_182] : memref<32x16x10x64xi32, #tpu.memory_space<hbm>> -> memref<1x1x10x64xi32, #tpu.memory_space<hbm>>
      %dma_start3A_184 = tpu.memref_squeeze %dma_start3A_183 : memref<1x1x10x64xi32, #tpu.memory_space<hbm>> -> memref<10x64xi32, #tpu.memory_space<hbm>>
      %dma_start3A_185 = arith.constant 0 : i32
      %dma_start3A_186 = arith.constant 0 : i32
      %dma_start3A_187 = tpu.memref_slice %arg7[%run_scoped3A_47, %dma_start3A_185, %dma_start3A_186] : memref<2x10x64xi32, #tpu.memory_space<vmem>> -> memref<1x10x64xi32, #tpu.memory_space<vmem>>
      %dma_start3A_188 = tpu.memref_squeeze %dma_start3A_187 : memref<1x10x64xi32, #tpu.memory_space<vmem>> -> memref<10x64xi32, #tpu.memory_space<vmem>>
      %dma_start3A_189 = arith.constant 0 : i32
      %dma_start3A_190 = arith.constant 0 : i32
      %dma_start3A_191 = tpu.memref_slice %arg3[%add3A, %run_scoped3A, %dma_start3A_189, %dma_start3A_190] : memref<32x16x10x64xi32, #tpu.memory_space<hbm>> -> memref<1x1x10x64xi32, #tpu.memory_space<hbm>>
      %dma_start3A_192 = tpu.memref_squeeze %dma_start3A_191 : memref<1x1x10x64xi32, #tpu.memory_space<hbm>> -> memref<10x64xi32, #tpu.memory_space<hbm>>
      tpu.enqueue_dma source(%dma_start3A_192 : memref<10x64xi32, #tpu.memory_space<hbm>>) target(%dma_start3A_188 : memref<10x64xi32, #tpu.memory_space<vmem>>) target_semaphore(%run_scoped3A_176 : memref<!tpu.dma_semaphore, #tpu.memory_space<semaphore_mem>>)
      %dma_wait3A_193 = arith.constant 0 : i32
      %dma_wait3A_194 = arith.constant 0 : i32
      %dma_wait3A_195 = tpu.memref_slice %arg7[%run_scoped3A_47, %dma_wait3A_193, %dma_wait3A_194] : memref<2x10x64xi32, #tpu.memory_space<vmem>> -> memref<1x10x64xi32, #tpu.memory_space<vmem>>
      %dma_wait3A_196 = tpu.memref_squeeze %dma_wait3A_195 : memref<1x10x64xi32, #tpu.memory_space<vmem>> -> memref<10x64xi32, #tpu.memory_space<vmem>>
      %dma_wait3A_197 = arith.constant 0 : i32
      %dma_wait3A_198 = arith.constant 0 : i32
      %dma_wait3A_199 = tpu.memref_slice %arg3[%add3A, %run_scoped3A, %dma_wait3A_197, %dma_wait3A_198] : memref<32x16x10x64xi32, #tpu.memory_space<hbm>> -> memref<1x1x10x64xi32, #tpu.memory_space<hbm>>
      %dma_wait3A_200 = tpu.memref_squeeze %dma_wait3A_199 : memref<1x1x10x64xi32, #tpu.memory_space<hbm>> -> memref<10x64xi32, #tpu.memory_space<hbm>>
      %dma_wait3A_201 = arith.constant 0 : i32
      %dma_wait3A_202 = arith.constant 0 : i32
      %dma_wait3A_203 = tpu.memref_slice %arg7[%run_scoped3A_47, %dma_wait3A_201, %dma_wait3A_202] : memref<2x10x64xi32, #tpu.memory_space<vmem>> -> memref<1x10x64xi32, #tpu.memory_space<vmem>>
      %dma_wait3A_204 = tpu.memref_squeeze %dma_wait3A_203 : memref<1x10x64xi32, #tpu.memory_space<vmem>> -> memref<10x64xi32, #tpu.memory_space<vmem>>
      %dma_wait3A_205 = arith.constant 0 : i32
      %dma_wait3A_206 = arith.constant 0 : i32
      %dma_wait3A_207 = tpu.memref_slice %arg3[%add3A, %run_scoped3A, %dma_wait3A_205, %dma_wait3A_206] : memref<32x16x10x64xi32, #tpu.memory_space<hbm>> -> memref<1x1x10x64xi32, #tpu.memory_space<hbm>>
      %dma_wait3A_208 = tpu.memref_squeeze %dma_wait3A_207 : memref<1x1x10x64xi32, #tpu.memory_space<hbm>> -> memref<10x64xi32, #tpu.memory_space<hbm>>
      tpu.wait_dma2 semaphore(%run_scoped3A_176 : memref<!tpu.dma_semaphore, #tpu.memory_space<semaphore_mem>>) src(%dma_wait3A_208 : memref<10x64xi32, #tpu.memory_space<hbm>>) dst(%dma_wait3A_204 : memref<10x64xi32, #tpu.memory_space<vmem>>)
      tpu.yield
    }) : () -> ()
    %run_scoped3A_48 = arith.constant 0 : i32
    %run_scoped3A_49 = arith.constant 0 : i32
    "tpu.region"() ({
      %run_scoped3A_176 = tpu.sem_alloc : memref<!tpu.dma_semaphore, #tpu.memory_space<semaphore_mem>>
      %dma_start3A_177 = arith.constant 0 : i32
      %dma_start3A_178 = arith.constant 0 : i32
      %dma_start3A_179 = tpu.memref_slice %arg8[%run_scoped3A_49, %dma_start3A_177, %dma_start3A_178] : memref<2x10x64xi32, #tpu.memory_space<vmem>> -> memref<1x10x64xi32, #tpu.memory_space<vmem>>
      %dma_start3A_180 = tpu.memref_squeeze %dma_start3A_179 : memref<1x10x64xi32, #tpu.memory_space<vmem>> -> memref<10x64xi32, #tpu.memory_space<vmem>>
      %dma_start3A_181 = arith.constant 0 : i32
      %dma_start3A_182 = arith.constant 0 : i32
      %dma_start3A_183 = tpu.memref_slice %arg4[%add3A, %run_scoped3A_48, %dma_start3A_181, %dma_start3A_182] : memref<32x16x10x64xi32, #tpu.memory_space<hbm>> -> memref<1x1x10x64xi32, #tpu.memory_space<hbm>>
      %dma_start3A_184 = tpu.memref_squeeze %dma_start3A_183 : memref<1x1x10x64xi32, #tpu.memory_space<hbm>> -> memref<10x64xi32, #tpu.memory_space<hbm>>
      %dma_start3A_185 = arith.constant 0 : i32
      %dma_start3A_186 = arith.constant 0 : i32
      %dma_start3A_187 = tpu.memref_slice %arg8[%run_scoped3A_49, %dma_start3A_185, %dma_start3A_186] : memref<2x10x64xi32, #tpu.memory_space<vmem>> -> memref<1x10x64xi32, #tpu.memory_space<vmem>>
      %dma_start3A_188 = tpu.memref_squeeze %dma_start3A_187 : memref<1x10x64xi32, #tpu.memory_space<vmem>> -> memref<10x64xi32, #tpu.memory_space<vmem>>
      %dma_start3A_189 = arith.constant 0 : i32
      %dma_start3A_190 = arith.constant 0 : i32
      %dma_start3A_191 = tpu.memref_slice %arg4[%add3A, %run_scoped3A_48, %dma_start3A_189, %dma_start3A_190] : memref<32x16x10x64xi32, #tpu.memory_space<hbm>> -> memref<1x1x10x64xi32, #tpu.memory_space<hbm>>
      %dma_start3A_192 = tpu.memref_squeeze %dma_start3A_191 : memref<1x1x10x64xi32, #tpu.memory_space<hbm>> -> memref<10x64xi32, #tpu.memory_space<hbm>>
      tpu.enqueue_dma source(%dma_start3A_192 : memref<10x64xi32, #tpu.memory_space<hbm>>) target(%dma_start3A_188 : memref<10x64xi32, #tpu.memory_space<vmem>>) target_semaphore(%run_scoped3A_176 : memref<!tpu.dma_semaphore, #tpu.memory_space<semaphore_mem>>)
      %dma_wait3A_193 = arith.constant 0 : i32
      %dma_wait3A_194 = arith.constant 0 : i32
      %dma_wait3A_195 = tpu.memref_slice %arg8[%run_scoped3A_49, %dma_wait3A_193, %dma_wait3A_194] : memref<2x10x64xi32, #tpu.memory_space<vmem>> -> memref<1x10x64xi32, #tpu.memory_space<vmem>>
      %dma_wait3A_196 = tpu.memref_squeeze %dma_wait3A_195 : memref<1x10x64xi32, #tpu.memory_space<vmem>> -> memref<10x64xi32, #tpu.memory_space<vmem>>
      %dma_wait3A_197 = arith.constant 0 : i32
      %dma_wait3A_198 = arith.constant 0 : i32
      %dma_wait3A_199 = tpu.memref_slice %arg4[%add3A, %run_scoped3A_48, %dma_wait3A_197, %dma_wait3A_198] : memref<32x16x10x64xi32, #tpu.memory_space<hbm>> -> memref<1x1x10x64xi32, #tpu.memory_space<hbm>>
      %dma_wait3A_200 = tpu.memref_squeeze %dma_wait3A_199 : memref<1x1x10x64xi32, #tpu.memory_space<hbm>> -> memref<10x64xi32, #tpu.memory_space<hbm>>
      %dma_wait3A_201 = arith.constant 0 : i32
      %dma_wait3A_202 = arith.constant 0 : i32
      %dma_wait3A_203 = tpu.memref_slice %arg8[%run_scoped3A_49, %dma_wait3A_201, %dma_wait3A_202] : memref<2x10x64xi32, #tpu.memory_space<vmem>> -> memref<1x10x64xi32, #tpu.memory_space<vmem>>
      %dma_wait3A_204 = tpu.memref_squeeze %dma_wait3A_203 : memref<1x10x64xi32, #tpu.memory_space<vmem>> -> memref<10x64xi32, #tpu.memory_space<vmem>>
      %dma_wait3A_205 = arith.constant 0 : i32
      %dma_wait3A_206 = arith.constant 0 : i32
      %dma_wait3A_207 = tpu.memref_slice %arg4[%add3A, %run_scoped3A_48, %dma_wait3A_205, %dma_wait3A_206] : memref<32x16x10x64xi32, #tpu.memory_space<hbm>> -> memref<1x1x10x64xi32, #tpu.memory_space<hbm>>
      %dma_wait3A_208 = tpu.memref_squeeze %dma_wait3A_207 : memref<1x1x10x64xi32, #tpu.memory_space<hbm>> -> memref<10x64xi32, #tpu.memory_space<hbm>>
      tpu.wait_dma2 semaphore(%run_scoped3A_176 : memref<!tpu.dma_semaphore, #tpu.memory_space<semaphore_mem>>) src(%dma_wait3A_208 : memref<10x64xi32, #tpu.memory_space<hbm>>) dst(%dma_wait3A_204 : memref<10x64xi32, #tpu.memory_space<vmem>>)
      tpu.yield
    }) : () -> ()
    %barrier3A = arith.constant 0 : index
    tpu.barrier barrier_id(%barrier3A)
    %dma_start3A = arith.constant 0 : i32
    %dma_start3A_50 = arith.constant 0 : i32
    %dma_start3A_51 = arith.constant 0 : i32
    %dma_start3A_52 = tpu.memref_slice %arg7[%dma_start3A, %dma_start3A_50, %dma_start3A_51] : memref<2x10x64xi32, #tpu.memory_space<vmem>> -> memref<1x1x64xi32, #tpu.memory_space<vmem>>
    %dma_start3A_53 = tpu.memref_squeeze %dma_start3A_52 : memref<1x1x64xi32, #tpu.memory_space<vmem>> -> memref<64xi32, #tpu.memory_space<vmem>>
    %dma_start3A_54 = arith.constant 0 : i32
    %dma_start3A_55 = arith.constant 0 : i32
    %dma_start3A_56 = tpu.memref_slice %arg2[%dma_start3A_54, %dma_start3A_55] : memref<10240x128xf32, #tpu.memory_space<hbm>> -> memref<10240x128xf32, #tpu.memory_space<hbm>>
    tpu.enqueue_indirect_dma source(%dma_start3A_56 : memref<10240x128xf32, #tpu.memory_space<hbm>>) target(%arg9 : memref<64x128xf32, #tpu.memory_space<vmem>>) offsets(%dma_start3A_53 : memref<64xi32, #tpu.memory_space<vmem>>) semaphore(%arg16 : memref<!tpu.dma_semaphore, #tpu.memory_space<semaphore_mem>>)
    %dma_start3A_57 = arith.constant 0 : i32
    %dma_start3A_58 = arith.constant 1 : i32
    %dma_start3A_59 = arith.constant 0 : i32
    %dma_start3A_60 = tpu.memref_slice %arg7[%dma_start3A_57, %dma_start3A_58, %dma_start3A_59] : memref<2x10x64xi32, #tpu.memory_space<vmem>> -> memref<1x1x64xi32, #tpu.memory_space<vmem>>
    %dma_start3A_61 = tpu.memref_squeeze %dma_start3A_60 : memref<1x1x64xi32, #tpu.memory_space<vmem>> -> memref<64xi32, #tpu.memory_space<vmem>>
    %dma_start3A_62 = arith.constant 0 : i32
    %dma_start3A_63 = arith.constant 0 : i32
    %dma_start3A_64 = tpu.memref_slice %arg2[%dma_start3A_62, %dma_start3A_63] : memref<10240x128xf32, #tpu.memory_space<hbm>> -> memref<10240x128xf32, #tpu.memory_space<hbm>>
    tpu.enqueue_indirect_dma source(%dma_start3A_64 : memref<10240x128xf32, #tpu.memory_space<hbm>>) target(%arg10 : memref<64x128xf32, #tpu.memory_space<vmem>>) offsets(%dma_start3A_61 : memref<64xi32, #tpu.memory_space<vmem>>) semaphore(%arg17 : memref<!tpu.dma_semaphore, #tpu.memory_space<semaphore_mem>>)
    %dma_start3A_65 = arith.constant 0 : i32
    %dma_start3A_66 = arith.constant 2 : i32
    %dma_start3A_67 = arith.constant 0 : i32
    %dma_start3A_68 = tpu.memref_slice %arg7[%dma_start3A_65, %dma_start3A_66, %dma_start3A_67] : memref<2x10x64xi32, #tpu.memory_space<vmem>> -> memref<1x1x64xi32, #tpu.memory_space<vmem>>
    %dma_start3A_69 = tpu.memref_squeeze %dma_start3A_68 : memref<1x1x64xi32, #tpu.memory_space<vmem>> -> memref<64xi32, #tpu.memory_space<vmem>>
    %dma_start3A_70 = arith.constant 0 : i32
    %dma_start3A_71 = arith.constant 0 : i32
    %dma_start3A_72 = tpu.memref_slice %arg2[%dma_start3A_70, %dma_start3A_71] : memref<10240x128xf32, #tpu.memory_space<hbm>> -> memref<10240x128xf32, #tpu.memory_space<hbm>>
    tpu.enqueue_indirect_dma source(%dma_start3A_72 : memref<10240x128xf32, #tpu.memory_space<hbm>>) target(%arg11 : memref<64x128xf32, #tpu.memory_space<vmem>>) offsets(%dma_start3A_69 : memref<64xi32, #tpu.memory_space<vmem>>) semaphore(%arg18 : memref<!tpu.dma_semaphore, #tpu.memory_space<semaphore_mem>>)
    %dma_start3A_73 = arith.constant 0 : i32
    %dma_start3A_74 = arith.constant 3 : i32
    %dma_start3A_75 = arith.constant 0 : i32
    %dma_start3A_76 = tpu.memref_slice %arg7[%dma_start3A_73, %dma_start3A_74, %dma_start3A_75] : memref<2x10x64xi32, #tpu.memory_space<vmem>> -> memref<1x1x64xi32, #tpu.memory_space<vmem>>
    %dma_start3A_77 = tpu.memref_squeeze %dma_start3A_76 : memref<1x1x64xi32, #tpu.memory_space<vmem>> -> memref<64xi32, #tpu.memory_space<vmem>>
    %dma_start3A_78 = arith.constant 0 : i32
    %dma_start3A_79 = arith.constant 0 : i32
    %dma_start3A_80 = tpu.memref_slice %arg2[%dma_start3A_78, %dma_start3A_79] : memref<10240x128xf32, #tpu.memory_space<hbm>> -> memref<10240x128xf32, #tpu.memory_space<hbm>>
    tpu.enqueue_indirect_dma source(%dma_start3A_80 : memref<10240x128xf32, #tpu.memory_space<hbm>>) target(%arg12 : memref<64x128xf32, #tpu.memory_space<vmem>>) offsets(%dma_start3A_77 : memref<64xi32, #tpu.memory_space<vmem>>) semaphore(%arg19 : memref<!tpu.dma_semaphore, #tpu.memory_space<semaphore_mem>>)
    %scan3A_81 = arith.constant 0 : i32
    %scan3A_82 = arith.constant 0 : i32
    %scan3A_83 = arith.constant 8 : i32
    %scan3A_84 = arith.addi %scan3A_82, %scan3A_83 : i32
    %scan3A_85 = arith.constant 1 : i32
    %scan3A_86 = scf.for %scan3A_176 = %scan3A_82 to %scan3A_84 step %scan3A_85 iter_args(%scan3A_177 = %scan3A_81) -> (i32)  : i32 {
      %mul3A_178 = arith.constant 2 : i32
      %mul3A_179 = arith.muli %mul3A_178, %scan3A_176 : i32
      %add3A_180 = arith.constant 0 : i32
      %add3A_181 = arith.addi %mul3A_179, %add3A_180 : i32
      %ge3A = arith.constant 1 : i32
      %ge3A_182 = arith.cmpi sge, %add3A_181, %ge3A : i32
      %convert_element_type3A = arith.extui %ge3A_182 : i1 to i32
      %cond3A = arith.constant 0 : i32
      %cond3A_183 = arith.cmpi ne, %convert_element_type3A, %cond3A : i32
      scf.if %cond3A_183 {
        %dma_wait3A_860 = arith.constant 1 : i32
        %dma_wait3A_861 = arith.constant 9 : i32
        %dma_wait3A_862 = arith.constant 0 : i32
        %dma_wait3A_863 = tpu.memref_slice %arg8[%dma_wait3A_860, %dma_wait3A_861, %dma_wait3A_862] : memref<2x10x64xi32, #tpu.memory_space<vmem>> -> memref<1x1x64xi32, #tpu.memory_space<vmem>>
        %dma_wait3A_864 = tpu.memref_squeeze %dma_wait3A_863 : memref<1x1x64xi32, #tpu.memory_space<vmem>> -> memref<64xi32, #tpu.memory_space<vmem>>
        %dma_wait3A_865 = arith.constant 0 : i32
        %dma_wait3A_866 = arith.constant 0 : i32
        %dma_wait3A_867 = tpu.memref_slice %arg6[%dma_wait3A_865, %dma_wait3A_866] : memref<10240x128xf32, #tpu.memory_space<vmem_shared>> -> memref<10240x128xf32, #tpu.memory_space<vmem_shared>>
        tpu.wait_indirect_dma semaphore(%arg20 : memref<!tpu.dma_semaphore, #tpu.memory_space<semaphore_mem>>) src(%arg13 : memref<64x128xf32, #tpu.memory_space<vmem>>) dst(%dma_wait3A_867 : memref<10240x128xf32, #tpu.memory_space<vmem_shared>>)
      } else {
      }
      %add3A_184 = arith.constant 1 : i32
      %add3A_185 = arith.addi %add3A_181, %add3A_184 : i32
      %lt3A = arith.constant 16 : i32
      %lt3A_186 = arith.cmpi slt, %add3A_185, %lt3A : i32
      %convert_element_type3A_187 = arith.extui %lt3A_186 : i1 to i32
      %cond3A_188 = arith.constant 0 : i32
      %cond3A_189 = arith.cmpi ne, %convert_element_type3A_187, %cond3A_188 : i32
      scf.if %cond3A_189 {
        %add3A_860 = arith.constant 1 : i32
        %add3A_861 = arith.addi %add3A_181, %add3A_860 : i32
        %dma_start3A_862 = arith.constant 1 : i32
        %dma_start3A_863 = arith.constant 0 : i32
        %dma_start3A_864 = arith.constant 0 : i32
        %dma_start3A_865 = tpu.memref_slice %arg7[%dma_start3A_862, %dma_start3A_863, %dma_start3A_864] : memref<2x10x64xi32, #tpu.memory_space<vmem>> -> memref<1x10x64xi32, #tpu.memory_space<vmem>>
        %dma_start3A_866 = tpu.memref_squeeze %dma_start3A_865 : memref<1x10x64xi32, #tpu.memory_space<vmem>> -> memref<10x64xi32, #tpu.memory_space<vmem>>
        %dma_start3A_867 = arith.constant 0 : i32
        %dma_start3A_868 = arith.constant 0 : i32
        %dma_start3A_869 = tpu.memref_slice %arg3[%add3A, %add3A_861, %dma_start3A_867, %dma_start3A_868] : memref<32x16x10x64xi32, #tpu.memory_space<hbm>> -> memref<1x1x10x64xi32, #tpu.memory_space<hbm>>
        %dma_start3A_870 = tpu.memref_squeeze %dma_start3A_869 : memref<1x1x10x64xi32, #tpu.memory_space<hbm>> -> memref<10x64xi32, #tpu.memory_space<hbm>>
        %dma_start3A_871 = arith.constant 0 : i32
        %dma_start3A_872 = arith.constant 0 : i32
        %dma_start3A_873 = tpu.memref_slice %arg7[%dma_start3A_862, %dma_start3A_871, %dma_start3A_872] : memref<2x10x64xi32, #tpu.memory_space<vmem>> -> memref<1x10x64xi32, #tpu.memory_space<vmem>>
        %dma_start3A_874 = tpu.memref_squeeze %dma_start3A_873 : memref<1x10x64xi32, #tpu.memory_space<vmem>> -> memref<10x64xi32, #tpu.memory_space<vmem>>
        %dma_start3A_875 = arith.constant 0 : i32
        %dma_start3A_876 = arith.constant 0 : i32
        %dma_start3A_877 = tpu.memref_slice %arg3[%add3A, %add3A_861, %dma_start3A_875, %dma_start3A_876] : memref<32x16x10x64xi32, #tpu.memory_space<hbm>> -> memref<1x1x10x64xi32, #tpu.memory_space<hbm>>
        %dma_start3A_878 = tpu.memref_squeeze %dma_start3A_877 : memref<1x1x10x64xi32, #tpu.memory_space<hbm>> -> memref<10x64xi32, #tpu.memory_space<hbm>>
        tpu.enqueue_dma source(%dma_start3A_878 : memref<10x64xi32, #tpu.memory_space<hbm>>) target(%dma_start3A_874 : memref<10x64xi32, #tpu.memory_space<vmem>>) target_semaphore(%arg15 : memref<!tpu.dma_semaphore, #tpu.memory_space<semaphore_mem>>)
        %add3A_879 = arith.constant 1 : i32
        %add3A_880 = arith.addi %add3A_181, %add3A_879 : i32
        %dma_start3A_881 = arith.constant 1 : i32
        %dma_start3A_882 = arith.constant 0 : i32
        %dma_start3A_883 = arith.constant 0 : i32
        %dma_start3A_884 = tpu.memref_slice %arg8[%dma_start3A_881, %dma_start3A_882, %dma_start3A_883] : memref<2x10x64xi32, #tpu.memory_space<vmem>> -> memref<1x10x64xi32, #tpu.memory_space<vmem>>
        %dma_start3A_885 = tpu.memref_squeeze %dma_start3A_884 : memref<1x10x64xi32, #tpu.memory_space<vmem>> -> memref<10x64xi32, #tpu.memory_space<vmem>>
        %dma_start3A_886 = arith.constant 0 : i32
        %dma_start3A_887 = arith.constant 0 : i32
        %dma_start3A_888 = tpu.memref_slice %arg4[%add3A, %add3A_880, %dma_start3A_886, %dma_start3A_887] : memref<32x16x10x64xi32, #tpu.memory_space<hbm>> -> memref<1x1x10x64xi32, #tpu.memory_space<hbm>>
        %dma_start3A_889 = tpu.memref_squeeze %dma_start3A_888 : memref<1x1x10x64xi32, #tpu.memory_space<hbm>> -> memref<10x64xi32, #tpu.memory_space<hbm>>
        %dma_start3A_890 = arith.constant 0 : i32
        %dma_start3A_891 = arith.constant 0 : i32
        %dma_start3A_892 = tpu.memref_slice %arg8[%dma_start3A_881, %dma_start3A_890, %dma_start3A_891] : memref<2x10x64xi32, #tpu.memory_space<vmem>> -> memref<1x10x64xi32, #tpu.memory_space<vmem>>
        %dma_start3A_893 = tpu.memref_squeeze %dma_start3A_892 : memref<1x10x64xi32, #tpu.memory_space<vmem>> -> memref<10x64xi32, #tpu.memory_space<vmem>>
        %dma_start3A_894 = arith.constant 0 : i32
        %dma_start3A_895 = arith.constant 0 : i32
        %dma_start3A_896 = tpu.memref_slice %arg4[%add3A, %add3A_880, %dma_start3A_894, %dma_start3A_895] : memref<32x16x10x64xi32, #tpu.memory_space<hbm>> -> memref<1x1x10x64xi32, #tpu.memory_space<hbm>>
        %dma_start3A_897 = tpu.memref_squeeze %dma_start3A_896 : memref<1x1x10x64xi32, #tpu.memory_space<hbm>> -> memref<10x64xi32, #tpu.memory_space<hbm>>
        tpu.enqueue_dma source(%dma_start3A_897 : memref<10x64xi32, #tpu.memory_space<hbm>>) target(%dma_start3A_893 : memref<10x64xi32, #tpu.memory_space<vmem>>) target_semaphore(%arg15 : memref<!tpu.dma_semaphore, #tpu.memory_space<semaphore_mem>>)
      } else {
      }
      %scan3A_190 = arith.constant 0 : i32
      %scan3A_191 = arith.constant 0 : i32
      %mul3A_192 = arith.constant 5 : i32
      %mul3A_193 = arith.muli %mul3A_192, %scan3A_191 : i32
      %add3A_194 = arith.constant 0 : i32
      %add3A_195 = arith.addi %mul3A_193, %add3A_194 : i32
      %dma_wait3A_196 = arith.constant 0 : i32
      %dma_wait3A_197 = arith.constant 0 : i32
      %dma_wait3A_198 = tpu.memref_slice %arg7[%dma_wait3A_196, %add3A_195, %dma_wait3A_197] : memref<2x10x64xi32, #tpu.memory_space<vmem>> -> memref<1x1x64xi32, #tpu.memory_space<vmem>>
      %dma_wait3A_199 = tpu.memref_squeeze %dma_wait3A_198 : memref<1x1x64xi32, #tpu.memory_space<vmem>> -> memref<64xi32, #tpu.memory_space<vmem>>
      %dma_wait3A_200 = arith.constant 0 : i32
      %dma_wait3A_201 = arith.constant 0 : i32
      %dma_wait3A_202 = tpu.memref_slice %arg2[%dma_wait3A_200, %dma_wait3A_201] : memref<10240x128xf32, #tpu.memory_space<hbm>> -> memref<10240x128xf32, #tpu.memory_space<hbm>>
      tpu.wait_indirect_dma semaphore(%arg16 : memref<!tpu.dma_semaphore, #tpu.memory_space<semaphore_mem>>) src(%dma_wait3A_202 : memref<10240x128xf32, #tpu.memory_space<hbm>>) dst(%arg9 : memref<64x128xf32, #tpu.memory_space<vmem>>)
      %dma_start3A_203 = arith.constant 0 : i32
      %dma_start3A_204 = arith.constant 0 : i32
      %dma_start3A_205 = tpu.memref_slice %arg8[%dma_start3A_203, %add3A_195, %dma_start3A_204] : memref<2x10x64xi32, #tpu.memory_space<vmem>> -> memref<1x1x64xi32, #tpu.memory_space<vmem>>
      %dma_start3A_206 = tpu.memref_squeeze %dma_start3A_205 : memref<1x1x64xi32, #tpu.memory_space<vmem>> -> memref<64xi32, #tpu.memory_space<vmem>>
      %dma_start3A_207 = arith.constant 0 : i32
      %dma_start3A_208 = arith.constant 0 : i32
      %dma_start3A_209 = tpu.memref_slice %arg6[%dma_start3A_207, %dma_start3A_208] : memref<10240x128xf32, #tpu.memory_space<vmem_shared>> -> memref<10240x128xf32, #tpu.memory_space<vmem_shared>>
      tpu.enqueue_indirect_dma source(%arg9 : memref<64x128xf32, #tpu.memory_space<vmem>>) target(%dma_start3A_209 : memref<10240x128xf32, #tpu.memory_space<vmem_shared>>) offsets(%dma_start3A_206 : memref<64xi32, #tpu.memory_space<vmem>>) semaphore(%arg16 : memref<!tpu.dma_semaphore, #tpu.memory_space<semaphore_mem>>) {add = true}
      %ge3A_210 = arith.constant 1 : i32
      %ge3A_211 = arith.cmpi sge, %add3A_195, %ge3A_210 : i32
      %convert_element_type3A_212 = arith.extui %ge3A_211 : i1 to i32
      %cond3A_213 = arith.constant 0 : i32
      %cond3A_214 = arith.cmpi ne, %convert_element_type3A_212, %cond3A_213 : i32
      scf.if %cond3A_214 {
        %sub3A_860 = arith.constant 1 : i32
        %sub3A_861 = arith.subi %add3A_195, %sub3A_860 : i32
        %dma_wait3A_862 = arith.constant 0 : i32
        %dma_wait3A_863 = arith.constant 0 : i32
        %dma_wait3A_864 = tpu.memref_slice %arg8[%dma_wait3A_862, %sub3A_861, %dma_wait3A_863] : memref<2x10x64xi32, #tpu.memory_space<vmem>> -> memref<1x1x64xi32, #tpu.memory_space<vmem>>
        %dma_wait3A_865 = tpu.memref_squeeze %dma_wait3A_864 : memref<1x1x64xi32, #tpu.memory_space<vmem>> -> memref<64xi32, #tpu.memory_space<vmem>>
        %dma_wait3A_866 = arith.constant 0 : i32
        %dma_wait3A_867 = arith.constant 0 : i32
        %dma_wait3A_868 = tpu.memref_slice %arg6[%dma_wait3A_866, %dma_wait3A_867] : memref<10240x128xf32, #tpu.memory_space<vmem_shared>> -> memref<10240x128xf32, #tpu.memory_space<vmem_shared>>
        tpu.wait_indirect_dma semaphore(%arg20 : memref<!tpu.dma_semaphore, #tpu.memory_space<semaphore_mem>>) src(%arg13 : memref<64x128xf32, #tpu.memory_space<vmem>>) dst(%dma_wait3A_868 : memref<10240x128xf32, #tpu.memory_space<vmem_shared>>)
      } else {
      }
      %add3A_215 = arith.constant 5 : i32
      %add3A_216 = arith.addi %add3A_195, %add3A_215 : i32
      %sub3A = arith.constant 1 : i32
      %sub3A_217 = arith.subi %add3A_216, %sub3A : i32
      %lt3A_218 = arith.constant 10 : i32
      %lt3A_219 = arith.cmpi slt, %sub3A_217, %lt3A_218 : i32
      %convert_element_type3A_220 = arith.extui %lt3A_219 : i1 to i32
      %cond3A_221 = arith.constant 0 : i32
      %cond3A_222 = arith.cmpi ne, %convert_element_type3A_220, %cond3A_221 : i32
      scf.if %cond3A_222 {
        %add3A_860 = arith.constant 5 : i32
        %add3A_861 = arith.addi %add3A_195, %add3A_860 : i32
        %sub3A_862 = arith.constant 1 : i32
        %sub3A_863 = arith.subi %add3A_861, %sub3A_862 : i32
        %dma_start3A_864 = arith.constant 0 : i32
        %dma_start3A_865 = arith.constant 0 : i32
        %dma_start3A_866 = tpu.memref_slice %arg7[%dma_start3A_864, %sub3A_863, %dma_start3A_865] : memref<2x10x64xi32, #tpu.memory_space<vmem>> -> memref<1x1x64xi32, #tpu.memory_space<vmem>>
        %dma_start3A_867 = tpu.memref_squeeze %dma_start3A_866 : memref<1x1x64xi32, #tpu.memory_space<vmem>> -> memref<64xi32, #tpu.memory_space<vmem>>
        %dma_start3A_868 = arith.constant 0 : i32
        %dma_start3A_869 = arith.constant 0 : i32
        %dma_start3A_870 = tpu.memref_slice %arg2[%dma_start3A_868, %dma_start3A_869] : memref<10240x128xf32, #tpu.memory_space<hbm>> -> memref<10240x128xf32, #tpu.memory_space<hbm>>
        tpu.enqueue_indirect_dma source(%dma_start3A_870 : memref<10240x128xf32, #tpu.memory_space<hbm>>) target(%arg13 : memref<64x128xf32, #tpu.memory_space<vmem>>) offsets(%dma_start3A_867 : memref<64xi32, #tpu.memory_space<vmem>>) semaphore(%arg20 : memref<!tpu.dma_semaphore, #tpu.memory_space<semaphore_mem>>)
      } else {
      }
      %mul3A_223 = arith.constant 5 : i32
      %mul3A_224 = arith.muli %mul3A_223, %scan3A_191 : i32
      %add3A_225 = arith.constant 1 : i32
      %add3A_226 = arith.addi %mul3A_224, %add3A_225 : i32
      %dma_wait3A_227 = arith.constant 0 : i32
      %dma_wait3A_228 = arith.constant 0 : i32
      %dma_wait3A_229 = tpu.memref_slice %arg7[%dma_wait3A_227, %add3A_226, %dma_wait3A_228] : memref<2x10x64xi32, #tpu.memory_space<vmem>> -> memref<1x1x64xi32, #tpu.memory_space<vmem>>
      %dma_wait3A_230 = tpu.memref_squeeze %dma_wait3A_229 : memref<1x1x64xi32, #tpu.memory_space<vmem>> -> memref<64xi32, #tpu.memory_space<vmem>>
      %dma_wait3A_231 = arith.constant 0 : i32
      %dma_wait3A_232 = arith.constant 0 : i32
      %dma_wait3A_233 = tpu.memref_slice %arg2[%dma_wait3A_231, %dma_wait3A_232] : memref<10240x128xf32, #tpu.memory_space<hbm>> -> memref<10240x128xf32, #tpu.memory_space<hbm>>
      tpu.wait_indirect_dma semaphore(%arg17 : memref<!tpu.dma_semaphore, #tpu.memory_space<semaphore_mem>>) src(%dma_wait3A_233 : memref<10240x128xf32, #tpu.memory_space<hbm>>) dst(%arg10 : memref<64x128xf32, #tpu.memory_space<vmem>>)
      %dma_start3A_234 = arith.constant 0 : i32
      %dma_start3A_235 = arith.constant 0 : i32
      %dma_start3A_236 = tpu.memref_slice %arg8[%dma_start3A_234, %add3A_226, %dma_start3A_235] : memref<2x10x64xi32, #tpu.memory_space<vmem>> -> memref<1x1x64xi32, #tpu.memory_space<vmem>>
      %dma_start3A_237 = tpu.memref_squeeze %dma_start3A_236 : memref<1x1x64xi32, #tpu.memory_space<vmem>> -> memref<64xi32, #tpu.memory_space<vmem>>
      %dma_start3A_238 = arith.constant 0 : i32
      %dma_start3A_239 = arith.constant 0 : i32
      %dma_start3A_240 = tpu.memref_slice %arg6[%dma_start3A_238, %dma_start3A_239] : memref<10240x128xf32, #tpu.memory_space<vmem_shared>> -> memref<10240x128xf32, #tpu.memory_space<vmem_shared>>
      tpu.enqueue_indirect_dma source(%arg10 : memref<64x128xf32, #tpu.memory_space<vmem>>) target(%dma_start3A_240 : memref<10240x128xf32, #tpu.memory_space<vmem_shared>>) offsets(%dma_start3A_237 : memref<64xi32, #tpu.memory_space<vmem>>) semaphore(%arg17 : memref<!tpu.dma_semaphore, #tpu.memory_space<semaphore_mem>>) {add = true}
      %ge3A_241 = arith.constant 1 : i32
      %ge3A_242 = arith.cmpi sge, %add3A_226, %ge3A_241 : i32
      %convert_element_type3A_243 = arith.extui %ge3A_242 : i1 to i32
      %cond3A_244 = arith.constant 0 : i32
      %cond3A_245 = arith.cmpi ne, %convert_element_type3A_243, %cond3A_244 : i32
      scf.if %cond3A_245 {
        %sub3A_860 = arith.constant 1 : i32
        %sub3A_861 = arith.subi %add3A_226, %sub3A_860 : i32
        %dma_wait3A_862 = arith.constant 0 : i32
        %dma_wait3A_863 = arith.constant 0 : i32
        %dma_wait3A_864 = tpu.memref_slice %arg8[%dma_wait3A_862, %sub3A_861, %dma_wait3A_863] : memref<2x10x64xi32, #tpu.memory_space<vmem>> -> memref<1x1x64xi32, #tpu.memory_space<vmem>>
        %dma_wait3A_865 = tpu.memref_squeeze %dma_wait3A_864 : memref<1x1x64xi32, #tpu.memory_space<vmem>> -> memref<64xi32, #tpu.memory_space<vmem>>
        %dma_wait3A_866 = arith.constant 0 : i32
        %dma_wait3A_867 = arith.constant 0 : i32
        %dma_wait3A_868 = tpu.memref_slice %arg6[%dma_wait3A_866, %dma_wait3A_867] : memref<10240x128xf32, #tpu.memory_space<vmem_shared>> -> memref<10240x128xf32, #tpu.memory_space<vmem_shared>>
        tpu.wait_indirect_dma semaphore(%arg16 : memref<!tpu.dma_semaphore, #tpu.memory_space<semaphore_mem>>) src(%arg9 : memref<64x128xf32, #tpu.memory_space<vmem>>) dst(%dma_wait3A_868 : memref<10240x128xf32, #tpu.memory_space<vmem_shared>>)
      } else {
      }
      %add3A_246 = arith.constant 5 : i32
      %add3A_247 = arith.addi %add3A_226, %add3A_246 : i32
      %sub3A_248 = arith.constant 1 : i32
      %sub3A_249 = arith.subi %add3A_247, %sub3A_248 : i32
      %lt3A_250 = arith.constant 10 : i32
      %lt3A_251 = arith.cmpi slt, %sub3A_249, %lt3A_250 : i32
      %convert_element_type3A_252 = arith.extui %lt3A_251 : i1 to i32
      %cond3A_253 = arith.constant 0 : i32
      %cond3A_254 = arith.cmpi ne, %convert_element_type3A_252, %cond3A_253 : i32
      scf.if %cond3A_254 {
        %add3A_860 = arith.constant 5 : i32
        %add3A_861 = arith.addi %add3A_226, %add3A_860 : i32
        %sub3A_862 = arith.constant 1 : i32
        %sub3A_863 = arith.subi %add3A_861, %sub3A_862 : i32
        %dma_start3A_864 = arith.constant 0 : i32
        %dma_start3A_865 = arith.constant 0 : i32
        %dma_start3A_866 = tpu.memref_slice %arg7[%dma_start3A_864, %sub3A_863, %dma_start3A_865] : memref<2x10x64xi32, #tpu.memory_space<vmem>> -> memref<1x1x64xi32, #tpu.memory_space<vmem>>
        %dma_start3A_867 = tpu.memref_squeeze %dma_start3A_866 : memref<1x1x64xi32, #tpu.memory_space<vmem>> -> memref<64xi32, #tpu.memory_space<vmem>>
        %dma_start3A_868 = arith.constant 0 : i32
        %dma_start3A_869 = arith.constant 0 : i32
        %dma_start3A_870 = tpu.memref_slice %arg2[%dma_start3A_868, %dma_start3A_869] : memref<10240x128xf32, #tpu.memory_space<hbm>> -> memref<10240x128xf32, #tpu.memory_space<hbm>>
        tpu.enqueue_indirect_dma source(%dma_start3A_870 : memref<10240x128xf32, #tpu.memory_space<hbm>>) target(%arg9 : memref<64x128xf32, #tpu.memory_space<vmem>>) offsets(%dma_start3A_867 : memref<64xi32, #tpu.memory_space<vmem>>) semaphore(%arg16 : memref<!tpu.dma_semaphore, #tpu.memory_space<semaphore_mem>>)
      } else {
      }
      %mul3A_255 = arith.constant 5 : i32
      %mul3A_256 = arith.muli %mul3A_255, %scan3A_191 : i32
      %add3A_257 = arith.constant 2 : i32
      %add3A_258 = arith.addi %mul3A_256, %add3A_257 : i32
      %dma_wait3A_259 = arith.constant 0 : i32
      %dma_wait3A_260 = arith.constant 0 : i32
      %dma_wait3A_261 = tpu.memref_slice %arg7[%dma_wait3A_259, %add3A_258, %dma_wait3A_260] : memref<2x10x64xi32, #tpu.memory_space<vmem>> -> memref<1x1x64xi32, #tpu.memory_space<vmem>>
      %dma_wait3A_262 = tpu.memref_squeeze %dma_wait3A_261 : memref<1x1x64xi32, #tpu.memory_space<vmem>> -> memref<64xi32, #tpu.memory_space<vmem>>
      %dma_wait3A_263 = arith.constant 0 : i32
      %dma_wait3A_264 = arith.constant 0 : i32
      %dma_wait3A_265 = tpu.memref_slice %arg2[%dma_wait3A_263, %dma_wait3A_264] : memref<10240x128xf32, #tpu.memory_space<hbm>> -> memref<10240x128xf32, #tpu.memory_space<hbm>>
      tpu.wait_indirect_dma semaphore(%arg18 : memref<!tpu.dma_semaphore, #tpu.memory_space<semaphore_mem>>) src(%dma_wait3A_265 : memref<10240x128xf32, #tpu.memory_space<hbm>>) dst(%arg11 : memref<64x128xf32, #tpu.memory_space<vmem>>)
      %dma_start3A_266 = arith.constant 0 : i32
      %dma_start3A_267 = arith.constant 0 : i32
      %dma_start3A_268 = tpu.memref_slice %arg8[%dma_start3A_266, %add3A_258, %dma_start3A_267] : memref<2x10x64xi32, #tpu.memory_space<vmem>> -> memref<1x1x64xi32, #tpu.memory_space<vmem>>
      %dma_start3A_269 = tpu.memref_squeeze %dma_start3A_268 : memref<1x1x64xi32, #tpu.memory_space<vmem>> -> memref<64xi32, #tpu.memory_space<vmem>>
      %dma_start3A_270 = arith.constant 0 : i32
      %dma_start3A_271 = arith.constant 0 : i32
      %dma_start3A_272 = tpu.memref_slice %arg6[%dma_start3A_270, %dma_start3A_271] : memref<10240x128xf32, #tpu.memory_space<vmem_shared>> -> memref<10240x128xf32, #tpu.memory_space<vmem_shared>>
      tpu.enqueue_indirect_dma source(%arg11 : memref<64x128xf32, #tpu.memory_space<vmem>>) target(%dma_start3A_272 : memref<10240x128xf32, #tpu.memory_space<vmem_shared>>) offsets(%dma_start3A_269 : memref<64xi32, #tpu.memory_space<vmem>>) semaphore(%arg18 : memref<!tpu.dma_semaphore, #tpu.memory_space<semaphore_mem>>) {add = true}
      %ge3A_273 = arith.constant 1 : i32
      %ge3A_274 = arith.cmpi sge, %add3A_258, %ge3A_273 : i32
      %convert_element_type3A_275 = arith.extui %ge3A_274 : i1 to i32
      %cond3A_276 = arith.constant 0 : i32
      %cond3A_277 = arith.cmpi ne, %convert_element_type3A_275, %cond3A_276 : i32
      scf.if %cond3A_277 {
        %sub3A_860 = arith.constant 1 : i32
        %sub3A_861 = arith.subi %add3A_258, %sub3A_860 : i32
        %dma_wait3A_862 = arith.constant 0 : i32
        %dma_wait3A_863 = arith.constant 0 : i32
        %dma_wait3A_864 = tpu.memref_slice %arg8[%dma_wait3A_862, %sub3A_861, %dma_wait3A_863] : memref<2x10x64xi32, #tpu.memory_space<vmem>> -> memref<1x1x64xi32, #tpu.memory_space<vmem>>
        %dma_wait3A_865 = tpu.memref_squeeze %dma_wait3A_864 : memref<1x1x64xi32, #tpu.memory_space<vmem>> -> memref<64xi32, #tpu.memory_space<vmem>>
        %dma_wait3A_866 = arith.constant 0 : i32
        %dma_wait3A_867 = arith.constant 0 : i32
        %dma_wait3A_868 = tpu.memref_slice %arg6[%dma_wait3A_866, %dma_wait3A_867] : memref<10240x128xf32, #tpu.memory_space<vmem_shared>> -> memref<10240x128xf32, #tpu.memory_space<vmem_shared>>
        tpu.wait_indirect_dma semaphore(%arg17 : memref<!tpu.dma_semaphore, #tpu.memory_space<semaphore_mem>>) src(%arg10 : memref<64x128xf32, #tpu.memory_space<vmem>>) dst(%dma_wait3A_868 : memref<10240x128xf32, #tpu.memory_space<vmem_shared>>)
      } else {
      }
      %add3A_278 = arith.constant 5 : i32
      %add3A_279 = arith.addi %add3A_258, %add3A_278 : i32
      %sub3A_280 = arith.constant 1 : i32
      %sub3A_281 = arith.subi %add3A_279, %sub3A_280 : i32
      %lt3A_282 = arith.constant 10 : i32
      %lt3A_283 = arith.cmpi slt, %sub3A_281, %lt3A_282 : i32
      %convert_element_type3A_284 = arith.extui %lt3A_283 : i1 to i32
      %cond3A_285 = arith.constant 0 : i32
      %cond3A_286 = arith.cmpi ne, %convert_element_type3A_284, %cond3A_285 : i32
      scf.if %cond3A_286 {
        %add3A_860 = arith.constant 5 : i32
        %add3A_861 = arith.addi %add3A_258, %add3A_860 : i32
        %sub3A_862 = arith.constant 1 : i32
        %sub3A_863 = arith.subi %add3A_861, %sub3A_862 : i32
        %dma_start3A_864 = arith.constant 0 : i32
        %dma_start3A_865 = arith.constant 0 : i32
        %dma_start3A_866 = tpu.memref_slice %arg7[%dma_start3A_864, %sub3A_863, %dma_start3A_865] : memref<2x10x64xi32, #tpu.memory_space<vmem>> -> memref<1x1x64xi32, #tpu.memory_space<vmem>>
        %dma_start3A_867 = tpu.memref_squeeze %dma_start3A_866 : memref<1x1x64xi32, #tpu.memory_space<vmem>> -> memref<64xi32, #tpu.memory_space<vmem>>
        %dma_start3A_868 = arith.constant 0 : i32
        %dma_start3A_869 = arith.constant 0 : i32
        %dma_start3A_870 = tpu.memref_slice %arg2[%dma_start3A_868, %dma_start3A_869] : memref<10240x128xf32, #tpu.memory_space<hbm>> -> memref<10240x128xf32, #tpu.memory_space<hbm>>
        tpu.enqueue_indirect_dma source(%dma_start3A_870 : memref<10240x128xf32, #tpu.memory_space<hbm>>) target(%arg10 : memref<64x128xf32, #tpu.memory_space<vmem>>) offsets(%dma_start3A_867 : memref<64xi32, #tpu.memory_space<vmem>>) semaphore(%arg17 : memref<!tpu.dma_semaphore, #tpu.memory_space<semaphore_mem>>)
      } else {
      }
      %mul3A_287 = arith.constant 5 : i32
      %mul3A_288 = arith.muli %mul3A_287, %scan3A_191 : i32
      %add3A_289 = arith.constant 3 : i32
      %add3A_290 = arith.addi %mul3A_288, %add3A_289 : i32
      %dma_wait3A_291 = arith.constant 0 : i32
      %dma_wait3A_292 = arith.constant 0 : i32
      %dma_wait3A_293 = tpu.memref_slice %arg7[%dma_wait3A_291, %add3A_290, %dma_wait3A_292] : memref<2x10x64xi32, #tpu.memory_space<vmem>> -> memref<1x1x64xi32, #tpu.memory_space<vmem>>
      %dma_wait3A_294 = tpu.memref_squeeze %dma_wait3A_293 : memref<1x1x64xi32, #tpu.memory_space<vmem>> -> memref<64xi32, #tpu.memory_space<vmem>>
      %dma_wait3A_295 = arith.constant 0 : i32
      %dma_wait3A_296 = arith.constant 0 : i32
      %dma_wait3A_297 = tpu.memref_slice %arg2[%dma_wait3A_295, %dma_wait3A_296] : memref<10240x128xf32, #tpu.memory_space<hbm>> -> memref<10240x128xf32, #tpu.memory_space<hbm>>
      tpu.wait_indirect_dma semaphore(%arg19 : memref<!tpu.dma_semaphore, #tpu.memory_space<semaphore_mem>>) src(%dma_wait3A_297 : memref<10240x128xf32, #tpu.memory_space<hbm>>) dst(%arg12 : memref<64x128xf32, #tpu.memory_space<vmem>>)
      %dma_start3A_298 = arith.constant 0 : i32
      %dma_start3A_299 = arith.constant 0 : i32
      %dma_start3A_300 = tpu.memref_slice %arg8[%dma_start3A_298, %add3A_290, %dma_start3A_299] : memref<2x10x64xi32, #tpu.memory_space<vmem>> -> memref<1x1x64xi32, #tpu.memory_space<vmem>>
      %dma_start3A_301 = tpu.memref_squeeze %dma_start3A_300 : memref<1x1x64xi32, #tpu.memory_space<vmem>> -> memref<64xi32, #tpu.memory_space<vmem>>
      %dma_start3A_302 = arith.constant 0 : i32
      %dma_start3A_303 = arith.constant 0 : i32
      %dma_start3A_304 = tpu.memref_slice %arg6[%dma_start3A_302, %dma_start3A_303] : memref<10240x128xf32, #tpu.memory_space<vmem_shared>> -> memref<10240x128xf32, #tpu.memory_space<vmem_shared>>
      tpu.enqueue_indirect_dma source(%arg12 : memref<64x128xf32, #tpu.memory_space<vmem>>) target(%dma_start3A_304 : memref<10240x128xf32, #tpu.memory_space<vmem_shared>>) offsets(%dma_start3A_301 : memref<64xi32, #tpu.memory_space<vmem>>) semaphore(%arg19 : memref<!tpu.dma_semaphore, #tpu.memory_space<semaphore_mem>>) {add = true}
      %ge3A_305 = arith.constant 1 : i32
      %ge3A_306 = arith.cmpi sge, %add3A_290, %ge3A_305 : i32
      %convert_element_type3A_307 = arith.extui %ge3A_306 : i1 to i32
      %cond3A_308 = arith.constant 0 : i32
      %cond3A_309 = arith.cmpi ne, %convert_element_type3A_307, %cond3A_308 : i32
      scf.if %cond3A_309 {
        %sub3A_860 = arith.constant 1 : i32
        %sub3A_861 = arith.subi %add3A_290, %sub3A_860 : i32
        %dma_wait3A_862 = arith.constant 0 : i32
        %dma_wait3A_863 = arith.constant 0 : i32
        %dma_wait3A_864 = tpu.memref_slice %arg8[%dma_wait3A_862, %sub3A_861, %dma_wait3A_863] : memref<2x10x64xi32, #tpu.memory_space<vmem>> -> memref<1x1x64xi32, #tpu.memory_space<vmem>>
        %dma_wait3A_865 = tpu.memref_squeeze %dma_wait3A_864 : memref<1x1x64xi32, #tpu.memory_space<vmem>> -> memref<64xi32, #tpu.memory_space<vmem>>
        %dma_wait3A_866 = arith.constant 0 : i32
        %dma_wait3A_867 = arith.constant 0 : i32
        %dma_wait3A_868 = tpu.memref_slice %arg6[%dma_wait3A_866, %dma_wait3A_867] : memref<10240x128xf32, #tpu.memory_space<vmem_shared>> -> memref<10240x128xf32, #tpu.memory_space<vmem_shared>>
        tpu.wait_indirect_dma semaphore(%arg18 : memref<!tpu.dma_semaphore, #tpu.memory_space<semaphore_mem>>) src(%arg11 : memref<64x128xf32, #tpu.memory_space<vmem>>) dst(%dma_wait3A_868 : memref<10240x128xf32, #tpu.memory_space<vmem_shared>>)
      } else {
      }
      %add3A_310 = arith.constant 5 : i32
      %add3A_311 = arith.addi %add3A_290, %add3A_310 : i32
      %sub3A_312 = arith.constant 1 : i32
      %sub3A_313 = arith.subi %add3A_311, %sub3A_312 : i32
      %lt3A_314 = arith.constant 10 : i32
      %lt3A_315 = arith.cmpi slt, %sub3A_313, %lt3A_314 : i32
      %convert_element_type3A_316 = arith.extui %lt3A_315 : i1 to i32
      %cond3A_317 = arith.constant 0 : i32
      %cond3A_318 = arith.cmpi ne, %convert_element_type3A_316, %cond3A_317 : i32
      scf.if %cond3A_318 {
        %add3A_860 = arith.constant 5 : i32
        %add3A_861 = arith.addi %add3A_290, %add3A_860 : i32
        %sub3A_862 = arith.constant 1 : i32
        %sub3A_863 = arith.subi %add3A_861, %sub3A_862 : i32
        %dma_start3A_864 = arith.constant 0 : i32
        %dma_start3A_865 = arith.constant 0 : i32
        %dma_start3A_866 = tpu.memref_slice %arg7[%dma_start3A_864, %sub3A_863, %dma_start3A_865] : memref<2x10x64xi32, #tpu.memory_space<vmem>> -> memref<1x1x64xi32, #tpu.memory_space<vmem>>
        %dma_start3A_867 = tpu.memref_squeeze %dma_start3A_866 : memref<1x1x64xi32, #tpu.memory_space<vmem>> -> memref<64xi32, #tpu.memory_space<vmem>>
        %dma_start3A_868 = arith.constant 0 : i32
        %dma_start3A_869 = arith.constant 0 : i32
        %dma_start3A_870 = tpu.memref_slice %arg2[%dma_start3A_868, %dma_start3A_869] : memref<10240x128xf32, #tpu.memory_space<hbm>> -> memref<10240x128xf32, #tpu.memory_space<hbm>>
        tpu.enqueue_indirect_dma source(%dma_start3A_870 : memref<10240x128xf32, #tpu.memory_space<hbm>>) target(%arg11 : memref<64x128xf32, #tpu.memory_space<vmem>>) offsets(%dma_start3A_867 : memref<64xi32, #tpu.memory_space<vmem>>) semaphore(%arg18 : memref<!tpu.dma_semaphore, #tpu.memory_space<semaphore_mem>>)
      } else {
      }
      %mul3A_319 = arith.constant 5 : i32
      %mul3A_320 = arith.muli %mul3A_319, %scan3A_191 : i32
      %add3A_321 = arith.constant 4 : i32
      %add3A_322 = arith.addi %mul3A_320, %add3A_321 : i32
      %dma_wait3A_323 = arith.constant 0 : i32
      %dma_wait3A_324 = arith.constant 0 : i32
      %dma_wait3A_325 = tpu.memref_slice %arg7[%dma_wait3A_323, %add3A_322, %dma_wait3A_324] : memref<2x10x64xi32, #tpu.memory_space<vmem>> -> memref<1x1x64xi32, #tpu.memory_space<vmem>>
      %dma_wait3A_326 = tpu.memref_squeeze %dma_wait3A_325 : memref<1x1x64xi32, #tpu.memory_space<vmem>> -> memref<64xi32, #tpu.memory_space<vmem>>
      %dma_wait3A_327 = arith.constant 0 : i32
      %dma_wait3A_328 = arith.constant 0 : i32
      %dma_wait3A_329 = tpu.memref_slice %arg2[%dma_wait3A_327, %dma_wait3A_328] : memref<10240x128xf32, #tpu.memory_space<hbm>> -> memref<10240x128xf32, #tpu.memory_space<hbm>>
      tpu.wait_indirect_dma semaphore(%arg20 : memref<!tpu.dma_semaphore, #tpu.memory_space<semaphore_mem>>) src(%dma_wait3A_329 : memref<10240x128xf32, #tpu.memory_space<hbm>>) dst(%arg13 : memref<64x128xf32, #tpu.memory_space<vmem>>)
      %dma_start3A_330 = arith.constant 0 : i32
      %dma_start3A_331 = arith.constant 0 : i32
      %dma_start3A_332 = tpu.memref_slice %arg8[%dma_start3A_330, %add3A_322, %dma_start3A_331] : memref<2x10x64xi32, #tpu.memory_space<vmem>> -> memref<1x1x64xi32, #tpu.memory_space<vmem>>
      %dma_start3A_333 = tpu.memref_squeeze %dma_start3A_332 : memref<1x1x64xi32, #tpu.memory_space<vmem>> -> memref<64xi32, #tpu.memory_space<vmem>>
      %dma_start3A_334 = arith.constant 0 : i32
      %dma_start3A_335 = arith.constant 0 : i32
      %dma_start3A_336 = tpu.memref_slice %arg6[%dma_start3A_334, %dma_start3A_335] : memref<10240x128xf32, #tpu.memory_space<vmem_shared>> -> memref<10240x128xf32, #tpu.memory_space<vmem_shared>>
      tpu.enqueue_indirect_dma source(%arg13 : memref<64x128xf32, #tpu.memory_space<vmem>>) target(%dma_start3A_336 : memref<10240x128xf32, #tpu.memory_space<vmem_shared>>) offsets(%dma_start3A_333 : memref<64xi32, #tpu.memory_space<vmem>>) semaphore(%arg20 : memref<!tpu.dma_semaphore, #tpu.memory_space<semaphore_mem>>) {add = true}
      %ge3A_337 = arith.constant 1 : i32
      %ge3A_338 = arith.cmpi sge, %add3A_322, %ge3A_337 : i32
      %convert_element_type3A_339 = arith.extui %ge3A_338 : i1 to i32
      %cond3A_340 = arith.constant 0 : i32
      %cond3A_341 = arith.cmpi ne, %convert_element_type3A_339, %cond3A_340 : i32
      scf.if %cond3A_341 {
        %sub3A_860 = arith.constant 1 : i32
        %sub3A_861 = arith.subi %add3A_322, %sub3A_860 : i32
        %dma_wait3A_862 = arith.constant 0 : i32
        %dma_wait3A_863 = arith.constant 0 : i32
        %dma_wait3A_864 = tpu.memref_slice %arg8[%dma_wait3A_862, %sub3A_861, %dma_wait3A_863] : memref<2x10x64xi32, #tpu.memory_space<vmem>> -> memref<1x1x64xi32, #tpu.memory_space<vmem>>
        %dma_wait3A_865 = tpu.memref_squeeze %dma_wait3A_864 : memref<1x1x64xi32, #tpu.memory_space<vmem>> -> memref<64xi32, #tpu.memory_space<vmem>>
        %dma_wait3A_866 = arith.constant 0 : i32
        %dma_wait3A_867 = arith.constant 0 : i32
        %dma_wait3A_868 = tpu.memref_slice %arg6[%dma_wait3A_866, %dma_wait3A_867] : memref<10240x128xf32, #tpu.memory_space<vmem_shared>> -> memref<10240x128xf32, #tpu.memory_space<vmem_shared>>
        tpu.wait_indirect_dma semaphore(%arg19 : memref<!tpu.dma_semaphore, #tpu.memory_space<semaphore_mem>>) src(%arg12 : memref<64x128xf32, #tpu.memory_space<vmem>>) dst(%dma_wait3A_868 : memref<10240x128xf32, #tpu.memory_space<vmem_shared>>)
      } else {
      }
      %add3A_342 = arith.constant 5 : i32
      %add3A_343 = arith.addi %add3A_322, %add3A_342 : i32
      %sub3A_344 = arith.constant 1 : i32
      %sub3A_345 = arith.subi %add3A_343, %sub3A_344 : i32
      %lt3A_346 = arith.constant 10 : i32
      %lt3A_347 = arith.cmpi slt, %sub3A_345, %lt3A_346 : i32
      %convert_element_type3A_348 = arith.extui %lt3A_347 : i1 to i32
      %cond3A_349 = arith.constant 0 : i32
      %cond3A_350 = arith.cmpi ne, %convert_element_type3A_348, %cond3A_349 : i32
      scf.if %cond3A_350 {
        %add3A_860 = arith.constant 5 : i32
        %add3A_861 = arith.addi %add3A_322, %add3A_860 : i32
        %sub3A_862 = arith.constant 1 : i32
        %sub3A_863 = arith.subi %add3A_861, %sub3A_862 : i32
        %dma_start3A_864 = arith.constant 0 : i32
        %dma_start3A_865 = arith.constant 0 : i32
        %dma_start3A_866 = tpu.memref_slice %arg7[%dma_start3A_864, %sub3A_863, %dma_start3A_865] : memref<2x10x64xi32, #tpu.memory_space<vmem>> -> memref<1x1x64xi32, #tpu.memory_space<vmem>>
        %dma_start3A_867 = tpu.memref_squeeze %dma_start3A_866 : memref<1x1x64xi32, #tpu.memory_space<vmem>> -> memref<64xi32, #tpu.memory_space<vmem>>
        %dma_start3A_868 = arith.constant 0 : i32
        %dma_start3A_869 = arith.constant 0 : i32
        %dma_start3A_870 = tpu.memref_slice %arg2[%dma_start3A_868, %dma_start3A_869] : memref<10240x128xf32, #tpu.memory_space<hbm>> -> memref<10240x128xf32, #tpu.memory_space<hbm>>
        tpu.enqueue_indirect_dma source(%dma_start3A_870 : memref<10240x128xf32, #tpu.memory_space<hbm>>) target(%arg12 : memref<64x128xf32, #tpu.memory_space<vmem>>) offsets(%dma_start3A_867 : memref<64xi32, #tpu.memory_space<vmem>>) semaphore(%arg19 : memref<!tpu.dma_semaphore, #tpu.memory_space<semaphore_mem>>)
      } else {
      }
      %scan3A_351 = arith.constant 0 : i32
      %scan3A_352 = arith.constant 1 : i32
      %add3A_353 = arith.constant 1 : i32
      %add3A_354 = arith.addi %add3A_181, %add3A_353 : i32
      %lt3A_355 = arith.constant 16 : i32
      %lt3A_356 = arith.cmpi slt, %add3A_354, %lt3A_355 : i32
      %convert_element_type3A_357 = arith.extui %lt3A_356 : i1 to i32
      %cond3A_358 = arith.constant 0 : i32
      %cond3A_359 = arith.cmpi ne, %convert_element_type3A_357, %cond3A_358 : i32
      scf.if %cond3A_359 {
        %add3A_860 = arith.constant 1 : i32
        %add3A_861 = arith.addi %add3A_181, %add3A_860 : i32
        %dma_wait3A_862 = arith.constant 1 : i32
        %dma_wait3A_863 = arith.constant 0 : i32
        %dma_wait3A_864 = arith.constant 0 : i32
        %dma_wait3A_865 = tpu.memref_slice %arg7[%dma_wait3A_862, %dma_wait3A_863, %dma_wait3A_864] : memref<2x10x64xi32, #tpu.memory_space<vmem>> -> memref<1x10x64xi32, #tpu.memory_space<vmem>>
        %dma_wait3A_866 = tpu.memref_squeeze %dma_wait3A_865 : memref<1x10x64xi32, #tpu.memory_space<vmem>> -> memref<10x64xi32, #tpu.memory_space<vmem>>
        %dma_wait3A_867 = arith.constant 0 : i32
        %dma_wait3A_868 = arith.constant 0 : i32
        %dma_wait3A_869 = tpu.memref_slice %arg3[%add3A, %add3A_861, %dma_wait3A_867, %dma_wait3A_868] : memref<32x16x10x64xi32, #tpu.memory_space<hbm>> -> memref<1x1x10x64xi32, #tpu.memory_space<hbm>>
        %dma_wait3A_870 = tpu.memref_squeeze %dma_wait3A_869 : memref<1x1x10x64xi32, #tpu.memory_space<hbm>> -> memref<10x64xi32, #tpu.memory_space<hbm>>
        %dma_wait3A_871 = arith.constant 0 : i32
        %dma_wait3A_872 = arith.constant 0 : i32
        %dma_wait3A_873 = tpu.memref_slice %arg7[%dma_wait3A_862, %dma_wait3A_871, %dma_wait3A_872] : memref<2x10x64xi32, #tpu.memory_space<vmem>> -> memref<1x10x64xi32, #tpu.memory_space<vmem>>
        %dma_wait3A_874 = tpu.memref_squeeze %dma_wait3A_873 : memref<1x10x64xi32, #tpu.memory_space<vmem>> -> memref<10x64xi32, #tpu.memory_space<vmem>>
        %dma_wait3A_875 = arith.constant 0 : i32
        %dma_wait3A_876 = arith.constant 0 : i32
        %dma_wait3A_877 = tpu.memref_slice %arg3[%add3A, %add3A_861, %dma_wait3A_875, %dma_wait3A_876] : memref<32x16x10x64xi32, #tpu.memory_space<hbm>> -> memref<1x1x10x64xi32, #tpu.memory_space<hbm>>
        %dma_wait3A_878 = tpu.memref_squeeze %dma_wait3A_877 : memref<1x1x10x64xi32, #tpu.memory_space<hbm>> -> memref<10x64xi32, #tpu.memory_space<hbm>>
        tpu.wait_dma2 semaphore(%arg15 : memref<!tpu.dma_semaphore, #tpu.memory_space<semaphore_mem>>) src(%dma_wait3A_878 : memref<10x64xi32, #tpu.memory_space<hbm>>) dst(%dma_wait3A_874 : memref<10x64xi32, #tpu.memory_space<vmem>>)
        %add3A_879 = arith.constant 1 : i32
        %add3A_880 = arith.addi %add3A_181, %add3A_879 : i32
        %dma_wait3A_881 = arith.constant 1 : i32
        %dma_wait3A_882 = arith.constant 0 : i32
        %dma_wait3A_883 = arith.constant 0 : i32
        %dma_wait3A_884 = tpu.memref_slice %arg8[%dma_wait3A_881, %dma_wait3A_882, %dma_wait3A_883] : memref<2x10x64xi32, #tpu.memory_space<vmem>> -> memref<1x10x64xi32, #tpu.memory_space<vmem>>
        %dma_wait3A_885 = tpu.memref_squeeze %dma_wait3A_884 : memref<1x10x64xi32, #tpu.memory_space<vmem>> -> memref<10x64xi32, #tpu.memory_space<vmem>>
        %dma_wait3A_886 = arith.constant 0 : i32
        %dma_wait3A_887 = arith.constant 0 : i32
        %dma_wait3A_888 = tpu.memref_slice %arg4[%add3A, %add3A_880, %dma_wait3A_886, %dma_wait3A_887] : memref<32x16x10x64xi32, #tpu.memory_space<hbm>> -> memref<1x1x10x64xi32, #tpu.memory_space<hbm>>
        %dma_wait3A_889 = tpu.memref_squeeze %dma_wait3A_888 : memref<1x1x10x64xi32, #tpu.memory_space<hbm>> -> memref<10x64xi32, #tpu.memory_space<hbm>>
        %dma_wait3A_890 = arith.constant 0 : i32
        %dma_wait3A_891 = arith.constant 0 : i32
        %dma_wait3A_892 = tpu.memref_slice %arg8[%dma_wait3A_881, %dma_wait3A_890, %dma_wait3A_891] : memref<2x10x64xi32, #tpu.memory_space<vmem>> -> memref<1x10x64xi32, #tpu.memory_space<vmem>>
        %dma_wait3A_893 = tpu.memref_squeeze %dma_wait3A_892 : memref<1x10x64xi32, #tpu.memory_space<vmem>> -> memref<10x64xi32, #tpu.memory_space<vmem>>
        %dma_wait3A_894 = arith.constant 0 : i32
        %dma_wait3A_895 = arith.constant 0 : i32
        %dma_wait3A_896 = tpu.memref_slice %arg4[%add3A, %add3A_880, %dma_wait3A_894, %dma_wait3A_895] : memref<32x16x10x64xi32, #tpu.memory_space<hbm>> -> memref<1x1x10x64xi32, #tpu.memory_space<hbm>>
        %dma_wait3A_897 = tpu.memref_squeeze %dma_wait3A_896 : memref<1x1x10x64xi32, #tpu.memory_space<hbm>> -> memref<10x64xi32, #tpu.memory_space<hbm>>
        tpu.wait_dma2 semaphore(%arg15 : memref<!tpu.dma_semaphore, #tpu.memory_space<semaphore_mem>>) src(%dma_wait3A_897 : memref<10x64xi32, #tpu.memory_space<hbm>>) dst(%dma_wait3A_893 : memref<10x64xi32, #tpu.memory_space<vmem>>)
      } else {
      }
      %dma_wait3A_360 = arith.constant 0 : i32
      %dma_wait3A_361 = arith.constant 5 : i32
      %dma_wait3A_362 = arith.constant 0 : i32
      %dma_wait3A_363 = tpu.memref_slice %arg7[%dma_wait3A_360, %dma_wait3A_361, %dma_wait3A_362] : memref<2x10x64xi32, #tpu.memory_space<vmem>> -> memref<1x1x64xi32, #tpu.memory_space<vmem>>
      %dma_wait3A_364 = tpu.memref_squeeze %dma_wait3A_363 : memref<1x1x64xi32, #tpu.memory_space<vmem>> -> memref<64xi32, #tpu.memory_space<vmem>>
      %dma_wait3A_365 = arith.constant 0 : i32
      %dma_wait3A_366 = arith.constant 0 : i32
      %dma_wait3A_367 = tpu.memref_slice %arg2[%dma_wait3A_365, %dma_wait3A_366] : memref<10240x128xf32, #tpu.memory_space<hbm>> -> memref<10240x128xf32, #tpu.memory_space<hbm>>
      tpu.wait_indirect_dma semaphore(%arg16 : memref<!tpu.dma_semaphore, #tpu.memory_space<semaphore_mem>>) src(%dma_wait3A_367 : memref<10240x128xf32, #tpu.memory_space<hbm>>) dst(%arg9 : memref<64x128xf32, #tpu.memory_space<vmem>>)
      %dma_start3A_368 = arith.constant 0 : i32
      %dma_start3A_369 = arith.constant 5 : i32
      %dma_start3A_370 = arith.constant 0 : i32
      %dma_start3A_371 = tpu.memref_slice %arg8[%dma_start3A_368, %dma_start3A_369, %dma_start3A_370] : memref<2x10x64xi32, #tpu.memory_space<vmem>> -> memref<1x1x64xi32, #tpu.memory_space<vmem>>
      %dma_start3A_372 = tpu.memref_squeeze %dma_start3A_371 : memref<1x1x64xi32, #tpu.memory_space<vmem>> -> memref<64xi32, #tpu.memory_space<vmem>>
      %dma_start3A_373 = arith.constant 0 : i32
      %dma_start3A_374 = arith.constant 0 : i32
      %dma_start3A_375 = tpu.memref_slice %arg6[%dma_start3A_373, %dma_start3A_374] : memref<10240x128xf32, #tpu.memory_space<vmem_shared>> -> memref<10240x128xf32, #tpu.memory_space<vmem_shared>>
      tpu.enqueue_indirect_dma source(%arg9 : memref<64x128xf32, #tpu.memory_space<vmem>>) target(%dma_start3A_375 : memref<10240x128xf32, #tpu.memory_space<vmem_shared>>) offsets(%dma_start3A_372 : memref<64xi32, #tpu.memory_space<vmem>>) semaphore(%arg16 : memref<!tpu.dma_semaphore, #tpu.memory_space<semaphore_mem>>) {add = true}
      %dma_wait3A_376 = arith.constant 0 : i32
      %dma_wait3A_377 = arith.constant 4 : i32
      %dma_wait3A_378 = arith.constant 0 : i32
      %dma_wait3A_379 = tpu.memref_slice %arg8[%dma_wait3A_376, %dma_wait3A_377, %dma_wait3A_378] : memref<2x10x64xi32, #tpu.memory_space<vmem>> -> memref<1x1x64xi32, #tpu.memory_space<vmem>>
      %dma_wait3A_380 = tpu.memref_squeeze %dma_wait3A_379 : memref<1x1x64xi32, #tpu.memory_space<vmem>> -> memref<64xi32, #tpu.memory_space<vmem>>
      %dma_wait3A_381 = arith.constant 0 : i32
      %dma_wait3A_382 = arith.constant 0 : i32
      %dma_wait3A_383 = tpu.memref_slice %arg6[%dma_wait3A_381, %dma_wait3A_382] : memref<10240x128xf32, #tpu.memory_space<vmem_shared>> -> memref<10240x128xf32, #tpu.memory_space<vmem_shared>>
      tpu.wait_indirect_dma semaphore(%arg20 : memref<!tpu.dma_semaphore, #tpu.memory_space<semaphore_mem>>) src(%arg13 : memref<64x128xf32, #tpu.memory_space<vmem>>) dst(%dma_wait3A_383 : memref<10240x128xf32, #tpu.memory_space<vmem_shared>>)
      %dma_start3A_384 = arith.constant 0 : i32
      %dma_start3A_385 = arith.constant 9 : i32
      %dma_start3A_386 = arith.constant 0 : i32
      %dma_start3A_387 = tpu.memref_slice %arg7[%dma_start3A_384, %dma_start3A_385, %dma_start3A_386] : memref<2x10x64xi32, #tpu.memory_space<vmem>> -> memref<1x1x64xi32, #tpu.memory_space<vmem>>
      %dma_start3A_388 = tpu.memref_squeeze %dma_start3A_387 : memref<1x1x64xi32, #tpu.memory_space<vmem>> -> memref<64xi32, #tpu.memory_space<vmem>>
      %dma_start3A_389 = arith.constant 0 : i32
      %dma_start3A_390 = arith.constant 0 : i32
      %dma_start3A_391 = tpu.memref_slice %arg2[%dma_start3A_389, %dma_start3A_390] : memref<10240x128xf32, #tpu.memory_space<hbm>> -> memref<10240x128xf32, #tpu.memory_space<hbm>>
      tpu.enqueue_indirect_dma source(%dma_start3A_391 : memref<10240x128xf32, #tpu.memory_space<hbm>>) target(%arg13 : memref<64x128xf32, #tpu.memory_space<vmem>>) offsets(%dma_start3A_388 : memref<64xi32, #tpu.memory_space<vmem>>) semaphore(%arg20 : memref<!tpu.dma_semaphore, #tpu.memory_space<semaphore_mem>>)
      %dma_wait3A_392 = arith.constant 0 : i32
      %dma_wait3A_393 = arith.constant 6 : i32
      %dma_wait3A_394 = arith.constant 0 : i32
      %dma_wait3A_395 = tpu.memref_slice %arg7[%dma_wait3A_392, %dma_wait3A_393, %dma_wait3A_394] : memref<2x10x64xi32, #tpu.memory_space<vmem>> -> memref<1x1x64xi32, #tpu.memory_space<vmem>>
      %dma_wait3A_396 = tpu.memref_squeeze %dma_wait3A_395 : memref<1x1x64xi32, #tpu.memory_space<vmem>> -> memref<64xi32, #tpu.memory_space<vmem>>
      %dma_wait3A_397 = arith.constant 0 : i32
      %dma_wait3A_398 = arith.constant 0 : i32
      %dma_wait3A_399 = tpu.memref_slice %arg2[%dma_wait3A_397, %dma_wait3A_398] : memref<10240x128xf32, #tpu.memory_space<hbm>> -> memref<10240x128xf32, #tpu.memory_space<hbm>>
      tpu.wait_indirect_dma semaphore(%arg17 : memref<!tpu.dma_semaphore, #tpu.memory_space<semaphore_mem>>) src(%dma_wait3A_399 : memref<10240x128xf32, #tpu.memory_space<hbm>>) dst(%arg10 : memref<64x128xf32, #tpu.memory_space<vmem>>)
      %dma_start3A_400 = arith.constant 0 : i32
      %dma_start3A_401 = arith.constant 6 : i32
      %dma_start3A_402 = arith.constant 0 : i32
      %dma_start3A_403 = tpu.memref_slice %arg8[%dma_start3A_400, %dma_start3A_401, %dma_start3A_402] : memref<2x10x64xi32, #tpu.memory_space<vmem>> -> memref<1x1x64xi32, #tpu.memory_space<vmem>>
      %dma_start3A_404 = tpu.memref_squeeze %dma_start3A_403 : memref<1x1x64xi32, #tpu.memory_space<vmem>> -> memref<64xi32, #tpu.memory_space<vmem>>
      %dma_start3A_405 = arith.constant 0 : i32
      %dma_start3A_406 = arith.constant 0 : i32
      %dma_start3A_407 = tpu.memref_slice %arg6[%dma_start3A_405, %dma_start3A_406] : memref<10240x128xf32, #tpu.memory_space<vmem_shared>> -> memref<10240x128xf32, #tpu.memory_space<vmem_shared>>
      tpu.enqueue_indirect_dma source(%arg10 : memref<64x128xf32, #tpu.memory_space<vmem>>) target(%dma_start3A_407 : memref<10240x128xf32, #tpu.memory_space<vmem_shared>>) offsets(%dma_start3A_404 : memref<64xi32, #tpu.memory_space<vmem>>) semaphore(%arg17 : memref<!tpu.dma_semaphore, #tpu.memory_space<semaphore_mem>>) {add = true}
      %dma_wait3A_408 = arith.constant 0 : i32
      %dma_wait3A_409 = arith.constant 5 : i32
      %dma_wait3A_410 = arith.constant 0 : i32
      %dma_wait3A_411 = tpu.memref_slice %arg8[%dma_wait3A_408, %dma_wait3A_409, %dma_wait3A_410] : memref<2x10x64xi32, #tpu.memory_space<vmem>> -> memref<1x1x64xi32, #tpu.memory_space<vmem>>
      %dma_wait3A_412 = tpu.memref_squeeze %dma_wait3A_411 : memref<1x1x64xi32, #tpu.memory_space<vmem>> -> memref<64xi32, #tpu.memory_space<vmem>>
      %dma_wait3A_413 = arith.constant 0 : i32
      %dma_wait3A_414 = arith.constant 0 : i32
      %dma_wait3A_415 = tpu.memref_slice %arg6[%dma_wait3A_413, %dma_wait3A_414] : memref<10240x128xf32, #tpu.memory_space<vmem_shared>> -> memref<10240x128xf32, #tpu.memory_space<vmem_shared>>
      tpu.wait_indirect_dma semaphore(%arg16 : memref<!tpu.dma_semaphore, #tpu.memory_space<semaphore_mem>>) src(%arg9 : memref<64x128xf32, #tpu.memory_space<vmem>>) dst(%dma_wait3A_415 : memref<10240x128xf32, #tpu.memory_space<vmem_shared>>)
      %add3A_416 = arith.constant 1 : i32
      %add3A_417 = arith.addi %add3A_181, %add3A_416 : i32
      %lt3A_418 = arith.constant 16 : i32
      %lt3A_419 = arith.cmpi slt, %add3A_417, %lt3A_418 : i32
      %convert_element_type3A_420 = arith.extui %lt3A_419 : i1 to i32
      %cond3A_421 = arith.constant 0 : i32
      %cond3A_422 = arith.cmpi ne, %convert_element_type3A_420, %cond3A_421 : i32
      scf.if %cond3A_422 {
        %dma_start3A_860 = arith.constant 1 : i32
        %dma_start3A_861 = arith.constant 0 : i32
        %dma_start3A_862 = arith.constant 0 : i32
        %dma_start3A_863 = tpu.memref_slice %arg7[%dma_start3A_860, %dma_start3A_861, %dma_start3A_862] : memref<2x10x64xi32, #tpu.memory_space<vmem>> -> memref<1x1x64xi32, #tpu.memory_space<vmem>>
        %dma_start3A_864 = tpu.memref_squeeze %dma_start3A_863 : memref<1x1x64xi32, #tpu.memory_space<vmem>> -> memref<64xi32, #tpu.memory_space<vmem>>
        %dma_start3A_865 = arith.constant 0 : i32
        %dma_start3A_866 = arith.constant 0 : i32
        %dma_start3A_867 = tpu.memref_slice %arg2[%dma_start3A_865, %dma_start3A_866] : memref<10240x128xf32, #tpu.memory_space<hbm>> -> memref<10240x128xf32, #tpu.memory_space<hbm>>
        tpu.enqueue_indirect_dma source(%dma_start3A_867 : memref<10240x128xf32, #tpu.memory_space<hbm>>) target(%arg9 : memref<64x128xf32, #tpu.memory_space<vmem>>) offsets(%dma_start3A_864 : memref<64xi32, #tpu.memory_space<vmem>>) semaphore(%arg16 : memref<!tpu.dma_semaphore, #tpu.memory_space<semaphore_mem>>)
      } else {
      }
      %dma_wait3A_423 = arith.constant 0 : i32
      %dma_wait3A_424 = arith.constant 7 : i32
      %dma_wait3A_425 = arith.constant 0 : i32
      %dma_wait3A_426 = tpu.memref_slice %arg7[%dma_wait3A_423, %dma_wait3A_424, %dma_wait3A_425] : memref<2x10x64xi32, #tpu.memory_space<vmem>> -> memref<1x1x64xi32, #tpu.memory_space<vmem>>
      %dma_wait3A_427 = tpu.memref_squeeze %dma_wait3A_426 : memref<1x1x64xi32, #tpu.memory_space<vmem>> -> memref<64xi32, #tpu.memory_space<vmem>>
      %dma_wait3A_428 = arith.constant 0 : i32
      %dma_wait3A_429 = arith.constant 0 : i32
      %dma_wait3A_430 = tpu.memref_slice %arg2[%dma_wait3A_428, %dma_wait3A_429] : memref<10240x128xf32, #tpu.memory_space<hbm>> -> memref<10240x128xf32, #tpu.memory_space<hbm>>
      tpu.wait_indirect_dma semaphore(%arg18 : memref<!tpu.dma_semaphore, #tpu.memory_space<semaphore_mem>>) src(%dma_wait3A_430 : memref<10240x128xf32, #tpu.memory_space<hbm>>) dst(%arg11 : memref<64x128xf32, #tpu.memory_space<vmem>>)
      %dma_start3A_431 = arith.constant 0 : i32
      %dma_start3A_432 = arith.constant 7 : i32
      %dma_start3A_433 = arith.constant 0 : i32
      %dma_start3A_434 = tpu.memref_slice %arg8[%dma_start3A_431, %dma_start3A_432, %dma_start3A_433] : memref<2x10x64xi32, #tpu.memory_space<vmem>> -> memref<1x1x64xi32, #tpu.memory_space<vmem>>
      %dma_start3A_435 = tpu.memref_squeeze %dma_start3A_434 : memref<1x1x64xi32, #tpu.memory_space<vmem>> -> memref<64xi32, #tpu.memory_space<vmem>>
      %dma_start3A_436 = arith.constant 0 : i32
      %dma_start3A_437 = arith.constant 0 : i32
      %dma_start3A_438 = tpu.memref_slice %arg6[%dma_start3A_436, %dma_start3A_437] : memref<10240x128xf32, #tpu.memory_space<vmem_shared>> -> memref<10240x128xf32, #tpu.memory_space<vmem_shared>>
      tpu.enqueue_indirect_dma source(%arg11 : memref<64x128xf32, #tpu.memory_space<vmem>>) target(%dma_start3A_438 : memref<10240x128xf32, #tpu.memory_space<vmem_shared>>) offsets(%dma_start3A_435 : memref<64xi32, #tpu.memory_space<vmem>>) semaphore(%arg18 : memref<!tpu.dma_semaphore, #tpu.memory_space<semaphore_mem>>) {add = true}
      %dma_wait3A_439 = arith.constant 0 : i32
      %dma_wait3A_440 = arith.constant 6 : i32
      %dma_wait3A_441 = arith.constant 0 : i32
      %dma_wait3A_442 = tpu.memref_slice %arg8[%dma_wait3A_439, %dma_wait3A_440, %dma_wait3A_441] : memref<2x10x64xi32, #tpu.memory_space<vmem>> -> memref<1x1x64xi32, #tpu.memory_space<vmem>>
      %dma_wait3A_443 = tpu.memref_squeeze %dma_wait3A_442 : memref<1x1x64xi32, #tpu.memory_space<vmem>> -> memref<64xi32, #tpu.memory_space<vmem>>
      %dma_wait3A_444 = arith.constant 0 : i32
      %dma_wait3A_445 = arith.constant 0 : i32
      %dma_wait3A_446 = tpu.memref_slice %arg6[%dma_wait3A_444, %dma_wait3A_445] : memref<10240x128xf32, #tpu.memory_space<vmem_shared>> -> memref<10240x128xf32, #tpu.memory_space<vmem_shared>>
      tpu.wait_indirect_dma semaphore(%arg17 : memref<!tpu.dma_semaphore, #tpu.memory_space<semaphore_mem>>) src(%arg10 : memref<64x128xf32, #tpu.memory_space<vmem>>) dst(%dma_wait3A_446 : memref<10240x128xf32, #tpu.memory_space<vmem_shared>>)
      %add3A_447 = arith.constant 1 : i32
      %add3A_448 = arith.addi %add3A_181, %add3A_447 : i32
      %lt3A_449 = arith.constant 16 : i32
      %lt3A_450 = arith.cmpi slt, %add3A_448, %lt3A_449 : i32
      %convert_element_type3A_451 = arith.extui %lt3A_450 : i1 to i32
      %cond3A_452 = arith.constant 0 : i32
      %cond3A_453 = arith.cmpi ne, %convert_element_type3A_451, %cond3A_452 : i32
      scf.if %cond3A_453 {
        %dma_start3A_860 = arith.constant 1 : i32
        %dma_start3A_861 = arith.constant 1 : i32
        %dma_start3A_862 = arith.constant 0 : i32
        %dma_start3A_863 = tpu.memref_slice %arg7[%dma_start3A_860, %dma_start3A_861, %dma_start3A_862] : memref<2x10x64xi32, #tpu.memory_space<vmem>> -> memref<1x1x64xi32, #tpu.memory_space<vmem>>
        %dma_start3A_864 = tpu.memref_squeeze %dma_start3A_863 : memref<1x1x64xi32, #tpu.memory_space<vmem>> -> memref<64xi32, #tpu.memory_space<vmem>>
        %dma_start3A_865 = arith.constant 0 : i32
        %dma_start3A_866 = arith.constant 0 : i32
        %dma_start3A_867 = tpu.memref_slice %arg2[%dma_start3A_865, %dma_start3A_866] : memref<10240x128xf32, #tpu.memory_space<hbm>> -> memref<10240x128xf32, #tpu.memory_space<hbm>>
        tpu.enqueue_indirect_dma source(%dma_start3A_867 : memref<10240x128xf32, #tpu.memory_space<hbm>>) target(%arg10 : memref<64x128xf32, #tpu.memory_space<vmem>>) offsets(%dma_start3A_864 : memref<64xi32, #tpu.memory_space<vmem>>) semaphore(%arg17 : memref<!tpu.dma_semaphore, #tpu.memory_space<semaphore_mem>>)
      } else {
      }
      %dma_wait3A_454 = arith.constant 0 : i32
      %dma_wait3A_455 = arith.constant 8 : i32
      %dma_wait3A_456 = arith.constant 0 : i32
      %dma_wait3A_457 = tpu.memref_slice %arg7[%dma_wait3A_454, %dma_wait3A_455, %dma_wait3A_456] : memref<2x10x64xi32, #tpu.memory_space<vmem>> -> memref<1x1x64xi32, #tpu.memory_space<vmem>>
      %dma_wait3A_458 = tpu.memref_squeeze %dma_wait3A_457 : memref<1x1x64xi32, #tpu.memory_space<vmem>> -> memref<64xi32, #tpu.memory_space<vmem>>
      %dma_wait3A_459 = arith.constant 0 : i32
      %dma_wait3A_460 = arith.constant 0 : i32
      %dma_wait3A_461 = tpu.memref_slice %arg2[%dma_wait3A_459, %dma_wait3A_460] : memref<10240x128xf32, #tpu.memory_space<hbm>> -> memref<10240x128xf32, #tpu.memory_space<hbm>>
      tpu.wait_indirect_dma semaphore(%arg19 : memref<!tpu.dma_semaphore, #tpu.memory_space<semaphore_mem>>) src(%dma_wait3A_461 : memref<10240x128xf32, #tpu.memory_space<hbm>>) dst(%arg12 : memref<64x128xf32, #tpu.memory_space<vmem>>)
      %dma_start3A_462 = arith.constant 0 : i32
      %dma_start3A_463 = arith.constant 8 : i32
      %dma_start3A_464 = arith.constant 0 : i32
      %dma_start3A_465 = tpu.memref_slice %arg8[%dma_start3A_462, %dma_start3A_463, %dma_start3A_464] : memref<2x10x64xi32, #tpu.memory_space<vmem>> -> memref<1x1x64xi32, #tpu.memory_space<vmem>>
      %dma_start3A_466 = tpu.memref_squeeze %dma_start3A_465 : memref<1x1x64xi32, #tpu.memory_space<vmem>> -> memref<64xi32, #tpu.memory_space<vmem>>
      %dma_start3A_467 = arith.constant 0 : i32
      %dma_start3A_468 = arith.constant 0 : i32
      %dma_start3A_469 = tpu.memref_slice %arg6[%dma_start3A_467, %dma_start3A_468] : memref<10240x128xf32, #tpu.memory_space<vmem_shared>> -> memref<10240x128xf32, #tpu.memory_space<vmem_shared>>
      tpu.enqueue_indirect_dma source(%arg12 : memref<64x128xf32, #tpu.memory_space<vmem>>) target(%dma_start3A_469 : memref<10240x128xf32, #tpu.memory_space<vmem_shared>>) offsets(%dma_start3A_466 : memref<64xi32, #tpu.memory_space<vmem>>) semaphore(%arg19 : memref<!tpu.dma_semaphore, #tpu.memory_space<semaphore_mem>>) {add = true}
      %dma_wait3A_470 = arith.constant 0 : i32
      %dma_wait3A_471 = arith.constant 7 : i32
      %dma_wait3A_472 = arith.constant 0 : i32
      %dma_wait3A_473 = tpu.memref_slice %arg8[%dma_wait3A_470, %dma_wait3A_471, %dma_wait3A_472] : memref<2x10x64xi32, #tpu.memory_space<vmem>> -> memref<1x1x64xi32, #tpu.memory_space<vmem>>
      %dma_wait3A_474 = tpu.memref_squeeze %dma_wait3A_473 : memref<1x1x64xi32, #tpu.memory_space<vmem>> -> memref<64xi32, #tpu.memory_space<vmem>>
      %dma_wait3A_475 = arith.constant 0 : i32
      %dma_wait3A_476 = arith.constant 0 : i32
      %dma_wait3A_477 = tpu.memref_slice %arg6[%dma_wait3A_475, %dma_wait3A_476] : memref<10240x128xf32, #tpu.memory_space<vmem_shared>> -> memref<10240x128xf32, #tpu.memory_space<vmem_shared>>
      tpu.wait_indirect_dma semaphore(%arg18 : memref<!tpu.dma_semaphore, #tpu.memory_space<semaphore_mem>>) src(%arg11 : memref<64x128xf32, #tpu.memory_space<vmem>>) dst(%dma_wait3A_477 : memref<10240x128xf32, #tpu.memory_space<vmem_shared>>)
      %add3A_478 = arith.constant 1 : i32
      %add3A_479 = arith.addi %add3A_181, %add3A_478 : i32
      %lt3A_480 = arith.constant 16 : i32
      %lt3A_481 = arith.cmpi slt, %add3A_479, %lt3A_480 : i32
      %convert_element_type3A_482 = arith.extui %lt3A_481 : i1 to i32
      %cond3A_483 = arith.constant 0 : i32
      %cond3A_484 = arith.cmpi ne, %convert_element_type3A_482, %cond3A_483 : i32
      scf.if %cond3A_484 {
        %dma_start3A_860 = arith.constant 1 : i32
        %dma_start3A_861 = arith.constant 2 : i32
        %dma_start3A_862 = arith.constant 0 : i32
        %dma_start3A_863 = tpu.memref_slice %arg7[%dma_start3A_860, %dma_start3A_861, %dma_start3A_862] : memref<2x10x64xi32, #tpu.memory_space<vmem>> -> memref<1x1x64xi32, #tpu.memory_space<vmem>>
        %dma_start3A_864 = tpu.memref_squeeze %dma_start3A_863 : memref<1x1x64xi32, #tpu.memory_space<vmem>> -> memref<64xi32, #tpu.memory_space<vmem>>
        %dma_start3A_865 = arith.constant 0 : i32
        %dma_start3A_866 = arith.constant 0 : i32
        %dma_start3A_867 = tpu.memref_slice %arg2[%dma_start3A_865, %dma_start3A_866] : memref<10240x128xf32, #tpu.memory_space<hbm>> -> memref<10240x128xf32, #tpu.memory_space<hbm>>
        tpu.enqueue_indirect_dma source(%dma_start3A_867 : memref<10240x128xf32, #tpu.memory_space<hbm>>) target(%arg11 : memref<64x128xf32, #tpu.memory_space<vmem>>) offsets(%dma_start3A_864 : memref<64xi32, #tpu.memory_space<vmem>>) semaphore(%arg18 : memref<!tpu.dma_semaphore, #tpu.memory_space<semaphore_mem>>)
      } else {
      }
      %dma_wait3A_485 = arith.constant 0 : i32
      %dma_wait3A_486 = arith.constant 9 : i32
      %dma_wait3A_487 = arith.constant 0 : i32
      %dma_wait3A_488 = tpu.memref_slice %arg7[%dma_wait3A_485, %dma_wait3A_486, %dma_wait3A_487] : memref<2x10x64xi32, #tpu.memory_space<vmem>> -> memref<1x1x64xi32, #tpu.memory_space<vmem>>
      %dma_wait3A_489 = tpu.memref_squeeze %dma_wait3A_488 : memref<1x1x64xi32, #tpu.memory_space<vmem>> -> memref<64xi32, #tpu.memory_space<vmem>>
      %dma_wait3A_490 = arith.constant 0 : i32
      %dma_wait3A_491 = arith.constant 0 : i32
      %dma_wait3A_492 = tpu.memref_slice %arg2[%dma_wait3A_490, %dma_wait3A_491] : memref<10240x128xf32, #tpu.memory_space<hbm>> -> memref<10240x128xf32, #tpu.memory_space<hbm>>
      tpu.wait_indirect_dma semaphore(%arg20 : memref<!tpu.dma_semaphore, #tpu.memory_space<semaphore_mem>>) src(%dma_wait3A_492 : memref<10240x128xf32, #tpu.memory_space<hbm>>) dst(%arg13 : memref<64x128xf32, #tpu.memory_space<vmem>>)
      %dma_start3A_493 = arith.constant 0 : i32
      %dma_start3A_494 = arith.constant 9 : i32
      %dma_start3A_495 = arith.constant 0 : i32
      %dma_start3A_496 = tpu.memref_slice %arg8[%dma_start3A_493, %dma_start3A_494, %dma_start3A_495] : memref<2x10x64xi32, #tpu.memory_space<vmem>> -> memref<1x1x64xi32, #tpu.memory_space<vmem>>
      %dma_start3A_497 = tpu.memref_squeeze %dma_start3A_496 : memref<1x1x64xi32, #tpu.memory_space<vmem>> -> memref<64xi32, #tpu.memory_space<vmem>>
      %dma_start3A_498 = arith.constant 0 : i32
      %dma_start3A_499 = arith.constant 0 : i32
      %dma_start3A_500 = tpu.memref_slice %arg6[%dma_start3A_498, %dma_start3A_499] : memref<10240x128xf32, #tpu.memory_space<vmem_shared>> -> memref<10240x128xf32, #tpu.memory_space<vmem_shared>>
      tpu.enqueue_indirect_dma source(%arg13 : memref<64x128xf32, #tpu.memory_space<vmem>>) target(%dma_start3A_500 : memref<10240x128xf32, #tpu.memory_space<vmem_shared>>) offsets(%dma_start3A_497 : memref<64xi32, #tpu.memory_space<vmem>>) semaphore(%arg20 : memref<!tpu.dma_semaphore, #tpu.memory_space<semaphore_mem>>) {add = true}
      %dma_wait3A_501 = arith.constant 0 : i32
      %dma_wait3A_502 = arith.constant 8 : i32
      %dma_wait3A_503 = arith.constant 0 : i32
      %dma_wait3A_504 = tpu.memref_slice %arg8[%dma_wait3A_501, %dma_wait3A_502, %dma_wait3A_503] : memref<2x10x64xi32, #tpu.memory_space<vmem>> -> memref<1x1x64xi32, #tpu.memory_space<vmem>>
      %dma_wait3A_505 = tpu.memref_squeeze %dma_wait3A_504 : memref<1x1x64xi32, #tpu.memory_space<vmem>> -> memref<64xi32, #tpu.memory_space<vmem>>
      %dma_wait3A_506 = arith.constant 0 : i32
      %dma_wait3A_507 = arith.constant 0 : i32
      %dma_wait3A_508 = tpu.memref_slice %arg6[%dma_wait3A_506, %dma_wait3A_507] : memref<10240x128xf32, #tpu.memory_space<vmem_shared>> -> memref<10240x128xf32, #tpu.memory_space<vmem_shared>>
      tpu.wait_indirect_dma semaphore(%arg19 : memref<!tpu.dma_semaphore, #tpu.memory_space<semaphore_mem>>) src(%arg12 : memref<64x128xf32, #tpu.memory_space<vmem>>) dst(%dma_wait3A_508 : memref<10240x128xf32, #tpu.memory_space<vmem_shared>>)
      %add3A_509 = arith.constant 1 : i32
      %add3A_510 = arith.addi %add3A_181, %add3A_509 : i32
      %lt3A_511 = arith.constant 16 : i32
      %lt3A_512 = arith.cmpi slt, %add3A_510, %lt3A_511 : i32
      %convert_element_type3A_513 = arith.extui %lt3A_512 : i1 to i32
      %cond3A_514 = arith.constant 0 : i32
      %cond3A_515 = arith.cmpi ne, %convert_element_type3A_513, %cond3A_514 : i32
      scf.if %cond3A_515 {
        %dma_start3A_860 = arith.constant 1 : i32
        %dma_start3A_861 = arith.constant 3 : i32
        %dma_start3A_862 = arith.constant 0 : i32
        %dma_start3A_863 = tpu.memref_slice %arg7[%dma_start3A_860, %dma_start3A_861, %dma_start3A_862] : memref<2x10x64xi32, #tpu.memory_space<vmem>> -> memref<1x1x64xi32, #tpu.memory_space<vmem>>
        %dma_start3A_864 = tpu.memref_squeeze %dma_start3A_863 : memref<1x1x64xi32, #tpu.memory_space<vmem>> -> memref<64xi32, #tpu.memory_space<vmem>>
        %dma_start3A_865 = arith.constant 0 : i32
        %dma_start3A_866 = arith.constant 0 : i32
        %dma_start3A_867 = tpu.memref_slice %arg2[%dma_start3A_865, %dma_start3A_866] : memref<10240x128xf32, #tpu.memory_space<hbm>> -> memref<10240x128xf32, #tpu.memory_space<hbm>>
        tpu.enqueue_indirect_dma source(%dma_start3A_867 : memref<10240x128xf32, #tpu.memory_space<hbm>>) target(%arg12 : memref<64x128xf32, #tpu.memory_space<vmem>>) offsets(%dma_start3A_864 : memref<64xi32, #tpu.memory_space<vmem>>) semaphore(%arg19 : memref<!tpu.dma_semaphore, #tpu.memory_space<semaphore_mem>>)
      } else {
      }
      %mul3A_516 = arith.constant 2 : i32
      %mul3A_517 = arith.muli %mul3A_516, %scan3A_176 : i32
      %add3A_518 = arith.constant 1 : i32
      %add3A_519 = arith.addi %mul3A_517, %add3A_518 : i32
      %ge3A_520 = arith.constant 1 : i32
      %ge3A_521 = arith.cmpi sge, %add3A_519, %ge3A_520 : i32
      %convert_element_type3A_522 = arith.extui %ge3A_521 : i1 to i32
      %cond3A_523 = arith.constant 0 : i32
      %cond3A_524 = arith.cmpi ne, %convert_element_type3A_522, %cond3A_523 : i32
      scf.if %cond3A_524 {
        %dma_wait3A_860 = arith.constant 0 : i32
        %dma_wait3A_861 = arith.constant 9 : i32
        %dma_wait3A_862 = arith.constant 0 : i32
        %dma_wait3A_863 = tpu.memref_slice %arg8[%dma_wait3A_860, %dma_wait3A_861, %dma_wait3A_862] : memref<2x10x64xi32, #tpu.memory_space<vmem>> -> memref<1x1x64xi32, #tpu.memory_space<vmem>>
        %dma_wait3A_864 = tpu.memref_squeeze %dma_wait3A_863 : memref<1x1x64xi32, #tpu.memory_space<vmem>> -> memref<64xi32, #tpu.memory_space<vmem>>
        %dma_wait3A_865 = arith.constant 0 : i32
        %dma_wait3A_866 = arith.constant 0 : i32
        %dma_wait3A_867 = tpu.memref_slice %arg6[%dma_wait3A_865, %dma_wait3A_866] : memref<10240x128xf32, #tpu.memory_space<vmem_shared>> -> memref<10240x128xf32, #tpu.memory_space<vmem_shared>>
        tpu.wait_indirect_dma semaphore(%arg20 : memref<!tpu.dma_semaphore, #tpu.memory_space<semaphore_mem>>) src(%arg13 : memref<64x128xf32, #tpu.memory_space<vmem>>) dst(%dma_wait3A_867 : memref<10240x128xf32, #tpu.memory_space<vmem_shared>>)
      } else {
      }
      %add3A_525 = arith.constant 1 : i32
      %add3A_526 = arith.addi %add3A_519, %add3A_525 : i32
      %lt3A_527 = arith.constant 16 : i32
      %lt3A_528 = arith.cmpi slt, %add3A_526, %lt3A_527 : i32
      %convert_element_type3A_529 = arith.extui %lt3A_528 : i1 to i32
      %cond3A_530 = arith.constant 0 : i32
      %cond3A_531 = arith.cmpi ne, %convert_element_type3A_529, %cond3A_530 : i32
      scf.if %cond3A_531 {
        %add3A_860 = arith.constant 1 : i32
        %add3A_861 = arith.addi %add3A_519, %add3A_860 : i32
        %dma_start3A_862 = arith.constant 0 : i32
        %dma_start3A_863 = arith.constant 0 : i32
        %dma_start3A_864 = arith.constant 0 : i32
        %dma_start3A_865 = tpu.memref_slice %arg7[%dma_start3A_862, %dma_start3A_863, %dma_start3A_864] : memref<2x10x64xi32, #tpu.memory_space<vmem>> -> memref<1x10x64xi32, #tpu.memory_space<vmem>>
        %dma_start3A_866 = tpu.memref_squeeze %dma_start3A_865 : memref<1x10x64xi32, #tpu.memory_space<vmem>> -> memref<10x64xi32, #tpu.memory_space<vmem>>
        %dma_start3A_867 = arith.constant 0 : i32
        %dma_start3A_868 = arith.constant 0 : i32
        %dma_start3A_869 = tpu.memref_slice %arg3[%add3A, %add3A_861, %dma_start3A_867, %dma_start3A_868] : memref<32x16x10x64xi32, #tpu.memory_space<hbm>> -> memref<1x1x10x64xi32, #tpu.memory_space<hbm>>
        %dma_start3A_870 = tpu.memref_squeeze %dma_start3A_869 : memref<1x1x10x64xi32, #tpu.memory_space<hbm>> -> memref<10x64xi32, #tpu.memory_space<hbm>>
        %dma_start3A_871 = arith.constant 0 : i32
        %dma_start3A_872 = arith.constant 0 : i32
        %dma_start3A_873 = tpu.memref_slice %arg7[%dma_start3A_862, %dma_start3A_871, %dma_start3A_872] : memref<2x10x64xi32, #tpu.memory_space<vmem>> -> memref<1x10x64xi32, #tpu.memory_space<vmem>>
        %dma_start3A_874 = tpu.memref_squeeze %dma_start3A_873 : memref<1x10x64xi32, #tpu.memory_space<vmem>> -> memref<10x64xi32, #tpu.memory_space<vmem>>
        %dma_start3A_875 = arith.constant 0 : i32
        %dma_start3A_876 = arith.constant 0 : i32
        %dma_start3A_877 = tpu.memref_slice %arg3[%add3A, %add3A_861, %dma_start3A_875, %dma_start3A_876] : memref<32x16x10x64xi32, #tpu.memory_space<hbm>> -> memref<1x1x10x64xi32, #tpu.memory_space<hbm>>
        %dma_start3A_878 = tpu.memref_squeeze %dma_start3A_877 : memref<1x1x10x64xi32, #tpu.memory_space<hbm>> -> memref<10x64xi32, #tpu.memory_space<hbm>>
        tpu.enqueue_dma source(%dma_start3A_878 : memref<10x64xi32, #tpu.memory_space<hbm>>) target(%dma_start3A_874 : memref<10x64xi32, #tpu.memory_space<vmem>>) target_semaphore(%arg14 : memref<!tpu.dma_semaphore, #tpu.memory_space<semaphore_mem>>)
        %add3A_879 = arith.constant 1 : i32
        %add3A_880 = arith.addi %add3A_519, %add3A_879 : i32
        %dma_start3A_881 = arith.constant 0 : i32
        %dma_start3A_882 = arith.constant 0 : i32
        %dma_start3A_883 = arith.constant 0 : i32
        %dma_start3A_884 = tpu.memref_slice %arg8[%dma_start3A_881, %dma_start3A_882, %dma_start3A_883] : memref<2x10x64xi32, #tpu.memory_space<vmem>> -> memref<1x10x64xi32, #tpu.memory_space<vmem>>
        %dma_start3A_885 = tpu.memref_squeeze %dma_start3A_884 : memref<1x10x64xi32, #tpu.memory_space<vmem>> -> memref<10x64xi32, #tpu.memory_space<vmem>>
        %dma_start3A_886 = arith.constant 0 : i32
        %dma_start3A_887 = arith.constant 0 : i32
        %dma_start3A_888 = tpu.memref_slice %arg4[%add3A, %add3A_880, %dma_start3A_886, %dma_start3A_887] : memref<32x16x10x64xi32, #tpu.memory_space<hbm>> -> memref<1x1x10x64xi32, #tpu.memory_space<hbm>>
        %dma_start3A_889 = tpu.memref_squeeze %dma_start3A_888 : memref<1x1x10x64xi32, #tpu.memory_space<hbm>> -> memref<10x64xi32, #tpu.memory_space<hbm>>
        %dma_start3A_890 = arith.constant 0 : i32
        %dma_start3A_891 = arith.constant 0 : i32
        %dma_start3A_892 = tpu.memref_slice %arg8[%dma_start3A_881, %dma_start3A_890, %dma_start3A_891] : memref<2x10x64xi32, #tpu.memory_space<vmem>> -> memref<1x10x64xi32, #tpu.memory_space<vmem>>
        %dma_start3A_893 = tpu.memref_squeeze %dma_start3A_892 : memref<1x10x64xi32, #tpu.memory_space<vmem>> -> memref<10x64xi32, #tpu.memory_space<vmem>>
        %dma_start3A_894 = arith.constant 0 : i32
        %dma_start3A_895 = arith.constant 0 : i32
        %dma_start3A_896 = tpu.memref_slice %arg4[%add3A, %add3A_880, %dma_start3A_894, %dma_start3A_895] : memref<32x16x10x64xi32, #tpu.memory_space<hbm>> -> memref<1x1x10x64xi32, #tpu.memory_space<hbm>>
        %dma_start3A_897 = tpu.memref_squeeze %dma_start3A_896 : memref<1x1x10x64xi32, #tpu.memory_space<hbm>> -> memref<10x64xi32, #tpu.memory_space<hbm>>
        tpu.enqueue_dma source(%dma_start3A_897 : memref<10x64xi32, #tpu.memory_space<hbm>>) target(%dma_start3A_893 : memref<10x64xi32, #tpu.memory_space<vmem>>) target_semaphore(%arg14 : memref<!tpu.dma_semaphore, #tpu.memory_space<semaphore_mem>>)
      } else {
      }
      %scan3A_532 = arith.constant 0 : i32
      %scan3A_533 = arith.constant 0 : i32
      %mul3A_534 = arith.constant 5 : i32
      %mul3A_535 = arith.muli %mul3A_534, %scan3A_533 : i32
      %add3A_536 = arith.constant 0 : i32
      %add3A_537 = arith.addi %mul3A_535, %add3A_536 : i32
      %dma_wait3A_538 = arith.constant 1 : i32
      %dma_wait3A_539 = arith.constant 0 : i32
      %dma_wait3A_540 = tpu.memref_slice %arg7[%dma_wait3A_538, %add3A_537, %dma_wait3A_539] : memref<2x10x64xi32, #tpu.memory_space<vmem>> -> memref<1x1x64xi32, #tpu.memory_space<vmem>>
      %dma_wait3A_541 = tpu.memref_squeeze %dma_wait3A_540 : memref<1x1x64xi32, #tpu.memory_space<vmem>> -> memref<64xi32, #tpu.memory_space<vmem>>
      %dma_wait3A_542 = arith.constant 0 : i32
      %dma_wait3A_543 = arith.constant 0 : i32
      %dma_wait3A_544 = tpu.memref_slice %arg2[%dma_wait3A_542, %dma_wait3A_543] : memref<10240x128xf32, #tpu.memory_space<hbm>> -> memref<10240x128xf32, #tpu.memory_space<hbm>>
      tpu.wait_indirect_dma semaphore(%arg16 : memref<!tpu.dma_semaphore, #tpu.memory_space<semaphore_mem>>) src(%dma_wait3A_544 : memref<10240x128xf32, #tpu.memory_space<hbm>>) dst(%arg9 : memref<64x128xf32, #tpu.memory_space<vmem>>)
      %dma_start3A_545 = arith.constant 1 : i32
      %dma_start3A_546 = arith.constant 0 : i32
      %dma_start3A_547 = tpu.memref_slice %arg8[%dma_start3A_545, %add3A_537, %dma_start3A_546] : memref<2x10x64xi32, #tpu.memory_space<vmem>> -> memref<1x1x64xi32, #tpu.memory_space<vmem>>
      %dma_start3A_548 = tpu.memref_squeeze %dma_start3A_547 : memref<1x1x64xi32, #tpu.memory_space<vmem>> -> memref<64xi32, #tpu.memory_space<vmem>>
      %dma_start3A_549 = arith.constant 0 : i32
      %dma_start3A_550 = arith.constant 0 : i32
      %dma_start3A_551 = tpu.memref_slice %arg6[%dma_start3A_549, %dma_start3A_550] : memref<10240x128xf32, #tpu.memory_space<vmem_shared>> -> memref<10240x128xf32, #tpu.memory_space<vmem_shared>>
      tpu.enqueue_indirect_dma source(%arg9 : memref<64x128xf32, #tpu.memory_space<vmem>>) target(%dma_start3A_551 : memref<10240x128xf32, #tpu.memory_space<vmem_shared>>) offsets(%dma_start3A_548 : memref<64xi32, #tpu.memory_space<vmem>>) semaphore(%arg16 : memref<!tpu.dma_semaphore, #tpu.memory_space<semaphore_mem>>) {add = true}
      %ge3A_552 = arith.constant 1 : i32
      %ge3A_553 = arith.cmpi sge, %add3A_537, %ge3A_552 : i32
      %convert_element_type3A_554 = arith.extui %ge3A_553 : i1 to i32
      %cond3A_555 = arith.constant 0 : i32
      %cond3A_556 = arith.cmpi ne, %convert_element_type3A_554, %cond3A_555 : i32
      scf.if %cond3A_556 {
        %sub3A_860 = arith.constant 1 : i32
        %sub3A_861 = arith.subi %add3A_537, %sub3A_860 : i32
        %dma_wait3A_862 = arith.constant 1 : i32
        %dma_wait3A_863 = arith.constant 0 : i32
        %dma_wait3A_864 = tpu.memref_slice %arg8[%dma_wait3A_862, %sub3A_861, %dma_wait3A_863] : memref<2x10x64xi32, #tpu.memory_space<vmem>> -> memref<1x1x64xi32, #tpu.memory_space<vmem>>
        %dma_wait3A_865 = tpu.memref_squeeze %dma_wait3A_864 : memref<1x1x64xi32, #tpu.memory_space<vmem>> -> memref<64xi32, #tpu.memory_space<vmem>>
        %dma_wait3A_866 = arith.constant 0 : i32
        %dma_wait3A_867 = arith.constant 0 : i32
        %dma_wait3A_868 = tpu.memref_slice %arg6[%dma_wait3A_866, %dma_wait3A_867] : memref<10240x128xf32, #tpu.memory_space<vmem_shared>> -> memref<10240x128xf32, #tpu.memory_space<vmem_shared>>
        tpu.wait_indirect_dma semaphore(%arg20 : memref<!tpu.dma_semaphore, #tpu.memory_space<semaphore_mem>>) src(%arg13 : memref<64x128xf32, #tpu.memory_space<vmem>>) dst(%dma_wait3A_868 : memref<10240x128xf32, #tpu.memory_space<vmem_shared>>)
      } else {
      }
      %add3A_557 = arith.constant 5 : i32
      %add3A_558 = arith.addi %add3A_537, %add3A_557 : i32
      %sub3A_559 = arith.constant 1 : i32
      %sub3A_560 = arith.subi %add3A_558, %sub3A_559 : i32
      %lt3A_561 = arith.constant 10 : i32
      %lt3A_562 = arith.cmpi slt, %sub3A_560, %lt3A_561 : i32
      %convert_element_type3A_563 = arith.extui %lt3A_562 : i1 to i32
      %cond3A_564 = arith.constant 0 : i32
      %cond3A_565 = arith.cmpi ne, %convert_element_type3A_563, %cond3A_564 : i32
      scf.if %cond3A_565 {
        %add3A_860 = arith.constant 5 : i32
        %add3A_861 = arith.addi %add3A_537, %add3A_860 : i32
        %sub3A_862 = arith.constant 1 : i32
        %sub3A_863 = arith.subi %add3A_861, %sub3A_862 : i32
        %dma_start3A_864 = arith.constant 1 : i32
        %dma_start3A_865 = arith.constant 0 : i32
        %dma_start3A_866 = tpu.memref_slice %arg7[%dma_start3A_864, %sub3A_863, %dma_start3A_865] : memref<2x10x64xi32, #tpu.memory_space<vmem>> -> memref<1x1x64xi32, #tpu.memory_space<vmem>>
        %dma_start3A_867 = tpu.memref_squeeze %dma_start3A_866 : memref<1x1x64xi32, #tpu.memory_space<vmem>> -> memref<64xi32, #tpu.memory_space<vmem>>
        %dma_start3A_868 = arith.constant 0 : i32
        %dma_start3A_869 = arith.constant 0 : i32
        %dma_start3A_870 = tpu.memref_slice %arg2[%dma_start3A_868, %dma_start3A_869] : memref<10240x128xf32, #tpu.memory_space<hbm>> -> memref<10240x128xf32, #tpu.memory_space<hbm>>
        tpu.enqueue_indirect_dma source(%dma_start3A_870 : memref<10240x128xf32, #tpu.memory_space<hbm>>) target(%arg13 : memref<64x128xf32, #tpu.memory_space<vmem>>) offsets(%dma_start3A_867 : memref<64xi32, #tpu.memory_space<vmem>>) semaphore(%arg20 : memref<!tpu.dma_semaphore, #tpu.memory_space<semaphore_mem>>)
      } else {
      }
      %mul3A_566 = arith.constant 5 : i32
      %mul3A_567 = arith.muli %mul3A_566, %scan3A_533 : i32
      %add3A_568 = arith.constant 1 : i32
      %add3A_569 = arith.addi %mul3A_567, %add3A_568 : i32
      %dma_wait3A_570 = arith.constant 1 : i32
      %dma_wait3A_571 = arith.constant 0 : i32
      %dma_wait3A_572 = tpu.memref_slice %arg7[%dma_wait3A_570, %add3A_569, %dma_wait3A_571] : memref<2x10x64xi32, #tpu.memory_space<vmem>> -> memref<1x1x64xi32, #tpu.memory_space<vmem>>
      %dma_wait3A_573 = tpu.memref_squeeze %dma_wait3A_572 : memref<1x1x64xi32, #tpu.memory_space<vmem>> -> memref<64xi32, #tpu.memory_space<vmem>>
      %dma_wait3A_574 = arith.constant 0 : i32
      %dma_wait3A_575 = arith.constant 0 : i32
      %dma_wait3A_576 = tpu.memref_slice %arg2[%dma_wait3A_574, %dma_wait3A_575] : memref<10240x128xf32, #tpu.memory_space<hbm>> -> memref<10240x128xf32, #tpu.memory_space<hbm>>
      tpu.wait_indirect_dma semaphore(%arg17 : memref<!tpu.dma_semaphore, #tpu.memory_space<semaphore_mem>>) src(%dma_wait3A_576 : memref<10240x128xf32, #tpu.memory_space<hbm>>) dst(%arg10 : memref<64x128xf32, #tpu.memory_space<vmem>>)
      %dma_start3A_577 = arith.constant 1 : i32
      %dma_start3A_578 = arith.constant 0 : i32
      %dma_start3A_579 = tpu.memref_slice %arg8[%dma_start3A_577, %add3A_569, %dma_start3A_578] : memref<2x10x64xi32, #tpu.memory_space<vmem>> -> memref<1x1x64xi32, #tpu.memory_space<vmem>>
      %dma_start3A_580 = tpu.memref_squeeze %dma_start3A_579 : memref<1x1x64xi32, #tpu.memory_space<vmem>> -> memref<64xi32, #tpu.memory_space<vmem>>
      %dma_start3A_581 = arith.constant 0 : i32
      %dma_start3A_582 = arith.constant 0 : i32
      %dma_start3A_583 = tpu.memref_slice %arg6[%dma_start3A_581, %dma_start3A_582] : memref<10240x128xf32, #tpu.memory_space<vmem_shared>> -> memref<10240x128xf32, #tpu.memory_space<vmem_shared>>
      tpu.enqueue_indirect_dma source(%arg10 : memref<64x128xf32, #tpu.memory_space<vmem>>) target(%dma_start3A_583 : memref<10240x128xf32, #tpu.memory_space<vmem_shared>>) offsets(%dma_start3A_580 : memref<64xi32, #tpu.memory_space<vmem>>) semaphore(%arg17 : memref<!tpu.dma_semaphore, #tpu.memory_space<semaphore_mem>>) {add = true}
      %ge3A_584 = arith.constant 1 : i32
      %ge3A_585 = arith.cmpi sge, %add3A_569, %ge3A_584 : i32
      %convert_element_type3A_586 = arith.extui %ge3A_585 : i1 to i32
      %cond3A_587 = arith.constant 0 : i32
      %cond3A_588 = arith.cmpi ne, %convert_element_type3A_586, %cond3A_587 : i32
      scf.if %cond3A_588 {
        %sub3A_860 = arith.constant 1 : i32
        %sub3A_861 = arith.subi %add3A_569, %sub3A_860 : i32
        %dma_wait3A_862 = arith.constant 1 : i32
        %dma_wait3A_863 = arith.constant 0 : i32
        %dma_wait3A_864 = tpu.memref_slice %arg8[%dma_wait3A_862, %sub3A_861, %dma_wait3A_863] : memref<2x10x64xi32, #tpu.memory_space<vmem>> -> memref<1x1x64xi32, #tpu.memory_space<vmem>>
        %dma_wait3A_865 = tpu.memref_squeeze %dma_wait3A_864 : memref<1x1x64xi32, #tpu.memory_space<vmem>> -> memref<64xi32, #tpu.memory_space<vmem>>
        %dma_wait3A_866 = arith.constant 0 : i32
        %dma_wait3A_867 = arith.constant 0 : i32
        %dma_wait3A_868 = tpu.memref_slice %arg6[%dma_wait3A_866, %dma_wait3A_867] : memref<10240x128xf32, #tpu.memory_space<vmem_shared>> -> memref<10240x128xf32, #tpu.memory_space<vmem_shared>>
        tpu.wait_indirect_dma semaphore(%arg16 : memref<!tpu.dma_semaphore, #tpu.memory_space<semaphore_mem>>) src(%arg9 : memref<64x128xf32, #tpu.memory_space<vmem>>) dst(%dma_wait3A_868 : memref<10240x128xf32, #tpu.memory_space<vmem_shared>>)
      } else {
      }
      %add3A_589 = arith.constant 5 : i32
      %add3A_590 = arith.addi %add3A_569, %add3A_589 : i32
      %sub3A_591 = arith.constant 1 : i32
      %sub3A_592 = arith.subi %add3A_590, %sub3A_591 : i32
      %lt3A_593 = arith.constant 10 : i32
      %lt3A_594 = arith.cmpi slt, %sub3A_592, %lt3A_593 : i32
      %convert_element_type3A_595 = arith.extui %lt3A_594 : i1 to i32
      %cond3A_596 = arith.constant 0 : i32
      %cond3A_597 = arith.cmpi ne, %convert_element_type3A_595, %cond3A_596 : i32
      scf.if %cond3A_597 {
        %add3A_860 = arith.constant 5 : i32
        %add3A_861 = arith.addi %add3A_569, %add3A_860 : i32
        %sub3A_862 = arith.constant 1 : i32
        %sub3A_863 = arith.subi %add3A_861, %sub3A_862 : i32
        %dma_start3A_864 = arith.constant 1 : i32
        %dma_start3A_865 = arith.constant 0 : i32
        %dma_start3A_866 = tpu.memref_slice %arg7[%dma_start3A_864, %sub3A_863, %dma_start3A_865] : memref<2x10x64xi32, #tpu.memory_space<vmem>> -> memref<1x1x64xi32, #tpu.memory_space<vmem>>
        %dma_start3A_867 = tpu.memref_squeeze %dma_start3A_866 : memref<1x1x64xi32, #tpu.memory_space<vmem>> -> memref<64xi32, #tpu.memory_space<vmem>>
        %dma_start3A_868 = arith.constant 0 : i32
        %dma_start3A_869 = arith.constant 0 : i32
        %dma_start3A_870 = tpu.memref_slice %arg2[%dma_start3A_868, %dma_start3A_869] : memref<10240x128xf32, #tpu.memory_space<hbm>> -> memref<10240x128xf32, #tpu.memory_space<hbm>>
        tpu.enqueue_indirect_dma source(%dma_start3A_870 : memref<10240x128xf32, #tpu.memory_space<hbm>>) target(%arg9 : memref<64x128xf32, #tpu.memory_space<vmem>>) offsets(%dma_start3A_867 : memref<64xi32, #tpu.memory_space<vmem>>) semaphore(%arg16 : memref<!tpu.dma_semaphore, #tpu.memory_space<semaphore_mem>>)
      } else {
      }
      %mul3A_598 = arith.constant 5 : i32
      %mul3A_599 = arith.muli %mul3A_598, %scan3A_533 : i32
      %add3A_600 = arith.constant 2 : i32
      %add3A_601 = arith.addi %mul3A_599, %add3A_600 : i32
      %dma_wait3A_602 = arith.constant 1 : i32
      %dma_wait3A_603 = arith.constant 0 : i32
      %dma_wait3A_604 = tpu.memref_slice %arg7[%dma_wait3A_602, %add3A_601, %dma_wait3A_603] : memref<2x10x64xi32, #tpu.memory_space<vmem>> -> memref<1x1x64xi32, #tpu.memory_space<vmem>>
      %dma_wait3A_605 = tpu.memref_squeeze %dma_wait3A_604 : memref<1x1x64xi32, #tpu.memory_space<vmem>> -> memref<64xi32, #tpu.memory_space<vmem>>
      %dma_wait3A_606 = arith.constant 0 : i32
      %dma_wait3A_607 = arith.constant 0 : i32
      %dma_wait3A_608 = tpu.memref_slice %arg2[%dma_wait3A_606, %dma_wait3A_607] : memref<10240x128xf32, #tpu.memory_space<hbm>> -> memref<10240x128xf32, #tpu.memory_space<hbm>>
      tpu.wait_indirect_dma semaphore(%arg18 : memref<!tpu.dma_semaphore, #tpu.memory_space<semaphore_mem>>) src(%dma_wait3A_608 : memref<10240x128xf32, #tpu.memory_space<hbm>>) dst(%arg11 : memref<64x128xf32, #tpu.memory_space<vmem>>)
      %dma_start3A_609 = arith.constant 1 : i32
      %dma_start3A_610 = arith.constant 0 : i32
      %dma_start3A_611 = tpu.memref_slice %arg8[%dma_start3A_609, %add3A_601, %dma_start3A_610] : memref<2x10x64xi32, #tpu.memory_space<vmem>> -> memref<1x1x64xi32, #tpu.memory_space<vmem>>
      %dma_start3A_612 = tpu.memref_squeeze %dma_start3A_611 : memref<1x1x64xi32, #tpu.memory_space<vmem>> -> memref<64xi32, #tpu.memory_space<vmem>>
      %dma_start3A_613 = arith.constant 0 : i32
      %dma_start3A_614 = arith.constant 0 : i32
      %dma_start3A_615 = tpu.memref_slice %arg6[%dma_start3A_613, %dma_start3A_614] : memref<10240x128xf32, #tpu.memory_space<vmem_shared>> -> memref<10240x128xf32, #tpu.memory_space<vmem_shared>>
      tpu.enqueue_indirect_dma source(%arg11 : memref<64x128xf32, #tpu.memory_space<vmem>>) target(%dma_start3A_615 : memref<10240x128xf32, #tpu.memory_space<vmem_shared>>) offsets(%dma_start3A_612 : memref<64xi32, #tpu.memory_space<vmem>>) semaphore(%arg18 : memref<!tpu.dma_semaphore, #tpu.memory_space<semaphore_mem>>) {add = true}
      %ge3A_616 = arith.constant 1 : i32
      %ge3A_617 = arith.cmpi sge, %add3A_601, %ge3A_616 : i32
      %convert_element_type3A_618 = arith.extui %ge3A_617 : i1 to i32
      %cond3A_619 = arith.constant 0 : i32
      %cond3A_620 = arith.cmpi ne, %convert_element_type3A_618, %cond3A_619 : i32
      scf.if %cond3A_620 {
        %sub3A_860 = arith.constant 1 : i32
        %sub3A_861 = arith.subi %add3A_601, %sub3A_860 : i32
        %dma_wait3A_862 = arith.constant 1 : i32
        %dma_wait3A_863 = arith.constant 0 : i32
        %dma_wait3A_864 = tpu.memref_slice %arg8[%dma_wait3A_862, %sub3A_861, %dma_wait3A_863] : memref<2x10x64xi32, #tpu.memory_space<vmem>> -> memref<1x1x64xi32, #tpu.memory_space<vmem>>
        %dma_wait3A_865 = tpu.memref_squeeze %dma_wait3A_864 : memref<1x1x64xi32, #tpu.memory_space<vmem>> -> memref<64xi32, #tpu.memory_space<vmem>>
        %dma_wait3A_866 = arith.constant 0 : i32
        %dma_wait3A_867 = arith.constant 0 : i32
        %dma_wait3A_868 = tpu.memref_slice %arg6[%dma_wait3A_866, %dma_wait3A_867] : memref<10240x128xf32, #tpu.memory_space<vmem_shared>> -> memref<10240x128xf32, #tpu.memory_space<vmem_shared>>
        tpu.wait_indirect_dma semaphore(%arg17 : memref<!tpu.dma_semaphore, #tpu.memory_space<semaphore_mem>>) src(%arg10 : memref<64x128xf32, #tpu.memory_space<vmem>>) dst(%dma_wait3A_868 : memref<10240x128xf32, #tpu.memory_space<vmem_shared>>)
      } else {
      }
      %add3A_621 = arith.constant 5 : i32
      %add3A_622 = arith.addi %add3A_601, %add3A_621 : i32
      %sub3A_623 = arith.constant 1 : i32
      %sub3A_624 = arith.subi %add3A_622, %sub3A_623 : i32
      %lt3A_625 = arith.constant 10 : i32
      %lt3A_626 = arith.cmpi slt, %sub3A_624, %lt3A_625 : i32
      %convert_element_type3A_627 = arith.extui %lt3A_626 : i1 to i32
      %cond3A_628 = arith.constant 0 : i32
      %cond3A_629 = arith.cmpi ne, %convert_element_type3A_627, %cond3A_628 : i32
      scf.if %cond3A_629 {
        %add3A_860 = arith.constant 5 : i32
        %add3A_861 = arith.addi %add3A_601, %add3A_860 : i32
        %sub3A_862 = arith.constant 1 : i32
        %sub3A_863 = arith.subi %add3A_861, %sub3A_862 : i32
        %dma_start3A_864 = arith.constant 1 : i32
        %dma_start3A_865 = arith.constant 0 : i32
        %dma_start3A_866 = tpu.memref_slice %arg7[%dma_start3A_864, %sub3A_863, %dma_start3A_865] : memref<2x10x64xi32, #tpu.memory_space<vmem>> -> memref<1x1x64xi32, #tpu.memory_space<vmem>>
        %dma_start3A_867 = tpu.memref_squeeze %dma_start3A_866 : memref<1x1x64xi32, #tpu.memory_space<vmem>> -> memref<64xi32, #tpu.memory_space<vmem>>
        %dma_start3A_868 = arith.constant 0 : i32
        %dma_start3A_869 = arith.constant 0 : i32
        %dma_start3A_870 = tpu.memref_slice %arg2[%dma_start3A_868, %dma_start3A_869] : memref<10240x128xf32, #tpu.memory_space<hbm>> -> memref<10240x128xf32, #tpu.memory_space<hbm>>
        tpu.enqueue_indirect_dma source(%dma_start3A_870 : memref<10240x128xf32, #tpu.memory_space<hbm>>) target(%arg10 : memref<64x128xf32, #tpu.memory_space<vmem>>) offsets(%dma_start3A_867 : memref<64xi32, #tpu.memory_space<vmem>>) semaphore(%arg17 : memref<!tpu.dma_semaphore, #tpu.memory_space<semaphore_mem>>)
      } else {
      }
      %mul3A_630 = arith.constant 5 : i32
      %mul3A_631 = arith.muli %mul3A_630, %scan3A_533 : i32
      %add3A_632 = arith.constant 3 : i32
      %add3A_633 = arith.addi %mul3A_631, %add3A_632 : i32
      %dma_wait3A_634 = arith.constant 1 : i32
      %dma_wait3A_635 = arith.constant 0 : i32
      %dma_wait3A_636 = tpu.memref_slice %arg7[%dma_wait3A_634, %add3A_633, %dma_wait3A_635] : memref<2x10x64xi32, #tpu.memory_space<vmem>> -> memref<1x1x64xi32, #tpu.memory_space<vmem>>
      %dma_wait3A_637 = tpu.memref_squeeze %dma_wait3A_636 : memref<1x1x64xi32, #tpu.memory_space<vmem>> -> memref<64xi32, #tpu.memory_space<vmem>>
      %dma_wait3A_638 = arith.constant 0 : i32
      %dma_wait3A_639 = arith.constant 0 : i32
      %dma_wait3A_640 = tpu.memref_slice %arg2[%dma_wait3A_638, %dma_wait3A_639] : memref<10240x128xf32, #tpu.memory_space<hbm>> -> memref<10240x128xf32, #tpu.memory_space<hbm>>
      tpu.wait_indirect_dma semaphore(%arg19 : memref<!tpu.dma_semaphore, #tpu.memory_space<semaphore_mem>>) src(%dma_wait3A_640 : memref<10240x128xf32, #tpu.memory_space<hbm>>) dst(%arg12 : memref<64x128xf32, #tpu.memory_space<vmem>>)
      %dma_start3A_641 = arith.constant 1 : i32
      %dma_start3A_642 = arith.constant 0 : i32
      %dma_start3A_643 = tpu.memref_slice %arg8[%dma_start3A_641, %add3A_633, %dma_start3A_642] : memref<2x10x64xi32, #tpu.memory_space<vmem>> -> memref<1x1x64xi32, #tpu.memory_space<vmem>>
      %dma_start3A_644 = tpu.memref_squeeze %dma_start3A_643 : memref<1x1x64xi32, #tpu.memory_space<vmem>> -> memref<64xi32, #tpu.memory_space<vmem>>
      %dma_start3A_645 = arith.constant 0 : i32
      %dma_start3A_646 = arith.constant 0 : i32
      %dma_start3A_647 = tpu.memref_slice %arg6[%dma_start3A_645, %dma_start3A_646] : memref<10240x128xf32, #tpu.memory_space<vmem_shared>> -> memref<10240x128xf32, #tpu.memory_space<vmem_shared>>
      tpu.enqueue_indirect_dma source(%arg12 : memref<64x128xf32, #tpu.memory_space<vmem>>) target(%dma_start3A_647 : memref<10240x128xf32, #tpu.memory_space<vmem_shared>>) offsets(%dma_start3A_644 : memref<64xi32, #tpu.memory_space<vmem>>) semaphore(%arg19 : memref<!tpu.dma_semaphore, #tpu.memory_space<semaphore_mem>>) {add = true}
      %ge3A_648 = arith.constant 1 : i32
      %ge3A_649 = arith.cmpi sge, %add3A_633, %ge3A_648 : i32
      %convert_element_type3A_650 = arith.extui %ge3A_649 : i1 to i32
      %cond3A_651 = arith.constant 0 : i32
      %cond3A_652 = arith.cmpi ne, %convert_element_type3A_650, %cond3A_651 : i32
      scf.if %cond3A_652 {
        %sub3A_860 = arith.constant 1 : i32
        %sub3A_861 = arith.subi %add3A_633, %sub3A_860 : i32
        %dma_wait3A_862 = arith.constant 1 : i32
        %dma_wait3A_863 = arith.constant 0 : i32
        %dma_wait3A_864 = tpu.memref_slice %arg8[%dma_wait3A_862, %sub3A_861, %dma_wait3A_863] : memref<2x10x64xi32, #tpu.memory_space<vmem>> -> memref<1x1x64xi32, #tpu.memory_space<vmem>>
        %dma_wait3A_865 = tpu.memref_squeeze %dma_wait3A_864 : memref<1x1x64xi32, #tpu.memory_space<vmem>> -> memref<64xi32, #tpu.memory_space<vmem>>
        %dma_wait3A_866 = arith.constant 0 : i32
        %dma_wait3A_867 = arith.constant 0 : i32
        %dma_wait3A_868 = tpu.memref_slice %arg6[%dma_wait3A_866, %dma_wait3A_867] : memref<10240x128xf32, #tpu.memory_space<vmem_shared>> -> memref<10240x128xf32, #tpu.memory_space<vmem_shared>>
        tpu.wait_indirect_dma semaphore(%arg18 : memref<!tpu.dma_semaphore, #tpu.memory_space<semaphore_mem>>) src(%arg11 : memref<64x128xf32, #tpu.memory_space<vmem>>) dst(%dma_wait3A_868 : memref<10240x128xf32, #tpu.memory_space<vmem_shared>>)
      } else {
      }
      %add3A_653 = arith.constant 5 : i32
      %add3A_654 = arith.addi %add3A_633, %add3A_653 : i32
      %sub3A_655 = arith.constant 1 : i32
      %sub3A_656 = arith.subi %add3A_654, %sub3A_655 : i32
      %lt3A_657 = arith.constant 10 : i32
      %lt3A_658 = arith.cmpi slt, %sub3A_656, %lt3A_657 : i32
      %convert_element_type3A_659 = arith.extui %lt3A_658 : i1 to i32
      %cond3A_660 = arith.constant 0 : i32
      %cond3A_661 = arith.cmpi ne, %convert_element_type3A_659, %cond3A_660 : i32
      scf.if %cond3A_661 {
        %add3A_860 = arith.constant 5 : i32
        %add3A_861 = arith.addi %add3A_633, %add3A_860 : i32
        %sub3A_862 = arith.constant 1 : i32
        %sub3A_863 = arith.subi %add3A_861, %sub3A_862 : i32
        %dma_start3A_864 = arith.constant 1 : i32
        %dma_start3A_865 = arith.constant 0 : i32
        %dma_start3A_866 = tpu.memref_slice %arg7[%dma_start3A_864, %sub3A_863, %dma_start3A_865] : memref<2x10x64xi32, #tpu.memory_space<vmem>> -> memref<1x1x64xi32, #tpu.memory_space<vmem>>
        %dma_start3A_867 = tpu.memref_squeeze %dma_start3A_866 : memref<1x1x64xi32, #tpu.memory_space<vmem>> -> memref<64xi32, #tpu.memory_space<vmem>>
        %dma_start3A_868 = arith.constant 0 : i32
        %dma_start3A_869 = arith.constant 0 : i32
        %dma_start3A_870 = tpu.memref_slice %arg2[%dma_start3A_868, %dma_start3A_869] : memref<10240x128xf32, #tpu.memory_space<hbm>> -> memref<10240x128xf32, #tpu.memory_space<hbm>>
        tpu.enqueue_indirect_dma source(%dma_start3A_870 : memref<10240x128xf32, #tpu.memory_space<hbm>>) target(%arg11 : memref<64x128xf32, #tpu.memory_space<vmem>>) offsets(%dma_start3A_867 : memref<64xi32, #tpu.memory_space<vmem>>) semaphore(%arg18 : memref<!tpu.dma_semaphore, #tpu.memory_space<semaphore_mem>>)
      } else {
      }
      %mul3A_662 = arith.constant 5 : i32
      %mul3A_663 = arith.muli %mul3A_662, %scan3A_533 : i32
      %add3A_664 = arith.constant 4 : i32
      %add3A_665 = arith.addi %mul3A_663, %add3A_664 : i32
      %dma_wait3A_666 = arith.constant 1 : i32
      %dma_wait3A_667 = arith.constant 0 : i32
      %dma_wait3A_668 = tpu.memref_slice %arg7[%dma_wait3A_666, %add3A_665, %dma_wait3A_667] : memref<2x10x64xi32, #tpu.memory_space<vmem>> -> memref<1x1x64xi32, #tpu.memory_space<vmem>>
      %dma_wait3A_669 = tpu.memref_squeeze %dma_wait3A_668 : memref<1x1x64xi32, #tpu.memory_space<vmem>> -> memref<64xi32, #tpu.memory_space<vmem>>
      %dma_wait3A_670 = arith.constant 0 : i32
      %dma_wait3A_671 = arith.constant 0 : i32
      %dma_wait3A_672 = tpu.memref_slice %arg2[%dma_wait3A_670, %dma_wait3A_671] : memref<10240x128xf32, #tpu.memory_space<hbm>> -> memref<10240x128xf32, #tpu.memory_space<hbm>>
      tpu.wait_indirect_dma semaphore(%arg20 : memref<!tpu.dma_semaphore, #tpu.memory_space<semaphore_mem>>) src(%dma_wait3A_672 : memref<10240x128xf32, #tpu.memory_space<hbm>>) dst(%arg13 : memref<64x128xf32, #tpu.memory_space<vmem>>)
      %dma_start3A_673 = arith.constant 1 : i32
      %dma_start3A_674 = arith.constant 0 : i32
      %dma_start3A_675 = tpu.memref_slice %arg8[%dma_start3A_673, %add3A_665, %dma_start3A_674] : memref<2x10x64xi32, #tpu.memory_space<vmem>> -> memref<1x1x64xi32, #tpu.memory_space<vmem>>
      %dma_start3A_676 = tpu.memref_squeeze %dma_start3A_675 : memref<1x1x64xi32, #tpu.memory_space<vmem>> -> memref<64xi32, #tpu.memory_space<vmem>>
      %dma_start3A_677 = arith.constant 0 : i32
      %dma_start3A_678 = arith.constant 0 : i32
      %dma_start3A_679 = tpu.memref_slice %arg6[%dma_start3A_677, %dma_start3A_678] : memref<10240x128xf32, #tpu.memory_space<vmem_shared>> -> memref<10240x128xf32, #tpu.memory_space<vmem_shared>>
      tpu.enqueue_indirect_dma source(%arg13 : memref<64x128xf32, #tpu.memory_space<vmem>>) target(%dma_start3A_679 : memref<10240x128xf32, #tpu.memory_space<vmem_shared>>) offsets(%dma_start3A_676 : memref<64xi32, #tpu.memory_space<vmem>>) semaphore(%arg20 : memref<!tpu.dma_semaphore, #tpu.memory_space<semaphore_mem>>) {add = true}
      %ge3A_680 = arith.constant 1 : i32
      %ge3A_681 = arith.cmpi sge, %add3A_665, %ge3A_680 : i32
      %convert_element_type3A_682 = arith.extui %ge3A_681 : i1 to i32
      %cond3A_683 = arith.constant 0 : i32
      %cond3A_684 = arith.cmpi ne, %convert_element_type3A_682, %cond3A_683 : i32
      scf.if %cond3A_684 {
        %sub3A_860 = arith.constant 1 : i32
        %sub3A_861 = arith.subi %add3A_665, %sub3A_860 : i32
        %dma_wait3A_862 = arith.constant 1 : i32
        %dma_wait3A_863 = arith.constant 0 : i32
        %dma_wait3A_864 = tpu.memref_slice %arg8[%dma_wait3A_862, %sub3A_861, %dma_wait3A_863] : memref<2x10x64xi32, #tpu.memory_space<vmem>> -> memref<1x1x64xi32, #tpu.memory_space<vmem>>
        %dma_wait3A_865 = tpu.memref_squeeze %dma_wait3A_864 : memref<1x1x64xi32, #tpu.memory_space<vmem>> -> memref<64xi32, #tpu.memory_space<vmem>>
        %dma_wait3A_866 = arith.constant 0 : i32
        %dma_wait3A_867 = arith.constant 0 : i32
        %dma_wait3A_868 = tpu.memref_slice %arg6[%dma_wait3A_866, %dma_wait3A_867] : memref<10240x128xf32, #tpu.memory_space<vmem_shared>> -> memref<10240x128xf32, #tpu.memory_space<vmem_shared>>
        tpu.wait_indirect_dma semaphore(%arg19 : memref<!tpu.dma_semaphore, #tpu.memory_space<semaphore_mem>>) src(%arg12 : memref<64x128xf32, #tpu.memory_space<vmem>>) dst(%dma_wait3A_868 : memref<10240x128xf32, #tpu.memory_space<vmem_shared>>)
      } else {
      }
      %add3A_685 = arith.constant 5 : i32
      %add3A_686 = arith.addi %add3A_665, %add3A_685 : i32
      %sub3A_687 = arith.constant 1 : i32
      %sub3A_688 = arith.subi %add3A_686, %sub3A_687 : i32
      %lt3A_689 = arith.constant 10 : i32
      %lt3A_690 = arith.cmpi slt, %sub3A_688, %lt3A_689 : i32
      %convert_element_type3A_691 = arith.extui %lt3A_690 : i1 to i32
      %cond3A_692 = arith.constant 0 : i32
      %cond3A_693 = arith.cmpi ne, %convert_element_type3A_691, %cond3A_692 : i32
      scf.if %cond3A_693 {
        %add3A_860 = arith.constant 5 : i32
        %add3A_861 = arith.addi %add3A_665, %add3A_860 : i32
        %sub3A_862 = arith.constant 1 : i32
        %sub3A_863 = arith.subi %add3A_861, %sub3A_862 : i32
        %dma_start3A_864 = arith.constant 1 : i32
        %dma_start3A_865 = arith.constant 0 : i32
        %dma_start3A_866 = tpu.memref_slice %arg7[%dma_start3A_864, %sub3A_863, %dma_start3A_865] : memref<2x10x64xi32, #tpu.memory_space<vmem>> -> memref<1x1x64xi32, #tpu.memory_space<vmem>>
        %dma_start3A_867 = tpu.memref_squeeze %dma_start3A_866 : memref<1x1x64xi32, #tpu.memory_space<vmem>> -> memref<64xi32, #tpu.memory_space<vmem>>
        %dma_start3A_868 = arith.constant 0 : i32
        %dma_start3A_869 = arith.constant 0 : i32
        %dma_start3A_870 = tpu.memref_slice %arg2[%dma_start3A_868, %dma_start3A_869] : memref<10240x128xf32, #tpu.memory_space<hbm>> -> memref<10240x128xf32, #tpu.memory_space<hbm>>
        tpu.enqueue_indirect_dma source(%dma_start3A_870 : memref<10240x128xf32, #tpu.memory_space<hbm>>) target(%arg12 : memref<64x128xf32, #tpu.memory_space<vmem>>) offsets(%dma_start3A_867 : memref<64xi32, #tpu.memory_space<vmem>>) semaphore(%arg19 : memref<!tpu.dma_semaphore, #tpu.memory_space<semaphore_mem>>)
      } else {
      }
      %scan3A_694 = arith.constant 0 : i32
      %scan3A_695 = arith.constant 1 : i32
      %add3A_696 = arith.constant 1 : i32
      %add3A_697 = arith.addi %add3A_519, %add3A_696 : i32
      %lt3A_698 = arith.constant 16 : i32
      %lt3A_699 = arith.cmpi slt, %add3A_697, %lt3A_698 : i32
      %convert_element_type3A_700 = arith.extui %lt3A_699 : i1 to i32
      %cond3A_701 = arith.constant 0 : i32
      %cond3A_702 = arith.cmpi ne, %convert_element_type3A_700, %cond3A_701 : i32
      scf.if %cond3A_702 {
        %add3A_860 = arith.constant 1 : i32
        %add3A_861 = arith.addi %add3A_519, %add3A_860 : i32
        %dma_wait3A_862 = arith.constant 0 : i32
        %dma_wait3A_863 = arith.constant 0 : i32
        %dma_wait3A_864 = arith.constant 0 : i32
        %dma_wait3A_865 = tpu.memref_slice %arg7[%dma_wait3A_862, %dma_wait3A_863, %dma_wait3A_864] : memref<2x10x64xi32, #tpu.memory_space<vmem>> -> memref<1x10x64xi32, #tpu.memory_space<vmem>>
        %dma_wait3A_866 = tpu.memref_squeeze %dma_wait3A_865 : memref<1x10x64xi32, #tpu.memory_space<vmem>> -> memref<10x64xi32, #tpu.memory_space<vmem>>
        %dma_wait3A_867 = arith.constant 0 : i32
        %dma_wait3A_868 = arith.constant 0 : i32
        %dma_wait3A_869 = tpu.memref_slice %arg3[%add3A, %add3A_861, %dma_wait3A_867, %dma_wait3A_868] : memref<32x16x10x64xi32, #tpu.memory_space<hbm>> -> memref<1x1x10x64xi32, #tpu.memory_space<hbm>>
        %dma_wait3A_870 = tpu.memref_squeeze %dma_wait3A_869 : memref<1x1x10x64xi32, #tpu.memory_space<hbm>> -> memref<10x64xi32, #tpu.memory_space<hbm>>
        %dma_wait3A_871 = arith.constant 0 : i32
        %dma_wait3A_872 = arith.constant 0 : i32
        %dma_wait3A_873 = tpu.memref_slice %arg7[%dma_wait3A_862, %dma_wait3A_871, %dma_wait3A_872] : memref<2x10x64xi32, #tpu.memory_space<vmem>> -> memref<1x10x64xi32, #tpu.memory_space<vmem>>
        %dma_wait3A_874 = tpu.memref_squeeze %dma_wait3A_873 : memref<1x10x64xi32, #tpu.memory_space<vmem>> -> memref<10x64xi32, #tpu.memory_space<vmem>>
        %dma_wait3A_875 = arith.constant 0 : i32
        %dma_wait3A_876 = arith.constant 0 : i32
        %dma_wait3A_877 = tpu.memref_slice %arg3[%add3A, %add3A_861, %dma_wait3A_875, %dma_wait3A_876] : memref<32x16x10x64xi32, #tpu.memory_space<hbm>> -> memref<1x1x10x64xi32, #tpu.memory_space<hbm>>
        %dma_wait3A_878 = tpu.memref_squeeze %dma_wait3A_877 : memref<1x1x10x64xi32, #tpu.memory_space<hbm>> -> memref<10x64xi32, #tpu.memory_space<hbm>>
        tpu.wait_dma2 semaphore(%arg14 : memref<!tpu.dma_semaphore, #tpu.memory_space<semaphore_mem>>) src(%dma_wait3A_878 : memref<10x64xi32, #tpu.memory_space<hbm>>) dst(%dma_wait3A_874 : memref<10x64xi32, #tpu.memory_space<vmem>>)
        %add3A_879 = arith.constant 1 : i32
        %add3A_880 = arith.addi %add3A_519, %add3A_879 : i32
        %dma_wait3A_881 = arith.constant 0 : i32
        %dma_wait3A_882 = arith.constant 0 : i32
        %dma_wait3A_883 = arith.constant 0 : i32
        %dma_wait3A_884 = tpu.memref_slice %arg8[%dma_wait3A_881, %dma_wait3A_882, %dma_wait3A_883] : memref<2x10x64xi32, #tpu.memory_space<vmem>> -> memref<1x10x64xi32, #tpu.memory_space<vmem>>
        %dma_wait3A_885 = tpu.memref_squeeze %dma_wait3A_884 : memref<1x10x64xi32, #tpu.memory_space<vmem>> -> memref<10x64xi32, #tpu.memory_space<vmem>>
        %dma_wait3A_886 = arith.constant 0 : i32
        %dma_wait3A_887 = arith.constant 0 : i32
        %dma_wait3A_888 = tpu.memref_slice %arg4[%add3A, %add3A_880, %dma_wait3A_886, %dma_wait3A_887] : memref<32x16x10x64xi32, #tpu.memory_space<hbm>> -> memref<1x1x10x64xi32, #tpu.memory_space<hbm>>
        %dma_wait3A_889 = tpu.memref_squeeze %dma_wait3A_888 : memref<1x1x10x64xi32, #tpu.memory_space<hbm>> -> memref<10x64xi32, #tpu.memory_space<hbm>>
        %dma_wait3A_890 = arith.constant 0 : i32
        %dma_wait3A_891 = arith.constant 0 : i32
        %dma_wait3A_892 = tpu.memref_slice %arg8[%dma_wait3A_881, %dma_wait3A_890, %dma_wait3A_891] : memref<2x10x64xi32, #tpu.memory_space<vmem>> -> memref<1x10x64xi32, #tpu.memory_space<vmem>>
        %dma_wait3A_893 = tpu.memref_squeeze %dma_wait3A_892 : memref<1x10x64xi32, #tpu.memory_space<vmem>> -> memref<10x64xi32, #tpu.memory_space<vmem>>
        %dma_wait3A_894 = arith.constant 0 : i32
        %dma_wait3A_895 = arith.constant 0 : i32
        %dma_wait3A_896 = tpu.memref_slice %arg4[%add3A, %add3A_880, %dma_wait3A_894, %dma_wait3A_895] : memref<32x16x10x64xi32, #tpu.memory_space<hbm>> -> memref<1x1x10x64xi32, #tpu.memory_space<hbm>>
        %dma_wait3A_897 = tpu.memref_squeeze %dma_wait3A_896 : memref<1x1x10x64xi32, #tpu.memory_space<hbm>> -> memref<10x64xi32, #tpu.memory_space<hbm>>
        tpu.wait_dma2 semaphore(%arg14 : memref<!tpu.dma_semaphore, #tpu.memory_space<semaphore_mem>>) src(%dma_wait3A_897 : memref<10x64xi32, #tpu.memory_space<hbm>>) dst(%dma_wait3A_893 : memref<10x64xi32, #tpu.memory_space<vmem>>)
      } else {
      }
      %dma_wait3A_703 = arith.constant 1 : i32
      %dma_wait3A_704 = arith.constant 5 : i32
      %dma_wait3A_705 = arith.constant 0 : i32
      %dma_wait3A_706 = tpu.memref_slice %arg7[%dma_wait3A_703, %dma_wait3A_704, %dma_wait3A_705] : memref<2x10x64xi32, #tpu.memory_space<vmem>> -> memref<1x1x64xi32, #tpu.memory_space<vmem>>
      %dma_wait3A_707 = tpu.memref_squeeze %dma_wait3A_706 : memref<1x1x64xi32, #tpu.memory_space<vmem>> -> memref<64xi32, #tpu.memory_space<vmem>>
      %dma_wait3A_708 = arith.constant 0 : i32
      %dma_wait3A_709 = arith.constant 0 : i32
      %dma_wait3A_710 = tpu.memref_slice %arg2[%dma_wait3A_708, %dma_wait3A_709] : memref<10240x128xf32, #tpu.memory_space<hbm>> -> memref<10240x128xf32, #tpu.memory_space<hbm>>
      tpu.wait_indirect_dma semaphore(%arg16 : memref<!tpu.dma_semaphore, #tpu.memory_space<semaphore_mem>>) src(%dma_wait3A_710 : memref<10240x128xf32, #tpu.memory_space<hbm>>) dst(%arg9 : memref<64x128xf32, #tpu.memory_space<vmem>>)
      %dma_start3A_711 = arith.constant 1 : i32
      %dma_start3A_712 = arith.constant 5 : i32
      %dma_start3A_713 = arith.constant 0 : i32
      %dma_start3A_714 = tpu.memref_slice %arg8[%dma_start3A_711, %dma_start3A_712, %dma_start3A_713] : memref<2x10x64xi32, #tpu.memory_space<vmem>> -> memref<1x1x64xi32, #tpu.memory_space<vmem>>
      %dma_start3A_715 = tpu.memref_squeeze %dma_start3A_714 : memref<1x1x64xi32, #tpu.memory_space<vmem>> -> memref<64xi32, #tpu.memory_space<vmem>>
      %dma_start3A_716 = arith.constant 0 : i32
      %dma_start3A_717 = arith.constant 0 : i32
      %dma_start3A_718 = tpu.memref_slice %arg6[%dma_start3A_716, %dma_start3A_717] : memref<10240x128xf32, #tpu.memory_space<vmem_shared>> -> memref<10240x128xf32, #tpu.memory_space<vmem_shared>>
      tpu.enqueue_indirect_dma source(%arg9 : memref<64x128xf32, #tpu.memory_space<vmem>>) target(%dma_start3A_718 : memref<10240x128xf32, #tpu.memory_space<vmem_shared>>) offsets(%dma_start3A_715 : memref<64xi32, #tpu.memory_space<vmem>>) semaphore(%arg16 : memref<!tpu.dma_semaphore, #tpu.memory_space<semaphore_mem>>) {add = true}
      %dma_wait3A_719 = arith.constant 1 : i32
      %dma_wait3A_720 = arith.constant 4 : i32
      %dma_wait3A_721 = arith.constant 0 : i32
      %dma_wait3A_722 = tpu.memref_slice %arg8[%dma_wait3A_719, %dma_wait3A_720, %dma_wait3A_721] : memref<2x10x64xi32, #tpu.memory_space<vmem>> -> memref<1x1x64xi32, #tpu.memory_space<vmem>>
      %dma_wait3A_723 = tpu.memref_squeeze %dma_wait3A_722 : memref<1x1x64xi32, #tpu.memory_space<vmem>> -> memref<64xi32, #tpu.memory_space<vmem>>
      %dma_wait3A_724 = arith.constant 0 : i32
      %dma_wait3A_725 = arith.constant 0 : i32
      %dma_wait3A_726 = tpu.memref_slice %arg6[%dma_wait3A_724, %dma_wait3A_725] : memref<10240x128xf32, #tpu.memory_space<vmem_shared>> -> memref<10240x128xf32, #tpu.memory_space<vmem_shared>>
      tpu.wait_indirect_dma semaphore(%arg20 : memref<!tpu.dma_semaphore, #tpu.memory_space<semaphore_mem>>) src(%arg13 : memref<64x128xf32, #tpu.memory_space<vmem>>) dst(%dma_wait3A_726 : memref<10240x128xf32, #tpu.memory_space<vmem_shared>>)
      %dma_start3A_727 = arith.constant 1 : i32
      %dma_start3A_728 = arith.constant 9 : i32
      %dma_start3A_729 = arith.constant 0 : i32
      %dma_start3A_730 = tpu.memref_slice %arg7[%dma_start3A_727, %dma_start3A_728, %dma_start3A_729] : memref<2x10x64xi32, #tpu.memory_space<vmem>> -> memref<1x1x64xi32, #tpu.memory_space<vmem>>
      %dma_start3A_731 = tpu.memref_squeeze %dma_start3A_730 : memref<1x1x64xi32, #tpu.memory_space<vmem>> -> memref<64xi32, #tpu.memory_space<vmem>>
      %dma_start3A_732 = arith.constant 0 : i32
      %dma_start3A_733 = arith.constant 0 : i32
      %dma_start3A_734 = tpu.memref_slice %arg2[%dma_start3A_732, %dma_start3A_733] : memref<10240x128xf32, #tpu.memory_space<hbm>> -> memref<10240x128xf32, #tpu.memory_space<hbm>>
      tpu.enqueue_indirect_dma source(%dma_start3A_734 : memref<10240x128xf32, #tpu.memory_space<hbm>>) target(%arg13 : memref<64x128xf32, #tpu.memory_space<vmem>>) offsets(%dma_start3A_731 : memref<64xi32, #tpu.memory_space<vmem>>) semaphore(%arg20 : memref<!tpu.dma_semaphore, #tpu.memory_space<semaphore_mem>>)
      %dma_wait3A_735 = arith.constant 1 : i32
      %dma_wait3A_736 = arith.constant 6 : i32
      %dma_wait3A_737 = arith.constant 0 : i32
      %dma_wait3A_738 = tpu.memref_slice %arg7[%dma_wait3A_735, %dma_wait3A_736, %dma_wait3A_737] : memref<2x10x64xi32, #tpu.memory_space<vmem>> -> memref<1x1x64xi32, #tpu.memory_space<vmem>>
      %dma_wait3A_739 = tpu.memref_squeeze %dma_wait3A_738 : memref<1x1x64xi32, #tpu.memory_space<vmem>> -> memref<64xi32, #tpu.memory_space<vmem>>
      %dma_wait3A_740 = arith.constant 0 : i32
      %dma_wait3A_741 = arith.constant 0 : i32
      %dma_wait3A_742 = tpu.memref_slice %arg2[%dma_wait3A_740, %dma_wait3A_741] : memref<10240x128xf32, #tpu.memory_space<hbm>> -> memref<10240x128xf32, #tpu.memory_space<hbm>>
      tpu.wait_indirect_dma semaphore(%arg17 : memref<!tpu.dma_semaphore, #tpu.memory_space<semaphore_mem>>) src(%dma_wait3A_742 : memref<10240x128xf32, #tpu.memory_space<hbm>>) dst(%arg10 : memref<64x128xf32, #tpu.memory_space<vmem>>)
      %dma_start3A_743 = arith.constant 1 : i32
      %dma_start3A_744 = arith.constant 6 : i32
      %dma_start3A_745 = arith.constant 0 : i32
      %dma_start3A_746 = tpu.memref_slice %arg8[%dma_start3A_743, %dma_start3A_744, %dma_start3A_745] : memref<2x10x64xi32, #tpu.memory_space<vmem>> -> memref<1x1x64xi32, #tpu.memory_space<vmem>>
      %dma_start3A_747 = tpu.memref_squeeze %dma_start3A_746 : memref<1x1x64xi32, #tpu.memory_space<vmem>> -> memref<64xi32, #tpu.memory_space<vmem>>
      %dma_start3A_748 = arith.constant 0 : i32
      %dma_start3A_749 = arith.constant 0 : i32
      %dma_start3A_750 = tpu.memref_slice %arg6[%dma_start3A_748, %dma_start3A_749] : memref<10240x128xf32, #tpu.memory_space<vmem_shared>> -> memref<10240x128xf32, #tpu.memory_space<vmem_shared>>
      tpu.enqueue_indirect_dma source(%arg10 : memref<64x128xf32, #tpu.memory_space<vmem>>) target(%dma_start3A_750 : memref<10240x128xf32, #tpu.memory_space<vmem_shared>>) offsets(%dma_start3A_747 : memref<64xi32, #tpu.memory_space<vmem>>) semaphore(%arg17 : memref<!tpu.dma_semaphore, #tpu.memory_space<semaphore_mem>>) {add = true}
      %dma_wait3A_751 = arith.constant 1 : i32
      %dma_wait3A_752 = arith.constant 5 : i32
      %dma_wait3A_753 = arith.constant 0 : i32
      %dma_wait3A_754 = tpu.memref_slice %arg8[%dma_wait3A_751, %dma_wait3A_752, %dma_wait3A_753] : memref<2x10x64xi32, #tpu.memory_space<vmem>> -> memref<1x1x64xi32, #tpu.memory_space<vmem>>
      %dma_wait3A_755 = tpu.memref_squeeze %dma_wait3A_754 : memref<1x1x64xi32, #tpu.memory_space<vmem>> -> memref<64xi32, #tpu.memory_space<vmem>>
      %dma_wait3A_756 = arith.constant 0 : i32
      %dma_wait3A_757 = arith.constant 0 : i32
      %dma_wait3A_758 = tpu.memref_slice %arg6[%dma_wait3A_756, %dma_wait3A_757] : memref<10240x128xf32, #tpu.memory_space<vmem_shared>> -> memref<10240x128xf32, #tpu.memory_space<vmem_shared>>
      tpu.wait_indirect_dma semaphore(%arg16 : memref<!tpu.dma_semaphore, #tpu.memory_space<semaphore_mem>>) src(%arg9 : memref<64x128xf32, #tpu.memory_space<vmem>>) dst(%dma_wait3A_758 : memref<10240x128xf32, #tpu.memory_space<vmem_shared>>)
      %add3A_759 = arith.constant 1 : i32
      %add3A_760 = arith.addi %add3A_519, %add3A_759 : i32
      %lt3A_761 = arith.constant 16 : i32
      %lt3A_762 = arith.cmpi slt, %add3A_760, %lt3A_761 : i32
      %convert_element_type3A_763 = arith.extui %lt3A_762 : i1 to i32
      %cond3A_764 = arith.constant 0 : i32
      %cond3A_765 = arith.cmpi ne, %convert_element_type3A_763, %cond3A_764 : i32
      scf.if %cond3A_765 {
        %dma_start3A_860 = arith.constant 0 : i32
        %dma_start3A_861 = arith.constant 0 : i32
        %dma_start3A_862 = arith.constant 0 : i32
        %dma_start3A_863 = tpu.memref_slice %arg7[%dma_start3A_860, %dma_start3A_861, %dma_start3A_862] : memref<2x10x64xi32, #tpu.memory_space<vmem>> -> memref<1x1x64xi32, #tpu.memory_space<vmem>>
        %dma_start3A_864 = tpu.memref_squeeze %dma_start3A_863 : memref<1x1x64xi32, #tpu.memory_space<vmem>> -> memref<64xi32, #tpu.memory_space<vmem>>
        %dma_start3A_865 = arith.constant 0 : i32
        %dma_start3A_866 = arith.constant 0 : i32
        %dma_start3A_867 = tpu.memref_slice %arg2[%dma_start3A_865, %dma_start3A_866] : memref<10240x128xf32, #tpu.memory_space<hbm>> -> memref<10240x128xf32, #tpu.memory_space<hbm>>
        tpu.enqueue_indirect_dma source(%dma_start3A_867 : memref<10240x128xf32, #tpu.memory_space<hbm>>) target(%arg9 : memref<64x128xf32, #tpu.memory_space<vmem>>) offsets(%dma_start3A_864 : memref<64xi32, #tpu.memory_space<vmem>>) semaphore(%arg16 : memref<!tpu.dma_semaphore, #tpu.memory_space<semaphore_mem>>)
      } else {
      }
      %dma_wait3A_766 = arith.constant 1 : i32
      %dma_wait3A_767 = arith.constant 7 : i32
      %dma_wait3A_768 = arith.constant 0 : i32
      %dma_wait3A_769 = tpu.memref_slice %arg7[%dma_wait3A_766, %dma_wait3A_767, %dma_wait3A_768] : memref<2x10x64xi32, #tpu.memory_space<vmem>> -> memref<1x1x64xi32, #tpu.memory_space<vmem>>
      %dma_wait3A_770 = tpu.memref_squeeze %dma_wait3A_769 : memref<1x1x64xi32, #tpu.memory_space<vmem>> -> memref<64xi32, #tpu.memory_space<vmem>>
      %dma_wait3A_771 = arith.constant 0 : i32
      %dma_wait3A_772 = arith.constant 0 : i32
      %dma_wait3A_773 = tpu.memref_slice %arg2[%dma_wait3A_771, %dma_wait3A_772] : memref<10240x128xf32, #tpu.memory_space<hbm>> -> memref<10240x128xf32, #tpu.memory_space<hbm>>
      tpu.wait_indirect_dma semaphore(%arg18 : memref<!tpu.dma_semaphore, #tpu.memory_space<semaphore_mem>>) src(%dma_wait3A_773 : memref<10240x128xf32, #tpu.memory_space<hbm>>) dst(%arg11 : memref<64x128xf32, #tpu.memory_space<vmem>>)
      %dma_start3A_774 = arith.constant 1 : i32
      %dma_start3A_775 = arith.constant 7 : i32
      %dma_start3A_776 = arith.constant 0 : i32
      %dma_start3A_777 = tpu.memref_slice %arg8[%dma_start3A_774, %dma_start3A_775, %dma_start3A_776] : memref<2x10x64xi32, #tpu.memory_space<vmem>> -> memref<1x1x64xi32, #tpu.memory_space<vmem>>
      %dma_start3A_778 = tpu.memref_squeeze %dma_start3A_777 : memref<1x1x64xi32, #tpu.memory_space<vmem>> -> memref<64xi32, #tpu.memory_space<vmem>>
      %dma_start3A_779 = arith.constant 0 : i32
      %dma_start3A_780 = arith.constant 0 : i32
      %dma_start3A_781 = tpu.memref_slice %arg6[%dma_start3A_779, %dma_start3A_780] : memref<10240x128xf32, #tpu.memory_space<vmem_shared>> -> memref<10240x128xf32, #tpu.memory_space<vmem_shared>>
      tpu.enqueue_indirect_dma source(%arg11 : memref<64x128xf32, #tpu.memory_space<vmem>>) target(%dma_start3A_781 : memref<10240x128xf32, #tpu.memory_space<vmem_shared>>) offsets(%dma_start3A_778 : memref<64xi32, #tpu.memory_space<vmem>>) semaphore(%arg18 : memref<!tpu.dma_semaphore, #tpu.memory_space<semaphore_mem>>) {add = true}
      %dma_wait3A_782 = arith.constant 1 : i32
      %dma_wait3A_783 = arith.constant 6 : i32
      %dma_wait3A_784 = arith.constant 0 : i32
      %dma_wait3A_785 = tpu.memref_slice %arg8[%dma_wait3A_782, %dma_wait3A_783, %dma_wait3A_784] : memref<2x10x64xi32, #tpu.memory_space<vmem>> -> memref<1x1x64xi32, #tpu.memory_space<vmem>>
      %dma_wait3A_786 = tpu.memref_squeeze %dma_wait3A_785 : memref<1x1x64xi32, #tpu.memory_space<vmem>> -> memref<64xi32, #tpu.memory_space<vmem>>
      %dma_wait3A_787 = arith.constant 0 : i32
      %dma_wait3A_788 = arith.constant 0 : i32
      %dma_wait3A_789 = tpu.memref_slice %arg6[%dma_wait3A_787, %dma_wait3A_788] : memref<10240x128xf32, #tpu.memory_space<vmem_shared>> -> memref<10240x128xf32, #tpu.memory_space<vmem_shared>>
      tpu.wait_indirect_dma semaphore(%arg17 : memref<!tpu.dma_semaphore, #tpu.memory_space<semaphore_mem>>) src(%arg10 : memref<64x128xf32, #tpu.memory_space<vmem>>) dst(%dma_wait3A_789 : memref<10240x128xf32, #tpu.memory_space<vmem_shared>>)
      %add3A_790 = arith.constant 1 : i32
      %add3A_791 = arith.addi %add3A_519, %add3A_790 : i32
      %lt3A_792 = arith.constant 16 : i32
      %lt3A_793 = arith.cmpi slt, %add3A_791, %lt3A_792 : i32
      %convert_element_type3A_794 = arith.extui %lt3A_793 : i1 to i32
      %cond3A_795 = arith.constant 0 : i32
      %cond3A_796 = arith.cmpi ne, %convert_element_type3A_794, %cond3A_795 : i32
      scf.if %cond3A_796 {
        %dma_start3A_860 = arith.constant 0 : i32
        %dma_start3A_861 = arith.constant 1 : i32
        %dma_start3A_862 = arith.constant 0 : i32
        %dma_start3A_863 = tpu.memref_slice %arg7[%dma_start3A_860, %dma_start3A_861, %dma_start3A_862] : memref<2x10x64xi32, #tpu.memory_space<vmem>> -> memref<1x1x64xi32, #tpu.memory_space<vmem>>
        %dma_start3A_864 = tpu.memref_squeeze %dma_start3A_863 : memref<1x1x64xi32, #tpu.memory_space<vmem>> -> memref<64xi32, #tpu.memory_space<vmem>>
        %dma_start3A_865 = arith.constant 0 : i32
        %dma_start3A_866 = arith.constant 0 : i32
        %dma_start3A_867 = tpu.memref_slice %arg2[%dma_start3A_865, %dma_start3A_866] : memref<10240x128xf32, #tpu.memory_space<hbm>> -> memref<10240x128xf32, #tpu.memory_space<hbm>>
        tpu.enqueue_indirect_dma source(%dma_start3A_867 : memref<10240x128xf32, #tpu.memory_space<hbm>>) target(%arg10 : memref<64x128xf32, #tpu.memory_space<vmem>>) offsets(%dma_start3A_864 : memref<64xi32, #tpu.memory_space<vmem>>) semaphore(%arg17 : memref<!tpu.dma_semaphore, #tpu.memory_space<semaphore_mem>>)
      } else {
      }
      %dma_wait3A_797 = arith.constant 1 : i32
      %dma_wait3A_798 = arith.constant 8 : i32
      %dma_wait3A_799 = arith.constant 0 : i32
      %dma_wait3A_800 = tpu.memref_slice %arg7[%dma_wait3A_797, %dma_wait3A_798, %dma_wait3A_799] : memref<2x10x64xi32, #tpu.memory_space<vmem>> -> memref<1x1x64xi32, #tpu.memory_space<vmem>>
      %dma_wait3A_801 = tpu.memref_squeeze %dma_wait3A_800 : memref<1x1x64xi32, #tpu.memory_space<vmem>> -> memref<64xi32, #tpu.memory_space<vmem>>
      %dma_wait3A_802 = arith.constant 0 : i32
      %dma_wait3A_803 = arith.constant 0 : i32
      %dma_wait3A_804 = tpu.memref_slice %arg2[%dma_wait3A_802, %dma_wait3A_803] : memref<10240x128xf32, #tpu.memory_space<hbm>> -> memref<10240x128xf32, #tpu.memory_space<hbm>>
      tpu.wait_indirect_dma semaphore(%arg19 : memref<!tpu.dma_semaphore, #tpu.memory_space<semaphore_mem>>) src(%dma_wait3A_804 : memref<10240x128xf32, #tpu.memory_space<hbm>>) dst(%arg12 : memref<64x128xf32, #tpu.memory_space<vmem>>)
      %dma_start3A_805 = arith.constant 1 : i32
      %dma_start3A_806 = arith.constant 8 : i32
      %dma_start3A_807 = arith.constant 0 : i32
      %dma_start3A_808 = tpu.memref_slice %arg8[%dma_start3A_805, %dma_start3A_806, %dma_start3A_807] : memref<2x10x64xi32, #tpu.memory_space<vmem>> -> memref<1x1x64xi32, #tpu.memory_space<vmem>>
      %dma_start3A_809 = tpu.memref_squeeze %dma_start3A_808 : memref<1x1x64xi32, #tpu.memory_space<vmem>> -> memref<64xi32, #tpu.memory_space<vmem>>
      %dma_start3A_810 = arith.constant 0 : i32
      %dma_start3A_811 = arith.constant 0 : i32
      %dma_start3A_812 = tpu.memref_slice %arg6[%dma_start3A_810, %dma_start3A_811] : memref<10240x128xf32, #tpu.memory_space<vmem_shared>> -> memref<10240x128xf32, #tpu.memory_space<vmem_shared>>
      tpu.enqueue_indirect_dma source(%arg12 : memref<64x128xf32, #tpu.memory_space<vmem>>) target(%dma_start3A_812 : memref<10240x128xf32, #tpu.memory_space<vmem_shared>>) offsets(%dma_start3A_809 : memref<64xi32, #tpu.memory_space<vmem>>) semaphore(%arg19 : memref<!tpu.dma_semaphore, #tpu.memory_space<semaphore_mem>>) {add = true}
      %dma_wait3A_813 = arith.constant 1 : i32
      %dma_wait3A_814 = arith.constant 7 : i32
      %dma_wait3A_815 = arith.constant 0 : i32
      %dma_wait3A_816 = tpu.memref_slice %arg8[%dma_wait3A_813, %dma_wait3A_814, %dma_wait3A_815] : memref<2x10x64xi32, #tpu.memory_space<vmem>> -> memref<1x1x64xi32, #tpu.memory_space<vmem>>
      %dma_wait3A_817 = tpu.memref_squeeze %dma_wait3A_816 : memref<1x1x64xi32, #tpu.memory_space<vmem>> -> memref<64xi32, #tpu.memory_space<vmem>>
      %dma_wait3A_818 = arith.constant 0 : i32
      %dma_wait3A_819 = arith.constant 0 : i32
      %dma_wait3A_820 = tpu.memref_slice %arg6[%dma_wait3A_818, %dma_wait3A_819] : memref<10240x128xf32, #tpu.memory_space<vmem_shared>> -> memref<10240x128xf32, #tpu.memory_space<vmem_shared>>
      tpu.wait_indirect_dma semaphore(%arg18 : memref<!tpu.dma_semaphore, #tpu.memory_space<semaphore_mem>>) src(%arg11 : memref<64x128xf32, #tpu.memory_space<vmem>>) dst(%dma_wait3A_820 : memref<10240x128xf32, #tpu.memory_space<vmem_shared>>)
      %add3A_821 = arith.constant 1 : i32
      %add3A_822 = arith.addi %add3A_519, %add3A_821 : i32
      %lt3A_823 = arith.constant 16 : i32
      %lt3A_824 = arith.cmpi slt, %add3A_822, %lt3A_823 : i32
      %convert_element_type3A_825 = arith.extui %lt3A_824 : i1 to i32
      %cond3A_826 = arith.constant 0 : i32
      %cond3A_827 = arith.cmpi ne, %convert_element_type3A_825, %cond3A_826 : i32
      scf.if %cond3A_827 {
        %dma_start3A_860 = arith.constant 0 : i32
        %dma_start3A_861 = arith.constant 2 : i32
        %dma_start3A_862 = arith.constant 0 : i32
        %dma_start3A_863 = tpu.memref_slice %arg7[%dma_start3A_860, %dma_start3A_861, %dma_start3A_862] : memref<2x10x64xi32, #tpu.memory_space<vmem>> -> memref<1x1x64xi32, #tpu.memory_space<vmem>>
        %dma_start3A_864 = tpu.memref_squeeze %dma_start3A_863 : memref<1x1x64xi32, #tpu.memory_space<vmem>> -> memref<64xi32, #tpu.memory_space<vmem>>
        %dma_start3A_865 = arith.constant 0 : i32
        %dma_start3A_866 = arith.constant 0 : i32
        %dma_start3A_867 = tpu.memref_slice %arg2[%dma_start3A_865, %dma_start3A_866] : memref<10240x128xf32, #tpu.memory_space<hbm>> -> memref<10240x128xf32, #tpu.memory_space<hbm>>
        tpu.enqueue_indirect_dma source(%dma_start3A_867 : memref<10240x128xf32, #tpu.memory_space<hbm>>) target(%arg11 : memref<64x128xf32, #tpu.memory_space<vmem>>) offsets(%dma_start3A_864 : memref<64xi32, #tpu.memory_space<vmem>>) semaphore(%arg18 : memref<!tpu.dma_semaphore, #tpu.memory_space<semaphore_mem>>)
      } else {
      }
      %dma_wait3A_828 = arith.constant 1 : i32
      %dma_wait3A_829 = arith.constant 9 : i32
      %dma_wait3A_830 = arith.constant 0 : i32
      %dma_wait3A_831 = tpu.memref_slice %arg7[%dma_wait3A_828, %dma_wait3A_829, %dma_wait3A_830] : memref<2x10x64xi32, #tpu.memory_space<vmem>> -> memref<1x1x64xi32, #tpu.memory_space<vmem>>
      %dma_wait3A_832 = tpu.memref_squeeze %dma_wait3A_831 : memref<1x1x64xi32, #tpu.memory_space<vmem>> -> memref<64xi32, #tpu.memory_space<vmem>>
      %dma_wait3A_833 = arith.constant 0 : i32
      %dma_wait3A_834 = arith.constant 0 : i32
      %dma_wait3A_835 = tpu.memref_slice %arg2[%dma_wait3A_833, %dma_wait3A_834] : memref<10240x128xf32, #tpu.memory_space<hbm>> -> memref<10240x128xf32, #tpu.memory_space<hbm>>
      tpu.wait_indirect_dma semaphore(%arg20 : memref<!tpu.dma_semaphore, #tpu.memory_space<semaphore_mem>>) src(%dma_wait3A_835 : memref<10240x128xf32, #tpu.memory_space<hbm>>) dst(%arg13 : memref<64x128xf32, #tpu.memory_space<vmem>>)
      %dma_start3A_836 = arith.constant 1 : i32
      %dma_start3A_837 = arith.constant 9 : i32
      %dma_start3A_838 = arith.constant 0 : i32
      %dma_start3A_839 = tpu.memref_slice %arg8[%dma_start3A_836, %dma_start3A_837, %dma_start3A_838] : memref<2x10x64xi32, #tpu.memory_space<vmem>> -> memref<1x1x64xi32, #tpu.memory_space<vmem>>
      %dma_start3A_840 = tpu.memref_squeeze %dma_start3A_839 : memref<1x1x64xi32, #tpu.memory_space<vmem>> -> memref<64xi32, #tpu.memory_space<vmem>>
      %dma_start3A_841 = arith.constant 0 : i32
      %dma_start3A_842 = arith.constant 0 : i32
      %dma_start3A_843 = tpu.memref_slice %arg6[%dma_start3A_841, %dma_start3A_842] : memref<10240x128xf32, #tpu.memory_space<vmem_shared>> -> memref<10240x128xf32, #tpu.memory_space<vmem_shared>>
      tpu.enqueue_indirect_dma source(%arg13 : memref<64x128xf32, #tpu.memory_space<vmem>>) target(%dma_start3A_843 : memref<10240x128xf32, #tpu.memory_space<vmem_shared>>) offsets(%dma_start3A_840 : memref<64xi32, #tpu.memory_space<vmem>>) semaphore(%arg20 : memref<!tpu.dma_semaphore, #tpu.memory_space<semaphore_mem>>) {add = true}
      %dma_wait3A_844 = arith.constant 1 : i32
      %dma_wait3A_845 = arith.constant 8 : i32
      %dma_wait3A_846 = arith.constant 0 : i32
      %dma_wait3A_847 = tpu.memref_slice %arg8[%dma_wait3A_844, %dma_wait3A_845, %dma_wait3A_846] : memref<2x10x64xi32, #tpu.memory_space<vmem>> -> memref<1x1x64xi32, #tpu.memory_space<vmem>>
      %dma_wait3A_848 = tpu.memref_squeeze %dma_wait3A_847 : memref<1x1x64xi32, #tpu.memory_space<vmem>> -> memref<64xi32, #tpu.memory_space<vmem>>
      %dma_wait3A_849 = arith.constant 0 : i32
      %dma_wait3A_850 = arith.constant 0 : i32
      %dma_wait3A_851 = tpu.memref_slice %arg6[%dma_wait3A_849, %dma_wait3A_850] : memref<10240x128xf32, #tpu.memory_space<vmem_shared>> -> memref<10240x128xf32, #tpu.memory_space<vmem_shared>>
      tpu.wait_indirect_dma semaphore(%arg19 : memref<!tpu.dma_semaphore, #tpu.memory_space<semaphore_mem>>) src(%arg12 : memref<64x128xf32, #tpu.memory_space<vmem>>) dst(%dma_wait3A_851 : memref<10240x128xf32, #tpu.memory_space<vmem_shared>>)
      %add3A_852 = arith.constant 1 : i32
      %add3A_853 = arith.addi %add3A_519, %add3A_852 : i32
      %lt3A_854 = arith.constant 16 : i32
      %lt3A_855 = arith.cmpi slt, %add3A_853, %lt3A_854 : i32
      %convert_element_type3A_856 = arith.extui %lt3A_855 : i1 to i32
      %cond3A_857 = arith.constant 0 : i32
      %cond3A_858 = arith.cmpi ne, %convert_element_type3A_856, %cond3A_857 : i32
      scf.if %cond3A_858 {
        %dma_start3A_860 = arith.constant 0 : i32
        %dma_start3A_861 = arith.constant 3 : i32
        %dma_start3A_862 = arith.constant 0 : i32
        %dma_start3A_863 = tpu.memref_slice %arg7[%dma_start3A_860, %dma_start3A_861, %dma_start3A_862] : memref<2x10x64xi32, #tpu.memory_space<vmem>> -> memref<1x1x64xi32, #tpu.memory_space<vmem>>
        %dma_start3A_864 = tpu.memref_squeeze %dma_start3A_863 : memref<1x1x64xi32, #tpu.memory_space<vmem>> -> memref<64xi32, #tpu.memory_space<vmem>>
        %dma_start3A_865 = arith.constant 0 : i32
        %dma_start3A_866 = arith.constant 0 : i32
        %dma_start3A_867 = tpu.memref_slice %arg2[%dma_start3A_865, %dma_start3A_866] : memref<10240x128xf32, #tpu.memory_space<hbm>> -> memref<10240x128xf32, #tpu.memory_space<hbm>>
        tpu.enqueue_indirect_dma source(%dma_start3A_867 : memref<10240x128xf32, #tpu.memory_space<hbm>>) target(%arg12 : memref<64x128xf32, #tpu.memory_space<vmem>>) offsets(%dma_start3A_864 : memref<64xi32, #tpu.memory_space<vmem>>) semaphore(%arg19 : memref<!tpu.dma_semaphore, #tpu.memory_space<semaphore_mem>>)
      } else {
      }
      %scan3A_859 = arith.constant 0 : i32
      scf.yield %scan3A_859 : i32
    }
    %scan3A_87 = arith.constant 8 : i32
    %dma_wait3A = arith.constant 1 : i32
    %dma_wait3A_88 = arith.constant 9 : i32
    %dma_wait3A_89 = arith.constant 0 : i32
    %dma_wait3A_90 = tpu.memref_slice %arg8[%dma_wait3A, %dma_wait3A_88, %dma_wait3A_89] : memref<2x10x64xi32, #tpu.memory_space<vmem>> -> memref<1x1x64xi32, #tpu.memory_space<vmem>>
    %dma_wait3A_91 = tpu.memref_squeeze %dma_wait3A_90 : memref<1x1x64xi32, #tpu.memory_space<vmem>> -> memref<64xi32, #tpu.memory_space<vmem>>
    %dma_wait3A_92 = arith.constant 0 : i32
    %dma_wait3A_93 = arith.constant 0 : i32
    %dma_wait3A_94 = tpu.memref_slice %arg6[%dma_wait3A_92, %dma_wait3A_93] : memref<10240x128xf32, #tpu.memory_space<vmem_shared>> -> memref<10240x128xf32, #tpu.memory_space<vmem_shared>>
    tpu.wait_indirect_dma semaphore(%arg20 : memref<!tpu.dma_semaphore, #tpu.memory_space<semaphore_mem>>) src(%arg13 : memref<64x128xf32, #tpu.memory_space<vmem>>) dst(%dma_wait3A_94 : memref<10240x128xf32, #tpu.memory_space<vmem_shared>>)
    %barrier3A_95 = arith.constant 0 : index
    tpu.barrier barrier_id(%barrier3A_95)
    %mul3A_96 = arith.constant 640 : i32
    %mul3A_97 = arith.muli %arg1, %mul3A_96 : i32
    %add3A_98 = arith.constant 0 : i32
    %add3A_99 = arith.addi %mul3A_97, %add3A_98 : i32
    %mul3A_100 = arith.constant 640 : i32
    %mul3A_101 = arith.muli %arg1, %mul3A_100 : i32
    %add3A_102 = arith.constant 0 : i32
    %add3A_103 = arith.addi %mul3A_101, %add3A_102 : i32
    "tpu.region"() ({
      %run_scoped3A_176 = tpu.sem_alloc : memref<!tpu.dma_semaphore, #tpu.memory_space<semaphore_mem>>
      %dma_start3A_177 = arith.constant 0 : i32
      %dma_start3A_178 = tpu.memref_slice %arg5[%arg0, %add3A_103, %dma_start3A_177] : memref<2x10240x128xf32, #tpu.memory_space<hbm>> -> memref<1x64x128xf32, #tpu.memory_space<hbm>>
      %dma_start3A_179 = tpu.memref_squeeze %dma_start3A_178 : memref<1x64x128xf32, #tpu.memory_space<hbm>> -> memref<64x128xf32, #tpu.memory_space<hbm>>
      %dma_start3A_180 = arith.constant 0 : i32
      %dma_start3A_181 = tpu.memref_slice %arg6[%add3A_99, %dma_start3A_180] : memref<10240x128xf32, #tpu.memory_space<vmem_shared>> -> memref<64x128xf32, #tpu.memory_space<vmem_shared>>
      tpu.enqueue_dma source(%dma_start3A_181 : memref<64x128xf32, #tpu.memory_space<vmem_shared>>) target(%dma_start3A_179 : memref<64x128xf32, #tpu.memory_space<hbm>>) target_semaphore(%run_scoped3A_176 : memref<!tpu.dma_semaphore, #tpu.memory_space<semaphore_mem>>)
      %dma_wait3A_182 = arith.constant 0 : i32
      %dma_wait3A_183 = tpu.memref_slice %arg5[%arg0, %add3A_103, %dma_wait3A_182] : memref<2x10240x128xf32, #tpu.memory_space<hbm>> -> memref<1x64x128xf32, #tpu.memory_space<hbm>>
      %dma_wait3A_184 = tpu.memref_squeeze %dma_wait3A_183 : memref<1x64x128xf32, #tpu.memory_space<hbm>> -> memref<64x128xf32, #tpu.memory_space<hbm>>
      %dma_wait3A_185 = arith.constant 0 : i32
      %dma_wait3A_186 = tpu.memref_slice %arg6[%add3A_99, %dma_wait3A_185] : memref<10240x128xf32, #tpu.memory_space<vmem_shared>> -> memref<64x128xf32, #tpu.memory_space<vmem_shared>>
      tpu.wait_dma2 semaphore(%run_scoped3A_176 : memref<!tpu.dma_semaphore, #tpu.memory_space<semaphore_mem>>) src(%dma_wait3A_186 : memref<64x128xf32, #tpu.memory_space<vmem_shared>>) dst(%dma_wait3A_184 : memref<64x128xf32, #tpu.memory_space<hbm>>)
      tpu.yield
    }) : () -> ()
    %mul3A_104 = arith.constant 640 : i32
    %mul3A_105 = arith.muli %arg1, %mul3A_104 : i32
    %add3A_106 = arith.constant 64 : i32
    %add3A_107 = arith.addi %mul3A_105, %add3A_106 : i32
    %mul3A_108 = arith.constant 640 : i32
    %mul3A_109 = arith.muli %arg1, %mul3A_108 : i32
    %add3A_110 = arith.constant 64 : i32
    %add3A_111 = arith.addi %mul3A_109, %add3A_110 : i32
    "tpu.region"() ({
      %run_scoped3A_176 = tpu.sem_alloc : memref<!tpu.dma_semaphore, #tpu.memory_space<semaphore_mem>>
      %dma_start3A_177 = arith.constant 0 : i32
      %dma_start3A_178 = tpu.memref_slice %arg5[%arg0, %add3A_111, %dma_start3A_177] : memref<2x10240x128xf32, #tpu.memory_space<hbm>> -> memref<1x64x128xf32, #tpu.memory_space<hbm>>
      %dma_start3A_179 = tpu.memref_squeeze %dma_start3A_178 : memref<1x64x128xf32, #tpu.memory_space<hbm>> -> memref<64x128xf32, #tpu.memory_space<hbm>>
      %dma_start3A_180 = arith.constant 0 : i32
      %dma_start3A_181 = tpu.memref_slice %arg6[%add3A_107, %dma_start3A_180] : memref<10240x128xf32, #tpu.memory_space<vmem_shared>> -> memref<64x128xf32, #tpu.memory_space<vmem_shared>>
      tpu.enqueue_dma source(%dma_start3A_181 : memref<64x128xf32, #tpu.memory_space<vmem_shared>>) target(%dma_start3A_179 : memref<64x128xf32, #tpu.memory_space<hbm>>) target_semaphore(%run_scoped3A_176 : memref<!tpu.dma_semaphore, #tpu.memory_space<semaphore_mem>>)
      %dma_wait3A_182 = arith.constant 0 : i32
      %dma_wait3A_183 = tpu.memref_slice %arg5[%arg0, %add3A_111, %dma_wait3A_182] : memref<2x10240x128xf32, #tpu.memory_space<hbm>> -> memref<1x64x128xf32, #tpu.memory_space<hbm>>
      %dma_wait3A_184 = tpu.memref_squeeze %dma_wait3A_183 : memref<1x64x128xf32, #tpu.memory_space<hbm>> -> memref<64x128xf32, #tpu.memory_space<hbm>>
      %dma_wait3A_185 = arith.constant 0 : i32
      %dma_wait3A_186 = tpu.memref_slice %arg6[%add3A_107, %dma_wait3A_185] : memref<10240x128xf32, #tpu.memory_space<vmem_shared>> -> memref<64x128xf32, #tpu.memory_space<vmem_shared>>
      tpu.wait_dma2 semaphore(%run_scoped3A_176 : memref<!tpu.dma_semaphore, #tpu.memory_space<semaphore_mem>>) src(%dma_wait3A_186 : memref<64x128xf32, #tpu.memory_space<vmem_shared>>) dst(%dma_wait3A_184 : memref<64x128xf32, #tpu.memory_space<hbm>>)
      tpu.yield
    }) : () -> ()
    %mul3A_112 = arith.constant 640 : i32
    %mul3A_113 = arith.muli %arg1, %mul3A_112 : i32
    %add3A_114 = arith.constant 128 : i32
    %add3A_115 = arith.addi %mul3A_113, %add3A_114 : i32
    %mul3A_116 = arith.constant 640 : i32
    %mul3A_117 = arith.muli %arg1, %mul3A_116 : i32
    %add3A_118 = arith.constant 128 : i32
    %add3A_119 = arith.addi %mul3A_117, %add3A_118 : i32
    "tpu.region"() ({
      %run_scoped3A_176 = tpu.sem_alloc : memref<!tpu.dma_semaphore, #tpu.memory_space<semaphore_mem>>
      %dma_start3A_177 = arith.constant 0 : i32
      %dma_start3A_178 = tpu.memref_slice %arg5[%arg0, %add3A_119, %dma_start3A_177] : memref<2x10240x128xf32, #tpu.memory_space<hbm>> -> memref<1x64x128xf32, #tpu.memory_space<hbm>>
      %dma_start3A_179 = tpu.memref_squeeze %dma_start3A_178 : memref<1x64x128xf32, #tpu.memory_space<hbm>> -> memref<64x128xf32, #tpu.memory_space<hbm>>
      %dma_start3A_180 = arith.constant 0 : i32
      %dma_start3A_181 = tpu.memref_slice %arg6[%add3A_115, %dma_start3A_180] : memref<10240x128xf32, #tpu.memory_space<vmem_shared>> -> memref<64x128xf32, #tpu.memory_space<vmem_shared>>
      tpu.enqueue_dma source(%dma_start3A_181 : memref<64x128xf32, #tpu.memory_space<vmem_shared>>) target(%dma_start3A_179 : memref<64x128xf32, #tpu.memory_space<hbm>>) target_semaphore(%run_scoped3A_176 : memref<!tpu.dma_semaphore, #tpu.memory_space<semaphore_mem>>)
      %dma_wait3A_182 = arith.constant 0 : i32
      %dma_wait3A_183 = tpu.memref_slice %arg5[%arg0, %add3A_119, %dma_wait3A_182] : memref<2x10240x128xf32, #tpu.memory_space<hbm>> -> memref<1x64x128xf32, #tpu.memory_space<hbm>>
      %dma_wait3A_184 = tpu.memref_squeeze %dma_wait3A_183 : memref<1x64x128xf32, #tpu.memory_space<hbm>> -> memref<64x128xf32, #tpu.memory_space<hbm>>
      %dma_wait3A_185 = arith.constant 0 : i32
      %dma_wait3A_186 = tpu.memref_slice %arg6[%add3A_115, %dma_wait3A_185] : memref<10240x128xf32, #tpu.memory_space<vmem_shared>> -> memref<64x128xf32, #tpu.memory_space<vmem_shared>>
      tpu.wait_dma2 semaphore(%run_scoped3A_176 : memref<!tpu.dma_semaphore, #tpu.memory_space<semaphore_mem>>) src(%dma_wait3A_186 : memref<64x128xf32, #tpu.memory_space<vmem_shared>>) dst(%dma_wait3A_184 : memref<64x128xf32, #tpu.memory_space<hbm>>)
      tpu.yield
    }) : () -> ()
    %mul3A_120 = arith.constant 640 : i32
    %mul3A_121 = arith.muli %arg1, %mul3A_120 : i32
    %add3A_122 = arith.constant 192 : i32
    %add3A_123 = arith.addi %mul3A_121, %add3A_122 : i32
    %mul3A_124 = arith.constant 640 : i32
    %mul3A_125 = arith.muli %arg1, %mul3A_124 : i32
    %add3A_126 = arith.constant 192 : i32
    %add3A_127 = arith.addi %mul3A_125, %add3A_126 : i32
    "tpu.region"() ({
      %run_scoped3A_176 = tpu.sem_alloc : memref<!tpu.dma_semaphore, #tpu.memory_space<semaphore_mem>>
      %dma_start3A_177 = arith.constant 0 : i32
      %dma_start3A_178 = tpu.memref_slice %arg5[%arg0, %add3A_127, %dma_start3A_177] : memref<2x10240x128xf32, #tpu.memory_space<hbm>> -> memref<1x64x128xf32, #tpu.memory_space<hbm>>
      %dma_start3A_179 = tpu.memref_squeeze %dma_start3A_178 : memref<1x64x128xf32, #tpu.memory_space<hbm>> -> memref<64x128xf32, #tpu.memory_space<hbm>>
      %dma_start3A_180 = arith.constant 0 : i32
      %dma_start3A_181 = tpu.memref_slice %arg6[%add3A_123, %dma_start3A_180] : memref<10240x128xf32, #tpu.memory_space<vmem_shared>> -> memref<64x128xf32, #tpu.memory_space<vmem_shared>>
      tpu.enqueue_dma source(%dma_start3A_181 : memref<64x128xf32, #tpu.memory_space<vmem_shared>>) target(%dma_start3A_179 : memref<64x128xf32, #tpu.memory_space<hbm>>) target_semaphore(%run_scoped3A_176 : memref<!tpu.dma_semaphore, #tpu.memory_space<semaphore_mem>>)
      %dma_wait3A_182 = arith.constant 0 : i32
      %dma_wait3A_183 = tpu.memref_slice %arg5[%arg0, %add3A_127, %dma_wait3A_182] : memref<2x10240x128xf32, #tpu.memory_space<hbm>> -> memref<1x64x128xf32, #tpu.memory_space<hbm>>
      %dma_wait3A_184 = tpu.memref_squeeze %dma_wait3A_183 : memref<1x64x128xf32, #tpu.memory_space<hbm>> -> memref<64x128xf32, #tpu.memory_space<hbm>>
      %dma_wait3A_185 = arith.constant 0 : i32
      %dma_wait3A_186 = tpu.memref_slice %arg6[%add3A_123, %dma_wait3A_185] : memref<10240x128xf32, #tpu.memory_space<vmem_shared>> -> memref<64x128xf32, #tpu.memory_space<vmem_shared>>
      tpu.wait_dma2 semaphore(%run_scoped3A_176 : memref<!tpu.dma_semaphore, #tpu.memory_space<semaphore_mem>>) src(%dma_wait3A_186 : memref<64x128xf32, #tpu.memory_space<vmem_shared>>) dst(%dma_wait3A_184 : memref<64x128xf32, #tpu.memory_space<hbm>>)
      tpu.yield
    }) : () -> ()
    %mul3A_128 = arith.constant 640 : i32
    %mul3A_129 = arith.muli %arg1, %mul3A_128 : i32
    %add3A_130 = arith.constant 256 : i32
    %add3A_131 = arith.addi %mul3A_129, %add3A_130 : i32
    %mul3A_132 = arith.constant 640 : i32
    %mul3A_133 = arith.muli %arg1, %mul3A_132 : i32
    %add3A_134 = arith.constant 256 : i32
    %add3A_135 = arith.addi %mul3A_133, %add3A_134 : i32
    "tpu.region"() ({
      %run_scoped3A_176 = tpu.sem_alloc : memref<!tpu.dma_semaphore, #tpu.memory_space<semaphore_mem>>
      %dma_start3A_177 = arith.constant 0 : i32
      %dma_start3A_178 = tpu.memref_slice %arg5[%arg0, %add3A_135, %dma_start3A_177] : memref<2x10240x128xf32, #tpu.memory_space<hbm>> -> memref<1x64x128xf32, #tpu.memory_space<hbm>>
      %dma_start3A_179 = tpu.memref_squeeze %dma_start3A_178 : memref<1x64x128xf32, #tpu.memory_space<hbm>> -> memref<64x128xf32, #tpu.memory_space<hbm>>
      %dma_start3A_180 = arith.constant 0 : i32
      %dma_start3A_181 = tpu.memref_slice %arg6[%add3A_131, %dma_start3A_180] : memref<10240x128xf32, #tpu.memory_space<vmem_shared>> -> memref<64x128xf32, #tpu.memory_space<vmem_shared>>
      tpu.enqueue_dma source(%dma_start3A_181 : memref<64x128xf32, #tpu.memory_space<vmem_shared>>) target(%dma_start3A_179 : memref<64x128xf32, #tpu.memory_space<hbm>>) target_semaphore(%run_scoped3A_176 : memref<!tpu.dma_semaphore, #tpu.memory_space<semaphore_mem>>)
      %dma_wait3A_182 = arith.constant 0 : i32
      %dma_wait3A_183 = tpu.memref_slice %arg5[%arg0, %add3A_135, %dma_wait3A_182] : memref<2x10240x128xf32, #tpu.memory_space<hbm>> -> memref<1x64x128xf32, #tpu.memory_space<hbm>>
      %dma_wait3A_184 = tpu.memref_squeeze %dma_wait3A_183 : memref<1x64x128xf32, #tpu.memory_space<hbm>> -> memref<64x128xf32, #tpu.memory_space<hbm>>
      %dma_wait3A_185 = arith.constant 0 : i32
      %dma_wait3A_186 = tpu.memref_slice %arg6[%add3A_131, %dma_wait3A_185] : memref<10240x128xf32, #tpu.memory_space<vmem_shared>> -> memref<64x128xf32, #tpu.memory_space<vmem_shared>>
      tpu.wait_dma2 semaphore(%run_scoped3A_176 : memref<!tpu.dma_semaphore, #tpu.memory_space<semaphore_mem>>) src(%dma_wait3A_186 : memref<64x128xf32, #tpu.memory_space<vmem_shared>>) dst(%dma_wait3A_184 : memref<64x128xf32, #tpu.memory_space<hbm>>)
      tpu.yield
    }) : () -> ()
    %mul3A_136 = arith.constant 640 : i32
    %mul3A_137 = arith.muli %arg1, %mul3A_136 : i32
    %add3A_138 = arith.constant 320 : i32
    %add3A_139 = arith.addi %mul3A_137, %add3A_138 : i32
    %mul3A_140 = arith.constant 640 : i32
    %mul3A_141 = arith.muli %arg1, %mul3A_140 : i32
    %add3A_142 = arith.constant 320 : i32
    %add3A_143 = arith.addi %mul3A_141, %add3A_142 : i32
    "tpu.region"() ({
      %run_scoped3A_176 = tpu.sem_alloc : memref<!tpu.dma_semaphore, #tpu.memory_space<semaphore_mem>>
      %dma_start3A_177 = arith.constant 0 : i32
      %dma_start3A_178 = tpu.memref_slice %arg5[%arg0, %add3A_143, %dma_start3A_177] : memref<2x10240x128xf32, #tpu.memory_space<hbm>> -> memref<1x64x128xf32, #tpu.memory_space<hbm>>
      %dma_start3A_179 = tpu.memref_squeeze %dma_start3A_178 : memref<1x64x128xf32, #tpu.memory_space<hbm>> -> memref<64x128xf32, #tpu.memory_space<hbm>>
      %dma_start3A_180 = arith.constant 0 : i32
      %dma_start3A_181 = tpu.memref_slice %arg6[%add3A_139, %dma_start3A_180] : memref<10240x128xf32, #tpu.memory_space<vmem_shared>> -> memref<64x128xf32, #tpu.memory_space<vmem_shared>>
      tpu.enqueue_dma source(%dma_start3A_181 : memref<64x128xf32, #tpu.memory_space<vmem_shared>>) target(%dma_start3A_179 : memref<64x128xf32, #tpu.memory_space<hbm>>) target_semaphore(%run_scoped3A_176 : memref<!tpu.dma_semaphore, #tpu.memory_space<semaphore_mem>>)
      %dma_wait3A_182 = arith.constant 0 : i32
      %dma_wait3A_183 = tpu.memref_slice %arg5[%arg0, %add3A_143, %dma_wait3A_182] : memref<2x10240x128xf32, #tpu.memory_space<hbm>> -> memref<1x64x128xf32, #tpu.memory_space<hbm>>
      %dma_wait3A_184 = tpu.memref_squeeze %dma_wait3A_183 : memref<1x64x128xf32, #tpu.memory_space<hbm>> -> memref<64x128xf32, #tpu.memory_space<hbm>>
      %dma_wait3A_185 = arith.constant 0 : i32
      %dma_wait3A_186 = tpu.memref_slice %arg6[%add3A_139, %dma_wait3A_185] : memref<10240x128xf32, #tpu.memory_space<vmem_shared>> -> memref<64x128xf32, #tpu.memory_space<vmem_shared>>
      tpu.wait_dma2 semaphore(%run_scoped3A_176 : memref<!tpu.dma_semaphore, #tpu.memory_space<semaphore_mem>>) src(%dma_wait3A_186 : memref<64x128xf32, #tpu.memory_space<vmem_shared>>) dst(%dma_wait3A_184 : memref<64x128xf32, #tpu.memory_space<hbm>>)
      tpu.yield
    }) : () -> ()
    %mul3A_144 = arith.constant 640 : i32
    %mul3A_145 = arith.muli %arg1, %mul3A_144 : i32
    %add3A_146 = arith.constant 384 : i32
    %add3A_147 = arith.addi %mul3A_145, %add3A_146 : i32
    %mul3A_148 = arith.constant 640 : i32
    %mul3A_149 = arith.muli %arg1, %mul3A_148 : i32
    %add3A_150 = arith.constant 384 : i32
    %add3A_151 = arith.addi %mul3A_149, %add3A_150 : i32
    "tpu.region"() ({
      %run_scoped3A_176 = tpu.sem_alloc : memref<!tpu.dma_semaphore, #tpu.memory_space<semaphore_mem>>
      %dma_start3A_177 = arith.constant 0 : i32
      %dma_start3A_178 = tpu.memref_slice %arg5[%arg0, %add3A_151, %dma_start3A_177] : memref<2x10240x128xf32, #tpu.memory_space<hbm>> -> memref<1x64x128xf32, #tpu.memory_space<hbm>>
      %dma_start3A_179 = tpu.memref_squeeze %dma_start3A_178 : memref<1x64x128xf32, #tpu.memory_space<hbm>> -> memref<64x128xf32, #tpu.memory_space<hbm>>
      %dma_start3A_180 = arith.constant 0 : i32
      %dma_start3A_181 = tpu.memref_slice %arg6[%add3A_147, %dma_start3A_180] : memref<10240x128xf32, #tpu.memory_space<vmem_shared>> -> memref<64x128xf32, #tpu.memory_space<vmem_shared>>
      tpu.enqueue_dma source(%dma_start3A_181 : memref<64x128xf32, #tpu.memory_space<vmem_shared>>) target(%dma_start3A_179 : memref<64x128xf32, #tpu.memory_space<hbm>>) target_semaphore(%run_scoped3A_176 : memref<!tpu.dma_semaphore, #tpu.memory_space<semaphore_mem>>)
      %dma_wait3A_182 = arith.constant 0 : i32
      %dma_wait3A_183 = tpu.memref_slice %arg5[%arg0, %add3A_151, %dma_wait3A_182] : memref<2x10240x128xf32, #tpu.memory_space<hbm>> -> memref<1x64x128xf32, #tpu.memory_space<hbm>>
      %dma_wait3A_184 = tpu.memref_squeeze %dma_wait3A_183 : memref<1x64x128xf32, #tpu.memory_space<hbm>> -> memref<64x128xf32, #tpu.memory_space<hbm>>
      %dma_wait3A_185 = arith.constant 0 : i32
      %dma_wait3A_186 = tpu.memref_slice %arg6[%add3A_147, %dma_wait3A_185] : memref<10240x128xf32, #tpu.memory_space<vmem_shared>> -> memref<64x128xf32, #tpu.memory_space<vmem_shared>>
      tpu.wait_dma2 semaphore(%run_scoped3A_176 : memref<!tpu.dma_semaphore, #tpu.memory_space<semaphore_mem>>) src(%dma_wait3A_186 : memref<64x128xf32, #tpu.memory_space<vmem_shared>>) dst(%dma_wait3A_184 : memref<64x128xf32, #tpu.memory_space<hbm>>)
      tpu.yield
    }) : () -> ()
    %mul3A_152 = arith.constant 640 : i32
    %mul3A_153 = arith.muli %arg1, %mul3A_152 : i32
    %add3A_154 = arith.constant 448 : i32
    %add3A_155 = arith.addi %mul3A_153, %add3A_154 : i32
    %mul3A_156 = arith.constant 640 : i32
    %mul3A_157 = arith.muli %arg1, %mul3A_156 : i32
    %add3A_158 = arith.constant 448 : i32
    %add3A_159 = arith.addi %mul3A_157, %add3A_158 : i32
    "tpu.region"() ({
      %run_scoped3A_176 = tpu.sem_alloc : memref<!tpu.dma_semaphore, #tpu.memory_space<semaphore_mem>>
      %dma_start3A_177 = arith.constant 0 : i32
      %dma_start3A_178 = tpu.memref_slice %arg5[%arg0, %add3A_159, %dma_start3A_177] : memref<2x10240x128xf32, #tpu.memory_space<hbm>> -> memref<1x64x128xf32, #tpu.memory_space<hbm>>
      %dma_start3A_179 = tpu.memref_squeeze %dma_start3A_178 : memref<1x64x128xf32, #tpu.memory_space<hbm>> -> memref<64x128xf32, #tpu.memory_space<hbm>>
      %dma_start3A_180 = arith.constant 0 : i32
      %dma_start3A_181 = tpu.memref_slice %arg6[%add3A_155, %dma_start3A_180] : memref<10240x128xf32, #tpu.memory_space<vmem_shared>> -> memref<64x128xf32, #tpu.memory_space<vmem_shared>>
      tpu.enqueue_dma source(%dma_start3A_181 : memref<64x128xf32, #tpu.memory_space<vmem_shared>>) target(%dma_start3A_179 : memref<64x128xf32, #tpu.memory_space<hbm>>) target_semaphore(%run_scoped3A_176 : memref<!tpu.dma_semaphore, #tpu.memory_space<semaphore_mem>>)
      %dma_wait3A_182 = arith.constant 0 : i32
      %dma_wait3A_183 = tpu.memref_slice %arg5[%arg0, %add3A_159, %dma_wait3A_182] : memref<2x10240x128xf32, #tpu.memory_space<hbm>> -> memref<1x64x128xf32, #tpu.memory_space<hbm>>
      %dma_wait3A_184 = tpu.memref_squeeze %dma_wait3A_183 : memref<1x64x128xf32, #tpu.memory_space<hbm>> -> memref<64x128xf32, #tpu.memory_space<hbm>>
      %dma_wait3A_185 = arith.constant 0 : i32
      %dma_wait3A_186 = tpu.memref_slice %arg6[%add3A_155, %dma_wait3A_185] : memref<10240x128xf32, #tpu.memory_space<vmem_shared>> -> memref<64x128xf32, #tpu.memory_space<vmem_shared>>
      tpu.wait_dma2 semaphore(%run_scoped3A_176 : memref<!tpu.dma_semaphore, #tpu.memory_space<semaphore_mem>>) src(%dma_wait3A_186 : memref<64x128xf32, #tpu.memory_space<vmem_shared>>) dst(%dma_wait3A_184 : memref<64x128xf32, #tpu.memory_space<hbm>>)
      tpu.yield
    }) : () -> ()
    %mul3A_160 = arith.constant 640 : i32
    %mul3A_161 = arith.muli %arg1, %mul3A_160 : i32
    %add3A_162 = arith.constant 512 : i32
    %add3A_163 = arith.addi %mul3A_161, %add3A_162 : i32
    %mul3A_164 = arith.constant 640 : i32
    %mul3A_165 = arith.muli %arg1, %mul3A_164 : i32
    %add3A_166 = arith.constant 512 : i32
    %add3A_167 = arith.addi %mul3A_165, %add3A_166 : i32
    "tpu.region"() ({
      %run_scoped3A_176 = tpu.sem_alloc : memref<!tpu.dma_semaphore, #tpu.memory_space<semaphore_mem>>
      %dma_start3A_177 = arith.constant 0 : i32
      %dma_start3A_178 = tpu.memref_slice %arg5[%arg0, %add3A_167, %dma_start3A_177] : memref<2x10240x128xf32, #tpu.memory_space<hbm>> -> memref<1x64x128xf32, #tpu.memory_space<hbm>>
      %dma_start3A_179 = tpu.memref_squeeze %dma_start3A_178 : memref<1x64x128xf32, #tpu.memory_space<hbm>> -> memref<64x128xf32, #tpu.memory_space<hbm>>
      %dma_start3A_180 = arith.constant 0 : i32
      %dma_start3A_181 = tpu.memref_slice %arg6[%add3A_163, %dma_start3A_180] : memref<10240x128xf32, #tpu.memory_space<vmem_shared>> -> memref<64x128xf32, #tpu.memory_space<vmem_shared>>
      tpu.enqueue_dma source(%dma_start3A_181 : memref<64x128xf32, #tpu.memory_space<vmem_shared>>) target(%dma_start3A_179 : memref<64x128xf32, #tpu.memory_space<hbm>>) target_semaphore(%run_scoped3A_176 : memref<!tpu.dma_semaphore, #tpu.memory_space<semaphore_mem>>)
      %dma_wait3A_182 = arith.constant 0 : i32
      %dma_wait3A_183 = tpu.memref_slice %arg5[%arg0, %add3A_167, %dma_wait3A_182] : memref<2x10240x128xf32, #tpu.memory_space<hbm>> -> memref<1x64x128xf32, #tpu.memory_space<hbm>>
      %dma_wait3A_184 = tpu.memref_squeeze %dma_wait3A_183 : memref<1x64x128xf32, #tpu.memory_space<hbm>> -> memref<64x128xf32, #tpu.memory_space<hbm>>
      %dma_wait3A_185 = arith.constant 0 : i32
      %dma_wait3A_186 = tpu.memref_slice %arg6[%add3A_163, %dma_wait3A_185] : memref<10240x128xf32, #tpu.memory_space<vmem_shared>> -> memref<64x128xf32, #tpu.memory_space<vmem_shared>>
      tpu.wait_dma2 semaphore(%run_scoped3A_176 : memref<!tpu.dma_semaphore, #tpu.memory_space<semaphore_mem>>) src(%dma_wait3A_186 : memref<64x128xf32, #tpu.memory_space<vmem_shared>>) dst(%dma_wait3A_184 : memref<64x128xf32, #tpu.memory_space<hbm>>)
      tpu.yield
    }) : () -> ()
    %mul3A_168 = arith.constant 640 : i32
    %mul3A_169 = arith.muli %arg1, %mul3A_168 : i32
    %add3A_170 = arith.constant 576 : i32
    %add3A_171 = arith.addi %mul3A_169, %add3A_170 : i32
    %mul3A_172 = arith.constant 640 : i32
    %mul3A_173 = arith.muli %arg1, %mul3A_172 : i32
    %add3A_174 = arith.constant 576 : i32
    %add3A_175 = arith.addi %mul3A_173, %add3A_174 : i32
    "tpu.region"() ({
      %run_scoped3A_176 = tpu.sem_alloc : memref<!tpu.dma_semaphore, #tpu.memory_space<semaphore_mem>>
      %dma_start3A_177 = arith.constant 0 : i32
      %dma_start3A_178 = tpu.memref_slice %arg5[%arg0, %add3A_175, %dma_start3A_177] : memref<2x10240x128xf32, #tpu.memory_space<hbm>> -> memref<1x64x128xf32, #tpu.memory_space<hbm>>
      %dma_start3A_179 = tpu.memref_squeeze %dma_start3A_178 : memref<1x64x128xf32, #tpu.memory_space<hbm>> -> memref<64x128xf32, #tpu.memory_space<hbm>>
      %dma_start3A_180 = arith.constant 0 : i32
      %dma_start3A_181 = tpu.memref_slice %arg6[%add3A_171, %dma_start3A_180] : memref<10240x128xf32, #tpu.memory_space<vmem_shared>> -> memref<64x128xf32, #tpu.memory_space<vmem_shared>>
      tpu.enqueue_dma source(%dma_start3A_181 : memref<64x128xf32, #tpu.memory_space<vmem_shared>>) target(%dma_start3A_179 : memref<64x128xf32, #tpu.memory_space<hbm>>) target_semaphore(%run_scoped3A_176 : memref<!tpu.dma_semaphore, #tpu.memory_space<semaphore_mem>>)
      %dma_wait3A_182 = arith.constant 0 : i32
      %dma_wait3A_183 = tpu.memref_slice %arg5[%arg0, %add3A_175, %dma_wait3A_182] : memref<2x10240x128xf32, #tpu.memory_space<hbm>> -> memref<1x64x128xf32, #tpu.memory_space<hbm>>
      %dma_wait3A_184 = tpu.memref_squeeze %dma_wait3A_183 : memref<1x64x128xf32, #tpu.memory_space<hbm>> -> memref<64x128xf32, #tpu.memory_space<hbm>>
      %dma_wait3A_185 = arith.constant 0 : i32
      %dma_wait3A_186 = tpu.memref_slice %arg6[%add3A_171, %dma_wait3A_185] : memref<10240x128xf32, #tpu.memory_space<vmem_shared>> -> memref<64x128xf32, #tpu.memory_space<vmem_shared>>
      tpu.wait_dma2 semaphore(%run_scoped3A_176 : memref<!tpu.dma_semaphore, #tpu.memory_space<semaphore_mem>>) src(%dma_wait3A_186 : memref<64x128xf32, #tpu.memory_space<vmem_shared>>) dst(%dma_wait3A_184 : memref<64x128xf32, #tpu.memory_space<hbm>>)
      tpu.yield
    }) : () -> ()
    return
  }
}

#map = affine_map<(d0, d1) -> (0, 0, 0)>
#map1 = affine_map<(d0, d1) -> (0, 0)>
module attributes {stable_mosaic.version = 14 : i64} {
  func.func @_deg_body(%arg0: i32, %arg1: i32, %arg2: memref<32x80x128xi32, #tpu.memory_space<hbm>>, %arg3: memref<2x10240xf32, #tpu.memory_space<hbm>>, %arg4: memref<10240xf32, #tpu.memory_space<vmem_shared>>, %arg5: memref<80x128xi32, #tpu.memory_space<vmem>>, %arg6: memref<128xf32, #tpu.memory_space<vmem>>, %arg7: memref<640xf32, #tpu.memory_space<vmem>>) attributes {dimension_semantics = [#tpu.dimension_semantics<core_parallel>, #tpu.dimension_semantics<subcore_parallel>], iteration_bounds = array<i64: 2, 16>, scalar_prefetch = 0 : i64, scratch_operands = 4 : i64, tpu.core_type = #tpu.core_type<sc_vector_subcore>, window_params = [{transform_indices = #map}, {transform_indices = #map1}]} {
    %mul3A = arith.constant 16 : i32
    %mul3A_0 = arith.muli %arg0, %mul3A : i32
    %add3A = arith.addi %mul3A_0, %arg1 : i32
    %scan3A = arith.constant 0 : i32
    %scan3A_1 = arith.constant 0 : i32
    %scan3A_2 = arith.constant 40 : i32
    %scan3A_3 = arith.addi %scan3A_1, %scan3A_2 : i32
    %scan3A_4 = arith.constant 1 : i32
    %scan3A_5 = scf.for %scan3A_28 = %scan3A_1 to %scan3A_3 step %scan3A_4 iter_args(%scan3A_29 = %scan3A) -> (i32)  : i32 {
      %broadcast_in_dim3A = arith.constant 0.000000e+00 : f32
      %broadcast_in_dim3A_30 = vector.broadcast %broadcast_in_dim3A : f32 to vector<16xf32>
      %mul3A_31 = arith.constant 16 : i32
      %mul3A_32 = arith.muli %scan3A_28, %mul3A_31 : i32
      %swap3A = arith.index_cast %mul3A_32 : i32 to index
      %swap3A_33 = tpu.vector_load %arg7[%swap3A] {strides = array<i32>} : memref<640xf32, #tpu.memory_space<vmem>>, vector<16xf32>,
      %swap3A_34 = vector.shape_cast %swap3A_33 : vector<16xf32> to vector<16xf32>
      %swap3A_35 = vector.shape_cast %broadcast_in_dim3A_30 : vector<16xf32> to vector<16xf32>
      tpu.vector_store %arg7[%swap3A], %swap3A_35 {strides = array<i32>} : memref<640xf32, #tpu.memory_space<vmem>>, vector<16xf32>,
      %scan3A_36 = arith.constant 0 : i32
      scf.yield %scan3A_36 : i32
    }
    %scan3A_6 = arith.constant 40 : i32
    %mul3A_7 = arith.constant 640 : i32
    %mul3A_8 = arith.muli %arg1, %mul3A_7 : i32
    "tpu.region"() ({
      %run_scoped3A = tpu.sem_alloc : memref<!tpu.dma_semaphore, #tpu.memory_space<semaphore_mem>>
      %dma_start3A = tpu.memref_slice %arg4[%mul3A_8] : memref<10240xf32, #tpu.memory_space<vmem_shared>> -> memref<640xf32, #tpu.memory_space<vmem_shared>>
      %dma_start3A_28 = tpu.memref_slice %arg4[%mul3A_8] : memref<10240xf32, #tpu.memory_space<vmem_shared>> -> memref<640xf32, #tpu.memory_space<vmem_shared>>
      tpu.enqueue_dma source(%arg7 : memref<640xf32, #tpu.memory_space<vmem>>) target(%dma_start3A_28 : memref<640xf32, #tpu.memory_space<vmem_shared>>) target_semaphore(%run_scoped3A : memref<!tpu.dma_semaphore, #tpu.memory_space<semaphore_mem>>)
      %dma_wait3A = tpu.memref_slice %arg4[%mul3A_8] : memref<10240xf32, #tpu.memory_space<vmem_shared>> -> memref<640xf32, #tpu.memory_space<vmem_shared>>
      %dma_wait3A_29 = tpu.memref_slice %arg4[%mul3A_8] : memref<10240xf32, #tpu.memory_space<vmem_shared>> -> memref<640xf32, #tpu.memory_space<vmem_shared>>
      tpu.wait_dma2 semaphore(%run_scoped3A : memref<!tpu.dma_semaphore, #tpu.memory_space<semaphore_mem>>) src(%arg7 : memref<640xf32, #tpu.memory_space<vmem>>) dst(%dma_wait3A_29 : memref<640xf32, #tpu.memory_space<vmem_shared>>)
      tpu.yield
    }) : () -> ()
    %scan3A_9 = arith.constant 0 : i32
    %scan3A_10 = arith.constant 0 : i32
    %scan3A_11 = arith.constant 8 : i32
    %scan3A_12 = arith.addi %scan3A_10, %scan3A_11 : i32
    %scan3A_13 = arith.constant 1 : i32
    %scan3A_14 = scf.for %scan3A_28 = %scan3A_10 to %scan3A_12 step %scan3A_13 iter_args(%scan3A_29 = %scan3A_9) -> (i32)  : i32 {
      %broadcast_in_dim3A = arith.constant 1.000000e+00 : f32
      %broadcast_in_dim3A_30 = vector.broadcast %broadcast_in_dim3A : f32 to vector<16xf32>
      %mul3A_31 = arith.constant 16 : i32
      %mul3A_32 = arith.muli %scan3A_28, %mul3A_31 : i32
      %swap3A = arith.index_cast %mul3A_32 : i32 to index
      %swap3A_33 = tpu.vector_load %arg6[%swap3A] {strides = array<i32>} : memref<128xf32, #tpu.memory_space<vmem>>, vector<16xf32>,
      %swap3A_34 = vector.shape_cast %swap3A_33 : vector<16xf32> to vector<16xf32>
      %swap3A_35 = vector.shape_cast %broadcast_in_dim3A_30 : vector<16xf32> to vector<16xf32>
      tpu.vector_store %arg6[%swap3A], %swap3A_35 {strides = array<i32>} : memref<128xf32, #tpu.memory_space<vmem>>, vector<16xf32>,
      %scan3A_36 = arith.constant 0 : i32
      scf.yield %scan3A_36 : i32
    }
    %scan3A_15 = arith.constant 8 : i32
    "tpu.region"() ({
      %run_scoped3A = tpu.sem_alloc : memref<!tpu.dma_semaphore, #tpu.memory_space<semaphore_mem>>
      %dma_start3A = arith.constant 0 : i32
      %dma_start3A_28 = arith.constant 0 : i32
      %dma_start3A_29 = tpu.memref_slice %arg2[%add3A, %dma_start3A, %dma_start3A_28] : memref<32x80x128xi32, #tpu.memory_space<hbm>> -> memref<1x80x128xi32, #tpu.memory_space<hbm>>
      %dma_start3A_30 = tpu.memref_squeeze %dma_start3A_29 : memref<1x80x128xi32, #tpu.memory_space<hbm>> -> memref<80x128xi32, #tpu.memory_space<hbm>>
      %dma_start3A_31 = arith.constant 0 : i32
      %dma_start3A_32 = arith.constant 0 : i32
      %dma_start3A_33 = tpu.memref_slice %arg2[%add3A, %dma_start3A_31, %dma_start3A_32] : memref<32x80x128xi32, #tpu.memory_space<hbm>> -> memref<1x80x128xi32, #tpu.memory_space<hbm>>
      %dma_start3A_34 = tpu.memref_squeeze %dma_start3A_33 : memref<1x80x128xi32, #tpu.memory_space<hbm>> -> memref<80x128xi32, #tpu.memory_space<hbm>>
      tpu.enqueue_dma source(%dma_start3A_34 : memref<80x128xi32, #tpu.memory_space<hbm>>) target(%arg5 : memref<80x128xi32, #tpu.memory_space<vmem>>) target_semaphore(%run_scoped3A : memref<!tpu.dma_semaphore, #tpu.memory_space<semaphore_mem>>)
      %dma_wait3A = arith.constant 0 : i32
      %dma_wait3A_35 = arith.constant 0 : i32
      %dma_wait3A_36 = tpu.memref_slice %arg2[%add3A, %dma_wait3A, %dma_wait3A_35] : memref<32x80x128xi32, #tpu.memory_space<hbm>> -> memref<1x80x128xi32, #tpu.memory_space<hbm>>
      %dma_wait3A_37 = tpu.memref_squeeze %dma_wait3A_36 : memref<1x80x128xi32, #tpu.memory_space<hbm>> -> memref<80x128xi32, #tpu.memory_space<hbm>>
      %dma_wait3A_38 = arith.constant 0 : i32
      %dma_wait3A_39 = arith.constant 0 : i32
      %dma_wait3A_40 = tpu.memref_slice %arg2[%add3A, %dma_wait3A_38, %dma_wait3A_39] : memref<32x80x128xi32, #tpu.memory_space<hbm>> -> memref<1x80x128xi32, #tpu.memory_space<hbm>>
      %dma_wait3A_41 = tpu.memref_squeeze %dma_wait3A_40 : memref<1x80x128xi32, #tpu.memory_space<hbm>> -> memref<80x128xi32, #tpu.memory_space<hbm>>
      tpu.wait_dma2 semaphore(%run_scoped3A : memref<!tpu.dma_semaphore, #tpu.memory_space<semaphore_mem>>) src(%dma_wait3A_41 : memref<80x128xi32, #tpu.memory_space<hbm>>) dst(%arg5 : memref<80x128xi32, #tpu.memory_space<vmem>>)
      tpu.yield
    }) : () -> ()
    %barrier3A = arith.constant 0 : index
    tpu.barrier barrier_id(%barrier3A)
    %scan3A_16 = arith.constant 0 : i32
    %scan3A_17 = arith.constant 0 : i32
    %scan3A_18 = arith.constant 80 : i32
    %scan3A_19 = arith.addi %scan3A_17, %scan3A_18 : i32
    %scan3A_20 = arith.constant 1 : i32
    %scan3A_21 = scf.for %scan3A_28 = %scan3A_17 to %scan3A_19 step %scan3A_20 iter_args(%scan3A_29 = %scan3A_16) -> (i32)  : i32 {
      "tpu.region"() ({
        %run_scoped3A = tpu.sem_alloc : memref<!tpu.dma_semaphore, #tpu.memory_space<semaphore_mem>>
        %dma_start3A = arith.constant 0 : i32
        %dma_start3A_31 = tpu.memref_slice %arg5[%scan3A_28, %dma_start3A] : memref<80x128xi32, #tpu.memory_space<vmem>> -> memref<1x128xi32, #tpu.memory_space<vmem>>
        %dma_start3A_32 = tpu.memref_squeeze %dma_start3A_31 : memref<1x128xi32, #tpu.memory_space<vmem>> -> memref<128xi32, #tpu.memory_space<vmem>>
        %dma_start3A_33 = arith.constant 0 : i32
        %dma_start3A_34 = tpu.memref_slice %arg4[%dma_start3A_33] : memref<10240xf32, #tpu.memory_space<vmem_shared>> -> memref<10240xf32, #tpu.memory_space<vmem_shared>>
        tpu.enqueue_indirect_dma source(%arg6 : memref<128xf32, #tpu.memory_space<vmem>>) target(%dma_start3A_34 : memref<10240xf32, #tpu.memory_space<vmem_shared>>) offsets(%dma_start3A_32 : memref<128xi32, #tpu.memory_space<vmem>>) semaphore(%run_scoped3A : memref<!tpu.dma_semaphore, #tpu.memory_space<semaphore_mem>>) {add = true}
        %dma_wait3A = arith.constant 0 : i32
        %dma_wait3A_35 = tpu.memref_slice %arg5[%scan3A_28, %dma_wait3A] : memref<80x128xi32, #tpu.memory_space<vmem>> -> memref<1x128xi32, #tpu.memory_space<vmem>>
        %dma_wait3A_36 = tpu.memref_squeeze %dma_wait3A_35 : memref<1x128xi32, #tpu.memory_space<vmem>> -> memref<128xi32, #tpu.memory_space<vmem>>
        %dma_wait3A_37 = arith.constant 0 : i32
        %dma_wait3A_38 = tpu.memref_slice %arg4[%dma_wait3A_37] : memref<10240xf32, #tpu.memory_space<vmem_shared>> -> memref<10240xf32, #tpu.memory_space<vmem_shared>>
        tpu.wait_indirect_dma semaphore(%run_scoped3A : memref<!tpu.dma_semaphore, #tpu.memory_space<semaphore_mem>>) src(%arg6 : memref<128xf32, #tpu.memory_space<vmem>>) dst(%dma_wait3A_38 : memref<10240xf32, #tpu.memory_space<vmem_shared>>)
        tpu.yield
      }) : () -> ()
      %scan3A_30 = arith.constant 0 : i32
      scf.yield %scan3A_30 : i32
    }
    %scan3A_22 = arith.constant 80 : i32
    %barrier3A_23 = arith.constant 0 : index
    tpu.barrier barrier_id(%barrier3A_23)
    %mul3A_24 = arith.constant 640 : i32
    %mul3A_25 = arith.muli %arg1, %mul3A_24 : i32
    %mul3A_26 = arith.constant 640 : i32
    %mul3A_27 = arith.muli %arg1, %mul3A_26 : i32
    "tpu.region"() ({
      %run_scoped3A = tpu.sem_alloc : memref<!tpu.dma_semaphore, #tpu.memory_space<semaphore_mem>>
      %dma_start3A = tpu.memref_slice %arg3[%arg0, %mul3A_27] : memref<2x10240xf32, #tpu.memory_space<hbm>> -> memref<1x640xf32, #tpu.memory_space<hbm>>
      %dma_start3A_28 = tpu.memref_squeeze %dma_start3A : memref<1x640xf32, #tpu.memory_space<hbm>> -> memref<640xf32, #tpu.memory_space<hbm>>
      %dma_start3A_29 = tpu.memref_slice %arg4[%mul3A_25] : memref<10240xf32, #tpu.memory_space<vmem_shared>> -> memref<640xf32, #tpu.memory_space<vmem_shared>>
      tpu.enqueue_dma source(%dma_start3A_29 : memref<640xf32, #tpu.memory_space<vmem_shared>>) target(%dma_start3A_28 : memref<640xf32, #tpu.memory_space<hbm>>) target_semaphore(%run_scoped3A : memref<!tpu.dma_semaphore, #tpu.memory_space<semaphore_mem>>)
      %dma_wait3A = tpu.memref_slice %arg3[%arg0, %mul3A_27] : memref<2x10240xf32, #tpu.memory_space<hbm>> -> memref<1x640xf32, #tpu.memory_space<hbm>>
      %dma_wait3A_30 = tpu.memref_squeeze %dma_wait3A : memref<1x640xf32, #tpu.memory_space<hbm>> -> memref<640xf32, #tpu.memory_space<hbm>>
      %dma_wait3A_31 = tpu.memref_slice %arg4[%mul3A_25] : memref<10240xf32, #tpu.memory_space<vmem_shared>> -> memref<640xf32, #tpu.memory_space<vmem_shared>>
      tpu.wait_dma2 semaphore(%run_scoped3A : memref<!tpu.dma_semaphore, #tpu.memory_space<semaphore_mem>>) src(%dma_wait3A_31 : memref<640xf32, #tpu.memory_space<vmem_shared>>) dst(%dma_wait3A_30 : memref<640xf32, #tpu.memory_space<hbm>>)
      tpu.yield
    }) : () -> ()
    return
  }
}

module attributes {stable_mosaic.version = 14 : i64} {
  func.func @_mm_body(%arg0: i32, %arg1: memref<1000x128xf32, #tpu.memory_space<vmem>>, %arg2: memref<128x128xf32, #tpu.memory_space<vmem>>, %arg3: memref<1000x128xf32, #tpu.memory_space<vmem>>) attributes {dimension_semantics = [#tpu.dimension_semantics<arbitrary>], iteration_bounds = array<i64: 10>, scalar_prefetch = 0 : i64, scratch_operands = 0 : i64, tpu.core_type = #tpu.core_type<tc>, window_params = [{transform_indices = @transform_0, window_bounds = array<i64: 1000, 128>}, {pipeline_mode = #tpu.pipeline_mode<synchronous>, transform_indices = @transform_1, window_bounds = array<i64: 128, 128>}, {transform_indices = @transform_2, window_bounds = array<i64: 1000, 128>}]} {
    %get3A = arith.constant 0 : index
    %get3A_0 = arith.constant 0 : index
    %get3A_1 = vector.load %arg1[%get3A, %get3A_0] : memref<1000x128xf32, #tpu.memory_space<vmem>>, vector<1000x128xf32>
    %get3A_2 = arith.constant 0 : index
    %get3A_3 = arith.constant 0 : index
    %get3A_4 = vector.load %arg2[%get3A_2, %get3A_3] : memref<128x128xf32, #tpu.memory_space<vmem>>, vector<128x128xf32>
    %dot_general3A = arith.constant dense<0.000000e+00> : vector<1000x128xf32>
    %dot_general3A_5 = tpu.matmul %get3A_1, %get3A_4, %dot_general3A {dimension_numbers = #tpu.dot_dimension_numbers<[1], [0], [0], [1], [0, 0, 1, 1], [], []>, transpose_lhs_hint = false} : vector<1000x128xf32>, vector<128x128xf32>, vector<1000x128xf32> -> vector<1000x128xf32>
    %swap3A = arith.constant 0 : index
    %swap3A_6 = arith.constant 0 : index
    %swap3A_7 = vector.load %arg3[%swap3A, %swap3A_6] : memref<1000x128xf32, #tpu.memory_space<vmem>>, vector<1000x128xf32>
    tpu.vector_store %arg3[%swap3A, %swap3A_6], %dot_general3A_5 {strides = array<i32>} : memref<1000x128xf32, #tpu.memory_space<vmem>>, vector<1000x128xf32>,
    return
  }
  func.func @transform_0(%arg0: i32) -> (i32, i32) {
    %c0_i32 = arith.constant 0 : i32
    %c0_i32_0 = arith.constant 0 : i32
    return %arg0, %c0_i32 : i32, i32
  }
  func.func @transform_1(%arg0: i32) -> (i32, i32) {
    %c0_i32 = arith.constant 0 : i32
    %c0_i32_0 = arith.constant 0 : i32
    %c0_i32_1 = arith.constant 0 : i32
    return %c0_i32, %c0_i32_0 : i32, i32
  }
  func.func @transform_2(%arg0: i32) -> (i32, i32) {
    %c0_i32 = arith.constant 0 : i32
    %c0_i32_0 = arith.constant 0 : i32
    return %arg0, %c0_i32 : i32, i32
  }
}

module attributes {stable_mosaic.version = 14 : i64} {
  func.func @_scale_body(%arg0: i32, %arg1: memref<2x2048xf32, #tpu.memory_space<vmem>>, %arg2: memref<2048x128xf32, #tpu.memory_space<vmem>>, %arg3: memref<2048x128xf32, #tpu.memory_space<vmem>>) attributes {dimension_semantics = [#tpu.dimension_semantics<arbitrary>], iteration_bounds = array<i64: 5>, scalar_prefetch = 0 : i64, scratch_operands = 0 : i64, tpu.core_type = #tpu.core_type<tc>, window_params = [{transform_indices = @transform_0, window_bounds = array<i64: 2, 2048>}, {transform_indices = @transform_1, window_bounds = array<i64: 2048, 128>}, {transform_indices = @transform_2, window_bounds = array<i64: 2048, 128>}]} {
    %get3A = arith.constant 0 : index
    %get3A_0 = arith.constant 0 : index
    %get3A_1 = vector.load %arg1[%get3A, %get3A_0] : memref<2x2048xf32, #tpu.memory_space<vmem>>, vector<1x2048xf32>
    %get3A_2 = vector.shape_cast %get3A_1 : vector<1x2048xf32> to vector<2048xf32>
    %get3A_3 = arith.constant 1 : index
    %get3A_4 = arith.constant 0 : index
    %get3A_5 = vector.load %arg1[%get3A_3, %get3A_4] : memref<2x2048xf32, #tpu.memory_space<vmem>>, vector<1x2048xf32>
    %get3A_6 = vector.shape_cast %get3A_5 : vector<1x2048xf32> to vector<2048xf32>
    %add3A = arith.addf %get3A_2, %get3A_6 : vector<2048xf32>
    %gt3A = arith.constant 0.000000e+00 : f32
    %gt3A_7 = vector.broadcast %gt3A : f32 to vector<2048xf32>
    %gt3A_8 = arith.cmpf ogt, %add3A, %gt3A_7 : vector<2048xf32>
    %max3A = arith.constant 9.99999996E-13 : f32
    %max3A_9 = vector.broadcast %max3A : f32 to vector<2048xf32>
    %max3A_10 = arith.maximumf %add3A, %max3A_9 : vector<2048xf32>
    %rsqrt3A = math.rsqrt %max3A_10 : vector<2048xf32>
    %jit3A = arith.constant 0.000000e+00 : f32
    %broadcast_in_dim3A = vector.broadcast %jit3A : f32 to vector<2048xf32>
    %select_n3A = arith.select %gt3A_8, %rsqrt3A, %broadcast_in_dim3A : vector<2048xi1>, vector<2048xf32>
    %mul3A = arith.constant 2048 : i32
    %mul3A_11 = arith.muli %arg0, %mul3A : i32
    %iota3A = tpu.iota {dimensions = array<i32: 0>} : vector<2048x1xi32>
    %add3A_12 = vector.broadcast %mul3A_11 : i32 to vector<2048x1xi32>
    %add3A_13 = arith.addi %add3A_12, %iota3A : vector<2048x1xi32>
    %lt3A = arith.constant 10000 : i32
    %lt3A_14 = vector.broadcast %lt3A : i32 to vector<2048x1xi32>
    %lt3A_15 = arith.cmpi slt, %add3A_13, %lt3A_14 : vector<2048x1xi32>
    %get3A_16 = arith.constant 0 : index
    %get3A_17 = arith.constant 0 : index
    %get3A_18 = vector.load %arg2[%get3A_16, %get3A_17] : memref<2048x128xf32, #tpu.memory_space<vmem>>, vector<2048x128xf32>
    %broadcast_in_dim3A_19 = vector.shape_cast %select_n3A : vector<2048xf32> to vector<2048x1xf32>
    %mul3A_20 = vector.broadcast %broadcast_in_dim3A_19 : vector<2048x1xf32> to vector<2048x128xf32>
    %mul3A_21 = arith.mulf %get3A_18, %mul3A_20 : vector<2048x128xf32>
    %jit3A_22 = arith.constant 0.000000e+00 : f32
    %broadcast_in_dim3A_23 = vector.shape_cast %lt3A_15 : vector<2048x1xi1> to vector<2048x1xi1>
    %broadcast_in_dim3A_24 = vector.broadcast %broadcast_in_dim3A_23 : vector<2048x1xi1> to vector<2048x128xi1>
    %broadcast_in_dim3A_25 = vector.broadcast %jit3A_22 : f32 to vector<2048x128xf32>
    %select_n3A_26 = arith.select %broadcast_in_dim3A_24, %mul3A_21, %broadcast_in_dim3A_25 : vector<2048x128xi1>, vector<2048x128xf32>
    %swap3A = arith.constant 0 : index
    %swap3A_27 = arith.constant 0 : index
    %swap3A_28 = vector.load %arg3[%swap3A, %swap3A_27] : memref<2048x128xf32, #tpu.memory_space<vmem>>, vector<2048x128xf32>
    tpu.vector_store %arg3[%swap3A, %swap3A_27], %select_n3A_26 {strides = array<i32>} : memref<2048x128xf32, #tpu.memory_space<vmem>>, vector<2048x128xf32>,
    return
  }
  func.func @transform_0(%arg0: i32) -> (i32, i32) {
    %c0_i32 = arith.constant 0 : i32
    %c0_i32_0 = arith.constant 0 : i32
    return %c0_i32, %arg0 : i32, i32
  }
  func.func @transform_1(%arg0: i32) -> (i32, i32) {
    %c0_i32 = arith.constant 0 : i32
    %c0_i32_0 = arith.constant 0 : i32
    return %arg0, %c0_i32 : i32, i32
  }
  func.func @transform_2(%arg0: i32) -> (i32, i32) {
    %c0_i32 = arith.constant 0 : i32
    %c0_i32_0 = arith.constant 0 : i32
    return %arg0, %c0_i32 : i32, i32
  }
}

module attributes {stable_mosaic.version = 14 : i64} {
  func.func @_fin_body(%arg0: i32, %arg1: memref<2x2048x128xf32, #tpu.memory_space<vmem>>, %arg2: memref<2x2048xf32, #tpu.memory_space<vmem>>, %arg3: memref<128xf32, #tpu.memory_space<vmem>>, %arg4: memref<2048x128xf32, #tpu.memory_space<vmem>>) attributes {dimension_semantics = [#tpu.dimension_semantics<arbitrary>], iteration_bounds = array<i64: 5>, scalar_prefetch = 0 : i64, scratch_operands = 0 : i64, tpu.core_type = #tpu.core_type<tc>, window_params = [{transform_indices = @transform_0, window_bounds = array<i64: 2, 2048, 128>}, {transform_indices = @transform_1, window_bounds = array<i64: 2, 2048>}, {pipeline_mode = #tpu.pipeline_mode<synchronous>, transform_indices = @transform_2, window_bounds = array<i64: 128>}, {transform_indices = @transform_3, window_bounds = array<i64: 2048, 128>}]} {
    %get3A = arith.constant 0 : index
    %get3A_0 = arith.constant 0 : index
    %get3A_1 = vector.load %arg2[%get3A, %get3A_0] : memref<2x2048xf32, #tpu.memory_space<vmem>>, vector<1x2048xf32>
    %get3A_2 = vector.shape_cast %get3A_1 : vector<1x2048xf32> to vector<2048xf32>
    %get3A_3 = arith.constant 1 : index
    %get3A_4 = arith.constant 0 : index
    %get3A_5 = vector.load %arg2[%get3A_3, %get3A_4] : memref<2x2048xf32, #tpu.memory_space<vmem>>, vector<1x2048xf32>
    %get3A_6 = vector.shape_cast %get3A_5 : vector<1x2048xf32> to vector<2048xf32>
    %add3A = arith.addf %get3A_2, %get3A_6 : vector<2048xf32>
    %gt3A = arith.constant 0.000000e+00 : f32
    %gt3A_7 = vector.broadcast %gt3A : f32 to vector<2048xf32>
    %gt3A_8 = arith.cmpf ogt, %add3A, %gt3A_7 : vector<2048xf32>
    %max3A = arith.constant 9.99999996E-13 : f32
    %max3A_9 = vector.broadcast %max3A : f32 to vector<2048xf32>
    %max3A_10 = arith.maximumf %add3A, %max3A_9 : vector<2048xf32>
    %rsqrt3A = math.rsqrt %max3A_10 : vector<2048xf32>
    %jit3A = arith.constant 0.000000e+00 : f32
    %broadcast_in_dim3A = vector.broadcast %jit3A : f32 to vector<2048xf32>
    %select_n3A = arith.select %gt3A_8, %rsqrt3A, %broadcast_in_dim3A : vector<2048xi1>, vector<2048xf32>
    %get3A_11 = arith.constant 0 : index
    %get3A_12 = arith.constant 0 : index
    %get3A_13 = arith.constant 0 : index
    %get3A_14 = vector.load %arg1[%get3A_11, %get3A_12, %get3A_13] : memref<2x2048x128xf32, #tpu.memory_space<vmem>>, vector<1x2048x128xf32>
    %get3A_15 = vector.shape_cast %get3A_14 : vector<1x2048x128xf32> to vector<2048x128xf32>
    %get3A_16 = arith.constant 1 : index
    %get3A_17 = arith.constant 0 : index
    %get3A_18 = arith.constant 0 : index
    %get3A_19 = vector.load %arg1[%get3A_16, %get3A_17, %get3A_18] : memref<2x2048x128xf32, #tpu.memory_space<vmem>>, vector<1x2048x128xf32>
    %get3A_20 = vector.shape_cast %get3A_19 : vector<1x2048x128xf32> to vector<2048x128xf32>
    %add3A_21 = arith.addf %get3A_15, %get3A_20 : vector<2048x128xf32>
    %broadcast_in_dim3A_22 = vector.shape_cast %select_n3A : vector<2048xf32> to vector<2048x1xf32>
    %mul3A = vector.broadcast %broadcast_in_dim3A_22 : vector<2048x1xf32> to vector<2048x128xf32>
    %mul3A_23 = arith.mulf %add3A_21, %mul3A : vector<2048x128xf32>
    %get3A_24 = arith.constant 0 : index
    %get3A_25 = vector.load %arg3[%get3A_24] : memref<128xf32, #tpu.memory_space<vmem>>, vector<128xf32>
    %broadcast_in_dim3A_26 = vector.shape_cast %get3A_25 : vector<128xf32> to vector<1x128xf32>
    %add3A_27 = vector.broadcast %broadcast_in_dim3A_26 : vector<1x128xf32> to vector<2048x128xf32>
    %add3A_28 = arith.addf %mul3A_23, %add3A_27 : vector<2048x128xf32>
    %swap3A = arith.constant 0 : index
    %swap3A_29 = arith.constant 0 : index
    %swap3A_30 = vector.load %arg4[%swap3A, %swap3A_29] : memref<2048x128xf32, #tpu.memory_space<vmem>>, vector<2048x128xf32>
    tpu.vector_store %arg4[%swap3A, %swap3A_29], %add3A_28 {strides = array<i32>} : memref<2048x128xf32, #tpu.memory_space<vmem>>, vector<2048x128xf32>,
    return
  }
  func.func @transform_0(%arg0: i32) -> (i32, i32, i32) {
    %c0_i32 = arith.constant 0 : i32
    %c0_i32_0 = arith.constant 0 : i32
    %c0_i32_1 = arith.constant 0 : i32
    return %c0_i32, %arg0, %c0_i32_0 : i32, i32, i32
  }
  func.func @transform_1(%arg0: i32) -> (i32, i32) {
    %c0_i32 = arith.constant 0 : i32
    %c0_i32_0 = arith.constant 0 : i32
    return %c0_i32, %arg0 : i32, i32
  }
  func.func @transform_2(%arg0: i32) -> i32 {
    %c0_i32 = arith.constant 0 : i32
    %c0_i32_0 = arith.constant 0 : i32
    return %c0_i32 : i32
  }
  func.func @transform_3(%arg0: i32) -> (i32, i32) {
    %c0_i32 = arith.constant 0 : i32
    %c0_i32_0 = arith.constant 0 : i32
    return %arg0, %c0_i32 : i32, i32
  }
}

</mosaic_0001>

<sc_bundles>
// kernel: kernel.10.cloned.1.call-start
scs
__scs_entry_jumppad:
0x0: {  	(pc) =	sbr.rel $0x88, $3  }
0x1: {  	(tag) =	ssettag $0x0;
	lr =	simm.s32 $0x1  }
0x2: {  	[smem:$0x3F9D] =	sst lr;
	_ =	strace $0xD0000000  }
0x3: {  	_ = 	snop  }
0x4: {  	_ = 	snop  }
0x5: {  	_ = 	snop  }
0x6: {  	_ = 	snop  }
0x7: {  	_ = 	snop  }
__scs_overlays_trampoline_lowered:
0x8: {  	[smem:$0x3FAC] =	sst s0  }
0x9: {  	[smem:$0x3FAD] =	sst s1  }
0xa: {  	[smem:$0x3FAE] =	sst s2  }
0xb: {  	[smem:$0x3FAF] =	sst s3  }
0xc: {  	[smem:$0x3FB0] =	sst s4  }
0xd: {  	[smem:$0x3FB1] =	sst s5  }
0xe: {  	[smem:$0x3FB2] =	sst s6  }
0xf: {  	[smem:$0x3FB3] =	sst s7  }
0x10: {  	[smem:$0x3FB4] =	sst s8  }
0x11: {  	[smem:$0x3FB5] =	sst s9;
	s0 =	simm.s32 @!p0 $0x0  }
0x12: {  	s1 =	sld [smem:$0x3F9B];
	s0 =	simm.s32 @p0 $0x1  }
0x13: {  	[smem:$0x3FB6] =	sst s0;
	s0 =	simm.s32 @!p1 $0x0  }
0x14: {  	s2 =	sld [smem:$0x3F9A];
	s0 =	simm.s32 @p1 $0x1  }
0x15: {  	[smem:$0x3FB7] =	sst s0;
	s0 =	simm.s32 @!p2 $0x0  }
0x16: {  	s3 =	sld [smem:$0x3FDB];
	s0 =	simm.s32 @p2 $0x1  }
0x17: {  	s4 =	simm.s32 $0x1BF5;
	[smem:$0x3FB9] =	sst s0  }
0x18: {  	s0 =	sld [smem:$0x3F9C];
	_ =	swait.ge [sflag:s4], $0x0  }
0x19: {  	s7 =	sld [smem:$0x3F9D]  }
0x1a: {  	s8 =	sadd.s32 $0xFFFFE003, lr  }
0x1b: {  	s9 =	sadd.s32 $0xFFFFFEF7, lr;
	s5 =	simm.s32 $0xFFFFFFFF;
	p2 =	slt.u32 s8, $0xFFFFF086  }
0x1c: {  	p1 =	slt.u32 s9, $0xF7A;
	s5 =	simm.s32 @!p2 $0x0  }
0x1d: {  	s5 =	simm.s32 @p1 $0x1;
	p0 =	seq.s32 s7, s2  }
0x1e: {  	s7 =	smul.u32 @!p0 $0xF7A, s2;
	p2 =	seq.s32 @!p0 s5, $0x0  }
0x1f: {  	s9 =	smul.u32 $0xF7A, s1;
	s8 =	simm.s32 @!p0 $0x1BF5;
	p2 =	por !p2, p0  }
0x20: {  	[sflag:s8] =	ssyncset.s32 @!p0 $0xFFFFF086;
	s6 =	sadd.s32 @!p0 s3, s7;
	s7 =	simm.s32 @!p0 $0x108  }
0x21: {  	s3 =	sadd.s32 s3, s9;
	s6 =	sadd.s32 @!p0 $0x88, s6;
	s7 =	simm.s32 @p2 $0x1082  }
0x22: {  	[simem:s7], [sflag:s8] =	dma.local @!p0 [hbm:s6], $0xF7A  }
0x23: {  	s9 =	sor.u32 $0xD0000000, s2;
	s6 =	simm.s32 $0x108;
	_ =	swait.ge @!p0 [sflag:s8], $0x0  }
0x24: {  	s3 =	sadd.s32 $0x88, s3;
	s6 =	simm.s32 @!p1 $0x1082;
	[sflag:s4] =	ssyncset.s32 $0xFFFFF086  }
0x25: {  	[simem:s6], [sflag:s4] =	dma.local [hbm:s3], $0xF7A  }
0x26: {  	[smem:$0x3F9D] =	sst s1;
	(tag) =	ssettag s2;
	_ =	strace s9  }
0x27: {  	s1 =	sld [smem:$0x3FAD]  }
0x28: {  	s2 =	sld [smem:$0x3FAE]  }
0x29: {  	s4 =	sld [smem:$0x3FB0]  }
0x2a: {  	p0 =	seq.s32 s5, $0x0;
	s5 =	sld [smem:$0x3FB1]  }
0x2b: {  	s6 =	sld [smem:$0x3FB2]  }
0x2c: {  	s7 =	sld [smem:$0x3FB3]  }
0x2d: {  	s3 =	simm.s32 $0x108;
	s8 =	sld [smem:$0x3FB4]  }
0x2e: {  	s3 =	simm.s32 @!p0 $0x1082;
	s9 =	sld [smem:$0x3FB5]  }
0x2f: {  	lr =	sadd.s32 s0, s3;
	s0 =	sld [smem:$0x3FAC]  }
0x30: {  	s3 =	sld [smem:$0x3FAF]  }
0x31: {  	[smem:$0x3FB8] =	sst s10  }
0x32: {  	s10 =	sld [smem:$0x3FB6];
	_ =	sdelay $0x3  }
0x33: {  	p0 =	seq.s32 s10, $0x1;
	s10 =	sld [smem:$0x3FB8];
	_ =	sdelay $0x3  }
0x34: {  	[smem:$0x3FB8] =	sst s10  }
0x35: {  	s10 =	sld [smem:$0x3FB7];
	_ =	sdelay $0x3  }
0x36: {  	p1 =	seq.s32 s10, $0x1;
	s10 =	sld [smem:$0x3FB8];
	_ =	sdelay $0x3  }
0x37: {  	[smem:$0x3FB8] =	sst s10  }
0x38: {  	s10 =	sld [smem:$0x3FB9]  }
0x39: {  	_ = 	snop;
	(pc) =	sbr.ind lr, $3  }
0x3a: {  	_ = 	snop  }
0x3b: {  	_ = 	snop  }
0x3c: {  	p2 =	seq.s32 s10, $0x1;
	s10 =	sld [smem:$0x3FB8]  }
0x3d: {  	_ =	shalt  }
0x3e: {  	_ =	shalt  }
0x3f: {  	_ =	shalt  }
0x40: {  	_ =	shalt  }
0x41: {  	_ =	shalt  }
0x42: {  	_ =	shalt  }
0x43: {  	_ =	shalt  }
0x44: {  	_ =	shalt  }
0x45: {  	_ =	shalt  }
0x46: {  	_ =	shalt  }
0x47: {  	_ =	shalt  }
0x48: {  	_ =	shalt  }
0x49: {  	_ =	shalt  }
0x4a: {  	_ =	shalt  }
0x4b: {  	_ =	shalt  }
0x4c: {  	_ =	shalt  }
0x4d: {  	_ =	shalt  }
0x4e: {  	_ =	shalt  }
0x4f: {  	_ =	shalt  }
0x50: {  	_ =	shalt  }
0x51: {  	_ =	shalt  }
0x52: {  	_ =	shalt  }
0x53: {  	_ =	shalt  }
0x54: {  	_ =	shalt  }
0x55: {  	_ =	shalt  }
0x56: {  	_ =	shalt  }
0x57: {  	_ =	shalt  }
0x58: {  	_ =	shalt  }
0x59: {  	_ =	shalt  }
0x5a: {  	_ =	shalt  }
0x5b: {  	_ =	shalt  }
0x5c: {  	_ =	shalt  }
0x5d: {  	_ =	shalt  }
0x5e: {  	_ =	shalt  }
0x5f: {  	_ =	shalt  }
0x60: {  	_ =	shalt  }
0x61: {  	_ =	shalt  }
0x62: {  	_ =	shalt  }
0x63: {  	_ =	shalt  }
0x64: {  	_ =	shalt  }
0x65: {  	_ =	shalt  }
0x66: {  	_ =	shalt  }
0x67: {  	_ =	shalt  }
0x68: {  	_ =	shalt  }
0x69: {  	_ =	shalt  }
0x6a: {  	_ =	shalt  }
0x6b: {  	_ =	shalt  }
0x6c: {  	_ =	shalt  }
0x6d: {  	_ =	shalt  }
0x6e: {  	_ =	shalt  }
0x6f: {  	_ =	shalt  }
0x70: {  	_ =	shalt  }
0x71: {  	_ =	shalt  }
0x72: {  	_ =	shalt  }
0x73: {  	_ =	shalt  }
0x74: {  	_ =	shalt  }
0x75: {  	_ =	shalt  }
0x76: {  	_ =	shalt  }
0x77: {  	_ =	shalt  }
0x78: {  	_ =	shalt  }
0x79: {  	_ =	shalt  }
0x7a: {  	_ =	shalt  }
0x7b: {  	_ =	shalt  }
0x7c: {  	_ =	shalt  }
0x7d: {  	_ =	shalt  }
0x7e: {  	_ =	shalt  }
0x7f: {  	_ =	shalt  }
0x80: {  	_ =	shalt  }
0x81: {  	_ =	shalt  }
0x82: {  	_ =	shalt  }
0x83: {  	_ =	shalt  }
0x84: {  	_ =	shalt  }
0x85: {  	_ =	shalt  }
0x86: {  	_ =	shalt  }
0x87: {  	_ =	shalt  }
.Lfunc_end0:
.L_simem_size_0:
called_computation.1_lowered:
.L_overlay_start_0:
0x88: {  	s2 =	sld [smem:$0x3FD9]  }
0x89: {  	s3 =	sld [smem:$0x3FFE];
	_ =	sdelay $0x1  }
0x8a: {  	s1 =	srdreg.scid  }
0x8b: {  	s0 =	sand.u32 $0x1, s1  }
0x8c: {  	s14 =	sshll.u32 s0, $0xA;
	s2 =	sadd.s32 s3, s2  }
0x8d: {  	s2 =	sadd.s32 s2, s14  }
0x8e: {  	[smem:$0x3FC4] =	sst s2  }
0x8f: {  	_ = 	snop  }
0x90: {  	s2 =	sld [smem:$0x3FD0];
	_ =	sdelay $0x2  }
0x91: {  	s15 =	simm.s32 $0xA;
	s4 =	simm.s32 $0x10  }
0x92: {  	[smem:s4], [sflag:s15] =	dma.local [hbm:s2], $0x1  }
0x93: {  	_ =	swait.eq [sflag:s15], $0x1  }
0x94: {  	[sflag:s15] =	ssyncset.done $0x0  }
0x95: {  	[sflag:s15] =	ssyncadd.s32 $0xFFFFFFFF  }
0x96: {  	s16 =	sld [smem:$0x10];
	(tm) =	ssettm $0x1  }
0x97: {  	s17 =	sld [smem:$0x3FFB];
	_ =	sdelay $0x3  }
0x98: {  	_ =	strace s17  }
0x99: {  	s3 =	sld [smem:$0x3FFC];
	_ =	sdelay $0x3  }
0x9a: {  	_ =	strace s3  }
0x9b: {  	s3 =	sld [smem:$0x3FFD];
	_ =	sdelay $0x3  }
0x9c: {  	_ =	strace s3  }
0x9d: {  	_ =	strace $0x8FFFFFFF  }
0x9e: {  	s18 =	sld [smem:$0x3FDB];
	_ =	sdelay $0x1  }
0x9f: {  	s19 =	simm.s32 $_scs_section_size  }
0xa0: {  	s5 =	simm.s32 $_size__tile_overlayer_lowered;
	s6 =	simm.s32 $_tile_overlayer_lowered  }
0xa1: {  	s22 =	simm.s32 $0x1BFF;
	s21 =	sshll.u32 s6, $0x1;
	s3 =	sadd.s32 s19, s18  }
0xa2: {  	s7 =	simm.s32 $0x0;
	s20 =	sshll.u32 s5, $0x1;
	s5 =	sadd.s32 s21, s3  }
0xa3: {  	[timem:s7], [sflag:s22] =	dma.local [hbm:s5], s20  }
0xa4: {  	_ =	swait.ge [sflag:s22], s20  }
0xa5: {  	s4 =	ssub.s32 $0x0, s20;
	[sflag:s22] =	ssyncset.done $0x0  }
0xa6: {  	[sflag:s22] =	ssyncadd.s32 s4;
	_ =	sdelay $0x1  }
0xa7: {  	s23 =	simm.s32 $0x1B8B  }
0xa8: {  	_ =	swait.ge [sflag:s23], $0x1  }
0xa9: {  	[sflag:s23] =	ssyncset.done $0x0  }
0xaa: {  	s25 =	simm.s32 $0x1B8E;
	s24 =	sld [smem:$0x3FFE];
	[sflag:s23] =	ssyncadd.s32 $0xFFFFFFFF  }
0xab: {  	s26 =	simm.s32 $execute0_lowered;
	[smem:$0x3FD2] =	sst s25  }
0xac: {  	s5 =	sshll.u32 s26, $0x1;
	_ =	strace $0x80000049;
	[dreg:$0x1] =	wrdreg $0xFFFFFFFF  }
0xad: {  	s28 =	simm.s32 $_size_execute0_lowered;
	s3 =	sadd.s32 s3, s5;
	[dreg:$0x0] =	wrdreg $0x0  }
0xae: {  	s5 =	sshll.u32 s28, $0x1;
	[dreg:$0x2] =	wrdreg s3  }
0xaf: {  	[dreg:$0x3] =	wrdreg s5  }
0xb0: {  	[dreg:$0x4] =	wrdreg $0xC0  }
0xb1: {  	_ =	task [dreg:s7], $0x5FFFF  }
0xb2: {  	[dreg:$0x1] =	wrdreg $0xFFFFFFFF  }
0xb3: {  	[dreg:$0x0] =	wrdreg $0x60  }
0xb4: {  	[dreg:$0x2] =	wrdreg s24  }
0xb5: {  	[dreg:$0x3] =	wrdreg s16  }
0xb6: {  	[dreg:$0x4] =	wrdreg $0x0  }
0xb7: {  	[dreg:$0x5] =	wrdreg $0x9  }
0xb8: {  	_ =	task.clear_ibuf [dreg:s7], $0x6FFFF;
	_ =	strace $0x90000049  }
0xb9: {  	s29 =	simm.s32 $0x9;
	_ =	strace $0x8000004B  }
0xba: {  	_ =	swait.ge [sflag:s29], $0x1  }
0xbb: {  	[sflag:s29] =	ssyncadd.s32 $0xFFFFFFFF  }
0xbc: {  	_ =	strace $0x9000004B  }
0xbd: {  	_ =	sfence  }
0xbe: {  	s30 =	sld [smem:$0x0];
	_ =	sdelay $0x2  }
0xbf: {  	s31 =	sshll.u32 s1, $0xD;
	s1 =	sshrl.u32 s1, $0x2  }
0xc0: {  	s3 =	sand.u32 $0x4000, s31;
	s1 =	sadd.s32 s1, s30  }
0xc1: {  	s0 =	sor.u32 s3, s0;
	s1 =	sshll.u32 s1, $0x11  }
0xc2: {  	s0 =	sor.u32 s1, s0  }
0xc3: {  	s0 =	sadd.s32 $0x8F2B, s0  }
0xc4: {  	[sflag:s0] =	ssyncadd.remote.s32 $0x1  }
0xc5: {  	_ =	sfence.sel $0xFFFF  }
0xc6: {  	[dreg:$0x0] =	wrdreg $0xFFFFFFFF;
	(pc) =	sbr.abs _section_cstart, $3  }
0xc7: {  	[dreg:$0x1] =	wrdreg $0xFFFFFFFF  }
0xc8: {  	_ =	task.clear_ibuf [dreg:s7], $0x2FFFF;
	_ =	strace $0x9FFFFFFF  }
0xc9: {  	(tm) =	ssettm $0x7FFFFFFF  }
tec
execute0_lowered:
.L_overlay_start_1:
0x0: {  	(tag) =	ssettag $0x1  }
0x1: {  	s0 =	srdreg.scid;
	s2 =	rddreg [dreg:$0x0]  }
0x2: {  	s4 =	rddreg [dreg:$0x1];
	s18 =	stileid.u32;
	s1 =	simm.s32 $0x0  }
0x3: {  	s30 =	simm.s32 $0x1E000;
	s29 =	simm.s32 $0x7;
	s3 =	sand.u32 $0x1, s0  }
0x4: {  	s6 =	smul.u32 $0x14000, s18;
	[smem:$0x7FF] =	sst s1;
	s7 =	sadd.s32 $0x4A000, s2  }
0x5: {  	s15 =	sshll.u32 s18, $0xF;
	s0 =	ssub.s32 $0x2, s3;
	s12 =	smul.u32 $0x140000, s3  }
0x6: {  	s3 =	sshll.u32 s3, $0x13;
	s5 =	sshrl.u32 s0, $0x1;
	s8 =	sadd.s32 $0x4000, s6  }
0x7: {  	s9 =	sadd.s32 $0x6000, s6;
	s10 =	sadd.s32 $0x8000, s6;
	s11 =	sadd.s32 $0xA000, s6  }
0x8: {  	s13 =	sadd.s32 $0xC000, s6;
	s14 =	sadd.s32 $0xE000, s6;
	s19 =	sadd.s32 $0x10000, s6  }
0x9: {  	s3 =	sor.u32 s15, s3;
	s0 =	ssub.s32 s0, s5;
	s5 =	sor.u32 $0x2000, s6  }
0xa: {  	s16 =	sadd.s32 s6, s12;
	s6 =	sadd.s32 $0x12000, s6;
	s22 =	sadd.s32 s12, s8  }
0xb: {  	s17 =	sadd.s32 s12, s9;
	s25 =	sadd.s32 s12, s10;
	s26 =	sadd.s32 s12, s11  }
0xc: {  	s28 =	sadd.s32 s12, s13;
	s20 =	sshrl.u32 s16, $0x3;
	s21 =	sadd.s32 s12, s5  }
0xd: {  	s16 =	sshrl.u32 s22, $0x3;
	s24 =	sshrl.u32 s17, $0x3;
	s22 =	sadd.s32 s12, s14  }
0xe: {  	s0 =	smax.u32 s0, $0x1;
	s15 =	sadd.s32 s7, s20;
	s23 =	sadd.s32 s7, s16  }
0xf: {  	s16 =	sshrl.u32 s26, $0x3;
	s26 =	sshrl.u32 s3, $0x3;
	[dreg:$0x4] =	wrdreg s15  }
0x10: {  	s3 =	sor.u32 $0x1000, s3;
	s15 =	sshrl.u32 s21, $0x3;
	[dreg:$0x6] =	wrdreg s23  }
0x11: {  	s20 =	sadd.s32 s7, s16;
	s21 =	sshrl.u32 s28, $0x3;
	s23 =	sadd.s32 s12, s19  }
0x12: {  	s12 =	sadd.s32 s12, s6;
	s3 =	sshrl.u32 s3, $0x3;
	s15 =	sadd.s32 s7, s15  }
0x13: {  	s28 =	smul.u32 $0x50000, s18;
	[dreg:$0x5] =	wrdreg s15;
	s15 =	sadd.s32 s7, s24  }
0x14: {  	s18 =	sadd.s32 $0x22000, s2;
	[dreg:$0x7] =	wrdreg s15;
	s15 =	sshrl.u32 s25, $0x3  }
0x15: {  	[dreg:$0x9] =	wrdreg s20;
	s16 =	sshrl.u32 s23, $0x3;
	s15 =	sadd.s32 s7, s15  }
0x16: {  	s12 =	sshrl.u32 s12, $0x3;
	[dreg:$0x8] =	wrdreg s15;
	s15 =	sadd.s32 s7, s21  }
0x17: {  	s24 =	sadd.s32 s7, s16;
	[dreg:$0xa] =	wrdreg s15;
	s15 =	sshrl.u32 s22, $0x3  }
0x18: {  	s20 =	sadd.s32 s26, s4;
	[dreg:$0xc] =	wrdreg s24;
	s15 =	sadd.s32 s7, s15  }
0x19: {  	s17 =	sadd.s32 s3, s4;
	s7 =	sadd.s32 s7, s12;
	[dreg:$0xb] =	wrdreg s15  }
0x1a: {  	s4 =	sshrl.u32 s28, $0x2;
	s25 =	sadd.s32 $0x2000, s2;
	[dreg:$0xd] =	wrdreg s7  }
0x1b: {  	s31 =	sadd.s32 $0x100, s20;
	s16 =	sadd.s32 s3, s25;
	s15 =	rddreg [dreg:$0x2]  }
0x1c: {  	s3 =	simm.s32 $0x2;
	_ =	strace $0x8000004A;
	[dreg:$0x1a] =	wrdreg s0  }
0x1d: {  	s21 =	sadd.s32 s26, s25;
	s2 =	sadd.s32 s4, s15;
	[dreg:$0xe] =	wrdreg s20  }
0x1e: {  	s7 =	sadd.s32 s5, s15;
	s8 =	sadd.s32 s8, s15;
	[dreg:$0xf] =	wrdreg s21  }
0x1f: {  	s12 =	sadd.s32 s9, s15;
	s22 =	sadd.s32 s10, s15;
	[dreg:$0x10] =	wrdreg s2  }
0x20: {  	s23 =	sadd.s32 s11, s15;
	s24 =	sadd.s32 s13, s15;
	[dreg:$0x11] =	wrdreg s7  }
0x21: {  	s25 =	sadd.s32 s14, s15;
	s26 =	sadd.s32 s19, s15;
	[dreg:$0x12] =	wrdreg s8  }
0x22: {  	s28 =	sadd.s32 s6, s15;
	s14 =	sadd.s32 $0x100, s21;
	[dreg:$0x13] =	wrdreg s12  }
0x23: {  	s0 =	simm.s32 $0x16000;
	s5 =	simm.s32 $0x40;
	[dreg:$0x14] =	wrdreg s22  }
0x24: {  	s6 =	simm.s32 $0x18000;
	s10 =	simm.s32 $0x1C000;
	[dreg:$0x15] =	wrdreg s23  }
0x25: {  	s11 =	simm.s32 $0x14800;
	s13 =	simm.s32 $0x3;
	[dreg:$0x16] =	wrdreg s24  }
.Ltmp0:
0x26: {  	s19 =	simm.s32 $0x4;
	[dreg:$0x17] =	wrdreg s25;
	(pc) =	sbr.rel .LBB2_1-.Ltmp0, $4  }
0x27: {  	s20 =	simm.s32 $0x14C80;
	s21 =	simm.s32 $0x15B00;
	[dreg:$0x18] =	wrdreg s26  }
0x28: {  	[dreg:$0x19] =	wrdreg s28;
	s2 =	simm.s32 $0x8;
	s8 =	simm.s32 $0x1A000  }
0x29: {  	s12 =	simm.s32 $0x15800;
	s22 =	simm.s32 $0x5;
	s25 =	simm.s32 $0x6  }
0x2a: {  	v0 =	vimm.f32 $0.0e+00;
	s23 =	simm.s32 $0x15C00;
	s24 =	simm.s32 $0x15C80;
	s7 =	simm.s32 $0x0  }
.LBB2_6:
0x2b: {  	_ =	swait.ge [sflag:s29], $0x2000  }
0x2c: {  	[sflag:s29] =	ssyncset.done $0x0  }
0x2d: {  	[sflag:s29] =	ssyncadd.s32 $0xFFFFE000  }
0x2e: {  	[spmem:s15] =	stream.indirect.scatter.add.f32 [tilespmem:s30], [sflag:$0x7], $0x80, s24, s5, $0xb8;
	v63 =	vld [tilespmem:$0x0]  }
0x2f: {  	_ =	swait.ge [sflag:s25], $0x2000  }
0x30: {  	[sflag:s25] =	ssyncset.done $0x0  }
0x31: {  	[sflag:s25] =	ssyncadd.s32 $0xFFFFE000  }
0x32: {  	_ =	swait.ge [sflag:s29], $0x2000  }
0x33: {  	[sflag:s29] =	ssyncset.done $0x0  }
0x34: {  	[sflag:s29] =	ssyncadd.s32 $0xFFFFE000  }
0x35: {  	s4 =	stileid.u32;
	[bflag:$0x0] =	sbarrier.arrive $0xFFFF  }
0x36: {  	s4 =	sshll.u32 s4, $0x6;
	s7 =	rddreg [dreg:$0x10]  }
0x37: {  	s4 =	sor.u32 $0x1C08, s4;
	s9 =	rddreg [dreg:$0x4];
	s7 =	sshrl.u32 s7, $0x3  }
0x38: {  	[hbm:s9], [sflag:s4] =	dma.local [spmem:s7], $0x400  }
0x39: {  	_ =	swait.ge [sflag:s2], $0x400  }
0x3a: {  	[sflag:s2] =	ssyncset.done $0x0;
	s26 =	rddreg [dreg:$0x11]  }
0x3b: {  	s28 =	rddreg [dreg:$0x5];
	[sflag:s2] =	ssyncadd.s32 $0xFFFFFC00;
	s7 =	sshrl.u32 s26, $0x3  }
0x3c: {  	[hbm:s28], [sflag:s4] =	dma.local [spmem:s7], $0x400  }
0x3d: {  	_ =	swait.ge [sflag:s2], $0x400  }
0x3e: {  	[sflag:s2] =	ssyncset.done $0x0;
	s26 =	rddreg [dreg:$0x12]  }
0x3f: {  	s28 =	rddreg [dreg:$0x6];
	[sflag:s2] =	ssyncadd.s32 $0xFFFFFC00;
	s7 =	sshrl.u32 s26, $0x3  }
0x40: {  	[hbm:s28], [sflag:s4] =	dma.local [spmem:s7], $0x400  }
0x41: {  	_ =	swait.ge [sflag:s2], $0x400  }
0x42: {  	[sflag:s2] =	ssyncset.done $0x0;
	s26 =	rddreg [dreg:$0x13]  }
0x43: {  	s28 =	rddreg [dreg:$0x7];
	[sflag:s2] =	ssyncadd.s32 $0xFFFFFC00;
	s7 =	sshrl.u32 s26, $0x3  }
0x44: {  	[hbm:s28], [sflag:s4] =	dma.local [spmem:s7], $0x400  }
0x45: {  	_ =	swait.ge [sflag:s2], $0x400  }
0x46: {  	[sflag:s2] =	ssyncset.done $0x0;
	s26 =	rddreg [dreg:$0x14]  }
0x47: {  	s28 =	rddreg [dreg:$0x8];
	[sflag:s2] =	ssyncadd.s32 $0xFFFFFC00;
	s7 =	sshrl.u32 s26, $0x3  }
0x48: {  	[hbm:s28], [sflag:s4] =	dma.local [spmem:s7], $0x400  }
0x49: {  	_ =	swait.ge [sflag:s2], $0x400  }
0x4a: {  	[sflag:s2] =	ssyncset.done $0x0;
	s26 =	rddreg [dreg:$0x15]  }
0x4b: {  	s28 =	rddreg [dreg:$0x9];
	[sflag:s2] =	ssyncadd.s32 $0xFFFFFC00;
	s7 =	sshrl.u32 s26, $0x3  }
0x4c: {  	[hbm:s28], [sflag:s4] =	dma.local [spmem:s7], $0x400  }
0x4d: {  	_ =	swait.ge [sflag:s2], $0x400  }
0x4e: {  	[sflag:s2] =	ssyncset.done $0x0;
	s26 =	rddreg [dreg:$0x16]  }
0x4f: {  	s28 =	rddreg [dreg:$0xa];
	[sflag:s2] =	ssyncadd.s32 $0xFFFFFC00;
	s7 =	sshrl.u32 s26, $0x3  }
0x50: {  	[hbm:s28], [sflag:s4] =	dma.local [spmem:s7], $0x400  }
0x51: {  	_ =	swait.ge [sflag:s2], $0x400  }
0x52: {  	[sflag:s2] =	ssyncset.done $0x0;
	s26 =	rddreg [dreg:$0x17]  }
0x53: {  	s28 =	rddreg [dreg:$0xb];
	[sflag:s2] =	ssyncadd.s32 $0xFFFFFC00;
	s7 =	sshrl.u32 s26, $0x3  }
0x54: {  	[hbm:s28], [sflag:s4] =	dma.local [spmem:s7], $0x400  }
0x55: {  	_ =	swait.ge [sflag:s2], $0x400  }
0x56: {  	[sflag:s2] =	ssyncset.done $0x0;
	s26 =	rddreg [dreg:$0x18]  }
0x57: {  	s28 =	rddreg [dreg:$0xc];
	[sflag:s2] =	ssyncadd.s32 $0xFFFFFC00;
	s7 =	sshrl.u32 s26, $0x3  }
0x58: {  	[hbm:s28], [sflag:s4] =	dma.local [spmem:s7], $0x400  }
0x59: {  	_ =	swait.ge [sflag:s2], $0x400  }
0x5a: {  	[sflag:s2] =	ssyncset.done $0x0;
	s26 =	rddreg [dreg:$0x19]  }
0x5b: {  	s28 =	rddreg [dreg:$0xd];
	[sflag:s2] =	ssyncadd.s32 $0xFFFFFC00;
	s7 =	sshrl.u32 s26, $0x3  }
0x5c: {  	[hbm:s28], [sflag:s4] =	dma.local [spmem:s7], $0x400  }
0x5d: {  	_ =	swait.ge [sflag:s2], $0x400  }
0x5e: {  	s26 =	rddreg [dreg:$0x1b]  }
0x5f: {  	s28 =	rddreg [dreg:$0x1a];
	s7 =	sadd.s32 $0x1, s26  }
0x60: {  	p0 =	sne.s32 s7, s28  }
.Ltmp1:
0x61: {  	_ = 	snop;
	(pc) =	sbr.rel @!p0 .LBB2_7-.Ltmp1, $3  }
0x62: {  	_ =	sdelay $0x1  }
0x63: {  	[sflag:s2] =	ssyncset.done $0x0  }
0x64: {  	[sflag:s2] =	ssyncadd.s32 $0xFFFFFC00  }
.LBB2_1:
0x65: {  	s26 =	sand.u32 $0x7E00, s1  }
0x66: {  	[dreg:$0x1b] =	wrdreg s7;
	s28 =	sand.u32 $0x70, s1;
	s7 =	sshrl.u32 s26, $0x2  }
0x67: {  	s26 =	simm.s32 $0x40;
	s7 =	sor.u32 s28, s7;
	s28 =	simm.s32 $0x0  }
.LBB2_2:
0x68: {  	p0 =	sne.s32 s26, $0x7FC0  }
0x69: {  	[tilespmem:s7+$0x16000] =	vst v0;
	s28 =	sadd.s32 $0x10, s28;
	s7 =	smov.u32 s26;
	s26 =	sadd.s32 $0x40, s26  }
.Ltmp2:
0x6a: {  	(pc) =	sbr.rel @p0 .LBB2_2-.Ltmp2, $4  }
0x6b: {  	_ = 	snop  }
0x6c: {  	s7 =	sand.u32 $0x7E00, s7  }
0x6d: {  	s9 =	sand.u32 $0x70, s28;
	s7 =	sshrl.u32 s7, $0x2  }
0x6e: {  	s7 =	sor.u32 s9, s7  }
0x6f: {  	[tilespmem:s7+$0x16000] =	vst v0;
	s4 =	rddreg [dreg:$0x10]  }
0x70: {  	[spmem:s4] =	stream.linear.scatter [tilespmem:s0], [sflag:$0x8], $0x2000, $0x38;
	v63 =	vld [tilespmem:$0x0]  }
0x71: {  	_ =	swait.ge [sflag:s2], $0x2000  }
0x72: {  	[sflag:s2] =	ssyncset.done $0x0  }
0x73: {  	s7 =	rddreg [dreg:$0x11];
	[sflag:s2] =	ssyncadd.s32 $0xFFFFE000  }
0x74: {  	[spmem:s7] =	stream.linear.scatter [tilespmem:s0], [sflag:$0x8], $0x2000, $0x38;
	v63 =	vld [tilespmem:$0x0]  }
0x75: {  	_ =	swait.ge [sflag:s2], $0x2000  }
0x76: {  	[sflag:s2] =	ssyncset.done $0x0  }
0x77: {  	s9 =	rddreg [dreg:$0x12];
	[sflag:s2] =	ssyncadd.s32 $0xFFFFE000  }
0x78: {  	[spmem:s9] =	stream.linear.scatter [tilespmem:s0], [sflag:$0x8], $0x2000, $0x38;
	v63 =	vld [tilespmem:$0x0]  }
0x79: {  	_ =	swait.ge [sflag:s2], $0x2000  }
0x7a: {  	[sflag:s2] =	ssyncset.done $0x0  }
0x7b: {  	s26 =	rddreg [dreg:$0x13];
	[sflag:s2] =	ssyncadd.s32 $0xFFFFE000  }
0x7c: {  	[spmem:s26] =	stream.linear.scatter [tilespmem:s0], [sflag:$0x8], $0x2000, $0x38;
	v63 =	vld [tilespmem:$0x0]  }
0x7d: {  	_ =	swait.ge [sflag:s2], $0x2000  }
0x7e: {  	[sflag:s2] =	ssyncset.done $0x0  }
0x7f: {  	s28 =	rddreg [dreg:$0x14];
	[sflag:s2] =	ssyncadd.s32 $0xFFFFE000  }
0x80: {  	[spmem:s28] =	stream.linear.scatter [tilespmem:s0], [sflag:$0x8], $0x2000, $0x38;
	v63 =	vld [tilespmem:$0x0]  }
0x81: {  	_ =	swait.ge [sflag:s2], $0x2000  }
0x82: {  	[sflag:s2] =	ssyncset.done $0x0  }
0x83: {  	s7 =	rddreg [dreg:$0x15];
	[sflag:s2] =	ssyncadd.s32 $0xFFFFE000  }
0x84: {  	[spmem:s7] =	stream.linear.scatter [tilespmem:s0], [sflag:$0x8], $0x2000, $0x38;
	v63 =	vld [tilespmem:$0x0]  }
0x85: {  	_ =	swait.ge [sflag:s2], $0x2000  }
0x86: {  	[sflag:s2] =	ssyncset.done $0x0  }
0x87: {  	s9 =	rddreg [dreg:$0x16];
	[sflag:s2] =	ssyncadd.s32 $0xFFFFE000  }
0x88: {  	[spmem:s9] =	stream.linear.scatter [tilespmem:s0], [sflag:$0x8], $0x2000, $0x38;
	v63 =	vld [tilespmem:$0x0]  }
0x89: {  	_ =	swait.ge [sflag:s2], $0x2000  }
0x8a: {  	[sflag:s2] =	ssyncset.done $0x0  }
0x8b: {  	s26 =	rddreg [dreg:$0x17];
	[sflag:s2] =	ssyncadd.s32 $0xFFFFE000  }
0x8c: {  	[spmem:s26] =	stream.linear.scatter [tilespmem:s0], [sflag:$0x8], $0x2000, $0x38;
	v63 =	vld [tilespmem:$0x0]  }
0x8d: {  	_ =	swait.ge [sflag:s2], $0x2000  }
0x8e: {  	[sflag:s2] =	ssyncset.done $0x0  }
0x8f: {  	s28 =	rddreg [dreg:$0x18];
	[sflag:s2] =	ssyncadd.s32 $0xFFFFE000  }
0x90: {  	[spmem:s28] =	stream.linear.scatter [tilespmem:s0], [sflag:$0x8], $0x2000, $0x38;
	v63 =	vld [tilespmem:$0x0]  }
0x91: {  	_ =	swait.ge [sflag:s2], $0x2000  }
0x92: {  	[sflag:s2] =	ssyncset.done $0x0  }
0x93: {  	s7 =	rddreg [dreg:$0x19];
	[sflag:s2] =	ssyncadd.s32 $0xFFFFE000  }
0x94: {  	[spmem:s7] =	stream.linear.scatter [tilespmem:s0], [sflag:$0x8], $0x2000, $0x38;
	v63 =	vld [tilespmem:$0x0]  }
0x95: {  	_ =	swait.ge [sflag:s2], $0x2000  }
0x96: {  	s26 =	simm.s32 $0x0;
	[sflag:s2] =	ssyncset.done $0x0  }
0x97: {  	s7 =	simm.s32 $0x14000;
	s9 =	rddreg [dreg:$0xe];
	[sflag:s2] =	ssyncadd.s32 $0xFFFFE000  }
0x98: {  	[tilespmem:s7], [sflag:$0x8] =	stream.linear.gather [hbm4b:s9+s26], $0x500, $0x38;
	v63 =	vld [tilespmem:$0x0]  }
0x99: {  	_ =	swait.ge [sflag:s2], $0x500  }
0x9a: {  	[sflag:s2] =	ssyncset.done $0x0  }
0x9b: {  	s9 =	simm.s32 $0x15000;
	s28 =	rddreg [dreg:$0xf];
	[sflag:s2] =	ssyncadd.s32 $0xFFFFFB00  }
0x9c: {  	[tilespmem:s9], [sflag:$0x8] =	stream.linear.gather [hbm4b:s28+s26], $0x500, $0x38;
	v63 =	vld [tilespmem:$0x0]  }
0x9d: {  	_ =	swait.ge [sflag:s2], $0x500  }
0x9e: {  	[sflag:s2] =	ssyncset.done $0x0  }
0x9f: {  	[sflag:s2] =	ssyncadd.s32 $0xFFFFFB00  }
0xa0: {  	[bflag:$0x0] =	sbarrier.arrive $0xFFFF  }
0xa1: {  	[tilespmem:s0], [sflag:$0x3] =	stream.indirect.gather [hbm4b:s18+s5], $0x80, s7, s5, $0xb8;
	v63 =	vld [tilespmem:$0x0]  }
0xa2: {  	s7 =	simm.s32 $0x14080  }
0xa3: {  	[tilespmem:s6], [sflag:$0x4] =	stream.indirect.gather [hbm4b:s18+s5], $0x80, s7, s5, $0xb8;
	v63 =	vld [tilespmem:$0x0]  }
0xa4: {  	s9 =	simm.s32 $0x14100  }
0xa5: {  	[tilespmem:s8], [sflag:$0x5] =	stream.indirect.gather [hbm4b:s18+s5], $0x80, s9, s5, $0xb8;
	v63 =	vld [tilespmem:$0x0]  }
0xa6: {  	s28 =	simm.s32 $0x14180  }
0xa7: {  	[tilespmem:s10], [sflag:$0x6] =	stream.indirect.gather [hbm4b:s18+s5], $0x80, s28, s5, $0xb8;
	v63 =	vld [tilespmem:$0x0]  }
.LBB2_4:
0xa8: {  	p0 =	seq.s32 s26, $0x0  }
0xa9: {  	s7 =	simm.s32 @!p0 $0x7  }
0xaa: {  	_ =	swait.ge @!p0 [sflag:s7], $0x2000  }
0xab: {  	[sflag:s7] =	ssyncset.done @!p0 $0x0  }
0xac: {  	s28 =	sadd.s32 s26, s31;
	[sflag:s7] =	ssyncadd.s32 @!p0 $0xFFFFE000  }
0xad: {  	[tilespmem:s11], [sflag:$0x2] =	stream.linear.gather [hbm4b:s28+s1], $0x500, $0x38;
	v63 =	vld [tilespmem:$0x0]  }
0xae: {  	s4 =	sadd.s32 s26, s14  }
0xaf: {  	[tilespmem:s12], [sflag:$0x2] =	stream.linear.gather [hbm4b:s4+s1], $0x500, $0x38;
	v63 =	vld [tilespmem:$0x0]  }
0xb0: {  	_ =	swait.ge [sflag:s13], $0x2000  }
0xb1: {  	[sflag:s13] =	ssyncset.done $0x0  }
0xb2: {  	s4 =	simm.s32 $0x15000;
	[sflag:s13] =	ssyncadd.s32 $0xFFFFE000  }
0xb3: {  	[spmem:s15] =	stream.indirect.scatter.add.f32 [tilespmem:s0], [sflag:$0x3], $0x80, s4, s5, $0xb8;
	v63 =	vld [tilespmem:$0x0]  }
0xb4: {  	s7 =	simm.s32 $0x14200  }
0xb5: {  	[tilespmem:s30], [sflag:$0x7] =	stream.indirect.gather [hbm4b:s18+s5], $0x80, s7, s5, $0xb8;
	v63 =	vld [tilespmem:$0x0]  }
0xb6: {  	_ =	swait.ge [sflag:s19], $0x2000  }
0xb7: {  	[sflag:s19] =	ssyncset.done $0x0  }
0xb8: {  	s9 =	simm.s32 $0x15080;
	[sflag:s19] =	ssyncadd.s32 $0xFFFFE000  }
0xb9: {  	[spmem:s15] =	stream.indirect.scatter.add.f32 [tilespmem:s6], [sflag:$0x4], $0x80, s9, s5, $0xb8;
	v63 =	vld [tilespmem:$0x0]  }
0xba: {  	_ =	swait.ge [sflag:s13], $0x2000  }
0xbb: {  	[sflag:s13] =	ssyncset.done $0x0  }
0xbc: {  	s28 =	simm.s32 $0x14280;
	[sflag:s13] =	ssyncadd.s32 $0xFFFFE000  }
0xbd: {  	[tilespmem:s0], [sflag:$0x3] =	stream.indirect.gather [hbm4b:s18+s5], $0x80, s28, s5, $0xb8;
	v63 =	vld [tilespmem:$0x0]  }
0xbe: {  	_ =	swait.ge [sflag:s22], $0x2000  }
0xbf: {  	[sflag:s22] =	ssyncset.done $0x0  }
0xc0: {  	s7 =	simm.s32 $0x15100;
	[sflag:s22] =	ssyncadd.s32 $0xFFFFE000  }
0xc1: {  	[spmem:s15] =	stream.indirect.scatter.add.f32 [tilespmem:s8], [sflag:$0x5], $0x80, s7, s5, $0xb8;
	v63 =	vld [tilespmem:$0x0]  }
0xc2: {  	_ =	swait.ge [sflag:s19], $0x2000  }
0xc3: {  	[sflag:s19] =	ssyncset.done $0x0  }
0xc4: {  	s9 =	simm.s32 $0x14300;
	[sflag:s19] =	ssyncadd.s32 $0xFFFFE000  }
0xc5: {  	[tilespmem:s6], [sflag:$0x4] =	stream.indirect.gather [hbm4b:s18+s5], $0x80, s9, s5, $0xb8;
	v63 =	vld [tilespmem:$0x0]  }
0xc6: {  	_ =	swait.ge [sflag:s25], $0x2000  }
0xc7: {  	[sflag:s25] =	ssyncset.done $0x0  }
0xc8: {  	s28 =	simm.s32 $0x15180;
	[sflag:s25] =	ssyncadd.s32 $0xFFFFE000  }
0xc9: {  	[spmem:s15] =	stream.indirect.scatter.add.f32 [tilespmem:s10], [sflag:$0x6], $0x80, s28, s5, $0xb8;
	v63 =	vld [tilespmem:$0x0]  }
0xca: {  	_ =	swait.ge [sflag:s22], $0x2000  }
0xcb: {  	[sflag:s22] =	ssyncset.done $0x0  }
0xcc: {  	s7 =	simm.s32 $0x14380;
	[sflag:s22] =	ssyncadd.s32 $0xFFFFE000  }
0xcd: {  	[tilespmem:s8], [sflag:$0x5] =	stream.indirect.gather [hbm4b:s18+s5], $0x80, s7, s5, $0xb8;
	v63 =	vld [tilespmem:$0x0]  }
0xce: {  	_ =	swait.ge [sflag:s29], $0x2000  }
0xcf: {  	[sflag:s29] =	ssyncset.done $0x0  }
0xd0: {  	s9 =	simm.s32 $0x15200;
	[sflag:s29] =	ssyncadd.s32 $0xFFFFE000  }
0xd1: {  	[spmem:s15] =	stream.indirect.scatter.add.f32 [tilespmem:s30], [sflag:$0x7], $0x80, s9, s5, $0xb8;
	v63 =	vld [tilespmem:$0x0]  }
0xd2: {  	_ =	swait.ge [sflag:s25], $0x2000  }
0xd3: {  	[sflag:s25] =	ssyncset.done $0x0  }
0xd4: {  	s28 =	simm.s32 $0x14400;
	[sflag:s25] =	ssyncadd.s32 $0xFFFFE000  }
0xd5: {  	[tilespmem:s10], [sflag:$0x6] =	stream.indirect.gather [hbm4b:s18+s5], $0x80, s28, s5, $0xb8;
	v63 =	vld [tilespmem:$0x0]  }
0xd6: {  	_ =	swait.ge [sflag:s3], $0x500  }
0xd7: {  	[sflag:s3] =	ssyncset.done $0x0  }
0xd8: {  	[sflag:s3] =	ssyncadd.s32 $0xFFFFFB00  }
0xd9: {  	_ =	swait.ge [sflag:s3], $0x500  }
0xda: {  	[sflag:s3] =	ssyncset.done $0x0  }
0xdb: {  	[sflag:s3] =	ssyncadd.s32 $0xFFFFFB00  }
0xdc: {  	_ =	swait.ge [sflag:s13], $0x2000  }
0xdd: {  	[sflag:s13] =	ssyncset.done $0x0  }
0xde: {  	s7 =	simm.s32 $0x15280;
	[sflag:s13] =	ssyncadd.s32 $0xFFFFE000  }
0xdf: {  	[spmem:s15] =	stream.indirect.scatter.add.f32 [tilespmem:s0], [sflag:$0x3], $0x80, s7, s5, $0xb8;
	v63 =	vld [tilespmem:$0x0]  }
0xe0: {  	_ =	swait.ge [sflag:s29], $0x2000  }
0xe1: {  	[sflag:s29] =	ssyncset.done $0x0  }
0xe2: {  	s9 =	simm.s32 $0x14480;
	[sflag:s29] =	ssyncadd.s32 $0xFFFFE000  }
0xe3: {  	[tilespmem:s30], [sflag:$0x7] =	stream.indirect.gather [hbm4b:s18+s5], $0x80, s9, s5, $0xb8;
	v63 =	vld [tilespmem:$0x0]  }
0xe4: {  	_ =	swait.ge [sflag:s19], $0x2000  }
0xe5: {  	[sflag:s19] =	ssyncset.done $0x0  }
0xe6: {  	s28 =	simm.s32 $0x15300;
	[sflag:s19] =	ssyncadd.s32 $0xFFFFE000  }
0xe7: {  	[spmem:s15] =	stream.indirect.scatter.add.f32 [tilespmem:s6], [sflag:$0x4], $0x80, s28, s5, $0xb8;
	v63 =	vld [tilespmem:$0x0]  }
0xe8: {  	_ =	swait.ge [sflag:s13], $0x2000  }
0xe9: {  	[sflag:s13] =	ssyncset.done $0x0  }
0xea: {  	[sflag:s13] =	ssyncadd.s32 $0xFFFFE000  }
0xeb: {  	[tilespmem:s0], [sflag:$0x3] =	stream.indirect.gather [hbm4b:s18+s5], $0x80, s11, s5, $0xb8;
	v63 =	vld [tilespmem:$0x0]  }
0xec: {  	_ =	swait.ge [sflag:s22], $0x2000  }
0xed: {  	[sflag:s22] =	ssyncset.done $0x0  }
0xee: {  	s7 =	simm.s32 $0x15380;
	[sflag:s22] =	ssyncadd.s32 $0xFFFFE000  }
0xef: {  	[spmem:s15] =	stream.indirect.scatter.add.f32 [tilespmem:s8], [sflag:$0x5], $0x80, s7, s5, $0xb8;
	v63 =	vld [tilespmem:$0x0]  }
0xf0: {  	_ =	swait.ge [sflag:s19], $0x2000  }
0xf1: {  	[sflag:s19] =	ssyncset.done $0x0  }
0xf2: {  	s9 =	simm.s32 $0x14880;
	[sflag:s19] =	ssyncadd.s32 $0xFFFFE000  }
0xf3: {  	[tilespmem:s6], [sflag:$0x4] =	stream.indirect.gather [hbm4b:s18+s5], $0x80, s9, s5, $0xb8;
	v63 =	vld [tilespmem:$0x0]  }
0xf4: {  	_ =	swait.ge [sflag:s25], $0x2000  }
0xf5: {  	[sflag:s25] =	ssyncset.done $0x0  }
0xf6: {  	s28 =	simm.s32 $0x15400;
	[sflag:s25] =	ssyncadd.s32 $0xFFFFE000  }
0xf7: {  	[spmem:s15] =	stream.indirect.scatter.add.f32 [tilespmem:s10], [sflag:$0x6], $0x80, s28, s5, $0xb8;
	v63 =	vld [tilespmem:$0x0]  }
0xf8: {  	_ =	swait.ge [sflag:s22], $0x2000  }
0xf9: {  	[sflag:s22] =	ssyncset.done $0x0  }
0xfa: {  	s7 =	simm.s32 $0x14900;
	[sflag:s22] =	ssyncadd.s32 $0xFFFFE000  }
0xfb: {  	[tilespmem:s8], [sflag:$0x5] =	stream.indirect.gather [hbm4b:s18+s5], $0x80, s7, s5, $0xb8;
	v63 =	vld [tilespmem:$0x0]  }
0xfc: {  	_ =	swait.ge [sflag:s29], $0x2000  }
0xfd: {  	[sflag:s29] =	ssyncset.done $0x0  }
0xfe: {  	s9 =	simm.s32 $0x15480;
	[sflag:s29] =	ssyncadd.s32 $0xFFFFE000  }
0xff: {  	[spmem:s15] =	stream.indirect.scatter.add.f32 [tilespmem:s30], [sflag:$0x7], $0x80, s9, s5, $0xb8;
	v63 =	vld [tilespmem:$0x0]  }
0x100: {  	_ =	swait.ge [sflag:s25], $0x2000  }
0x101: {  	[sflag:s25] =	ssyncset.done $0x0  }
0x102: {  	s28 =	simm.s32 $0x14980;
	[sflag:s25] =	ssyncadd.s32 $0xFFFFE000  }
0x103: {  	[tilespmem:s10], [sflag:$0x6] =	stream.indirect.gather [hbm4b:s18+s5], $0x80, s28, s5, $0xb8;
	v63 =	vld [tilespmem:$0x0]  }
0x104: {  	p0 =	seq.s32 s26, $0xE00;
	_ =	swait.ge [sflag:s29], $0x2000  }
0x105: {  	s7 =	sadd.s32 @!p0 s26, s17;
	[sflag:s29] =	ssyncset.done $0x0  }
0x106: {  	s9 =	simm.s32 @!p0 $0x0;
	s28 =	simm.s32 @!p0 $0x14000;
	[sflag:s29] =	ssyncadd.s32 $0xFFFFE000  }
0x107: {  	[tilespmem:s28], [sflag:$0x1] =	stream.linear.gather @!p0 [hbm4b:s7+s9], $0x500, $0x38;
	v63 =	vld [tilespmem:$0x0]  }
0x108: {  	s4 =	simm.s32 @!p0 $0x15000;
	s7 =	sadd.s32 @!p0 s26, s16  }
0x109: {  	[tilespmem:s4], [sflag:$0x1] =	stream.linear.gather @!p0 [hbm4b:s7+s9], $0x500, $0x38;
	v63 =	vld [tilespmem:$0x0]  }
0x10a: {  	_ =	swait.ge [sflag:s13], $0x2000  }
0x10b: {  	[sflag:s13] =	ssyncset.done $0x0  }
0x10c: {  	[sflag:s13] =	ssyncadd.s32 $0xFFFFE000  }
0x10d: {  	[spmem:s15] =	stream.indirect.scatter.add.f32 [tilespmem:s0], [sflag:$0x3], $0x80, s12, s5, $0xb8;
	v63 =	vld [tilespmem:$0x0]  }
0x10e: {  	s7 =	simm.s32 $0x14A00  }
0x10f: {  	[tilespmem:s30], [sflag:$0x7] =	stream.indirect.gather [hbm4b:s18+s5], $0x80, s7, s5, $0xb8;
	v63 =	vld [tilespmem:$0x0]  }
0x110: {  	_ =	swait.ge [sflag:s19], $0x2000  }
0x111: {  	[sflag:s19] =	ssyncset.done $0x0  }
0x112: {  	s9 =	simm.s32 $0x15880;
	[sflag:s19] =	ssyncadd.s32 $0xFFFFE000  }
0x113: {  	[spmem:s15] =	stream.indirect.scatter.add.f32 [tilespmem:s6], [sflag:$0x4], $0x80, s9, s5, $0xb8;
	v63 =	vld [tilespmem:$0x0]  }
0x114: {  	_ =	swait.ge [sflag:s13], $0x2000  }
0x115: {  	[sflag:s13] =	ssyncset.done $0x0  }
0x116: {  	s7 =	simm.s32 $0x14A80;
	[sflag:s13] =	ssyncadd.s32 $0xFFFFE000  }
0x117: {  	[tilespmem:s0], [sflag:$0x3] =	stream.indirect.gather [hbm4b:s18+s5], $0x80, s7, s5, $0xb8;
	v63 =	vld [tilespmem:$0x0]  }
0x118: {  	_ =	swait.ge [sflag:s22], $0x2000  }
0x119: {  	[sflag:s22] =	ssyncset.done $0x0  }
0x11a: {  	s9 =	simm.s32 $0x15900;
	[sflag:s22] =	ssyncadd.s32 $0xFFFFE000  }
0x11b: {  	[spmem:s15] =	stream.indirect.scatter.add.f32 [tilespmem:s8], [sflag:$0x5], $0x80, s9, s5, $0xb8;
	v63 =	vld [tilespmem:$0x0]  }
0x11c: {  	_ =	swait.ge [sflag:s19], $0x2000  }
0x11d: {  	[sflag:s19] =	ssyncset.done $0x0  }
0x11e: {  	s7 =	simm.s32 $0x14B00;
	[sflag:s19] =	ssyncadd.s32 $0xFFFFE000  }
0x11f: {  	[tilespmem:s6], [sflag:$0x4] =	stream.indirect.gather [hbm4b:s18+s5], $0x80, s7, s5, $0xb8;
	v63 =	vld [tilespmem:$0x0]  }
0x120: {  	_ =	swait.ge [sflag:s25], $0x2000  }
0x121: {  	[sflag:s25] =	ssyncset.done $0x0  }
0x122: {  	s9 =	simm.s32 $0x15980;
	[sflag:s25] =	ssyncadd.s32 $0xFFFFE000  }
0x123: {  	[spmem:s15] =	stream.indirect.scatter.add.f32 [tilespmem:s10], [sflag:$0x6], $0x80, s9, s5, $0xb8;
	v63 =	vld [tilespmem:$0x0]  }
0x124: {  	_ =	swait.ge [sflag:s22], $0x2000  }
0x125: {  	[sflag:s22] =	ssyncset.done $0x0  }
0x126: {  	s7 =	simm.s32 $0x14B80;
	[sflag:s22] =	ssyncadd.s32 $0xFFFFE000  }
0x127: {  	[tilespmem:s8], [sflag:$0x5] =	stream.indirect.gather [hbm4b:s18+s5], $0x80, s7, s5, $0xb8;
	v63 =	vld [tilespmem:$0x0]  }
0x128: {  	_ =	swait.ge [sflag:s29], $0x2000  }
0x129: {  	[sflag:s29] =	ssyncset.done $0x0  }
0x12a: {  	s9 =	simm.s32 $0x15A00;
	[sflag:s29] =	ssyncadd.s32 $0xFFFFE000  }
0x12b: {  	[spmem:s15] =	stream.indirect.scatter.add.f32 [tilespmem:s30], [sflag:$0x7], $0x80, s9, s5, $0xb8;
	v63 =	vld [tilespmem:$0x0]  }
0x12c: {  	_ =	swait.ge [sflag:s25], $0x2000  }
0x12d: {  	[sflag:s25] =	ssyncset.done $0x0  }
0x12e: {  	s4 =	simm.s32 @!p0 $0x1;
	s7 =	simm.s32 $0x14C00;
	[sflag:s25] =	ssyncadd.s32 $0xFFFFE000  }
0x12f: {  	[tilespmem:s10], [sflag:$0x6] =	stream.indirect.gather [hbm4b:s18+s5], $0x80, s7, s5, $0xb8;
	v63 =	vld [tilespmem:$0x0]  }
0x130: {  	_ =	swait.ge @!p0 [sflag:s4], $0x500  }
0x131: {  	[sflag:s4] =	ssyncset.done @!p0 $0x0  }
0x132: {  	[sflag:s4] =	ssyncadd.s32 @!p0 $0xFFFFFB00  }
0x133: {  	_ =	swait.ge @!p0 [sflag:s4], $0x500  }
0x134: {  	[sflag:s4] =	ssyncset.done @!p0 $0x0  }
0x135: {  	[sflag:s4] =	ssyncadd.s32 @!p0 $0xFFFFFB00  }
0x136: {  	_ =	swait.ge [sflag:s13], $0x2000  }
0x137: {  	[sflag:s13] =	ssyncset.done $0x0  }
0x138: {  	s9 =	simm.s32 $0x15A80;
	[sflag:s13] =	ssyncadd.s32 $0xFFFFE000  }
0x139: {  	[spmem:s15] =	stream.indirect.scatter.add.f32 [tilespmem:s0], [sflag:$0x3], $0x80, s9, s5, $0xb8;
	v63 =	vld [tilespmem:$0x0]  }
0x13a: {  	_ =	swait.ge [sflag:s29], $0x2000  }
0x13b: {  	[sflag:s29] =	ssyncset.done $0x0  }
0x13c: {  	[sflag:s29] =	ssyncadd.s32 $0xFFFFE000  }
0x13d: {  	[tilespmem:s30], [sflag:$0x7] =	stream.indirect.gather [hbm4b:s18+s5], $0x80, s20, s5, $0xb8;
	v63 =	vld [tilespmem:$0x0]  }
0x13e: {  	_ =	swait.ge [sflag:s19], $0x2000  }
0x13f: {  	[sflag:s19] =	ssyncset.done $0x0  }
0x140: {  	[sflag:s19] =	ssyncadd.s32 $0xFFFFE000  }
0x141: {  	[spmem:s15] =	stream.indirect.scatter.add.f32 [tilespmem:s6], [sflag:$0x4], $0x80, s21, s5, $0xb8;
	v63 =	vld [tilespmem:$0x0]  }
0x142: {  	_ =	swait.ge [sflag:s13], $0x2000  }
0x143: {  	[sflag:s13] =	ssyncset.done $0x0  }
0x144: {  	s4 =	simm.s32 @p0 $0x5;
	[sflag:s13] =	ssyncadd.s32 $0xFFFFE000  }
0x145: {  	_ =	swait.ge @p0 [sflag:s4], $0x2000  }
0x146: {  	s7 =	simm.s32 @p0 $0x15B80;
	[sflag:s4] =	ssyncset.done @p0 $0x0  }
0x147: {  	s9 =	simm.s32 @p0 $0x1A000;
	[sflag:s4] =	ssyncadd.s32 @p0 $0xFFFFE000;
	s4 =	simm.s32 @p0 $0x40  }
0x148: {  	[spmem:s15] =	stream.indirect.scatter.add.f32 @p0 [tilespmem:s9], [sflag:$0x5], $0x80, s7, s4, $0xb8;
	v63 =	vld [tilespmem:$0x0]  }
0x149: {  	s4 =	simm.s32 @p0 $0x4  }
0x14a: {  	_ =	swait.ge @p0 [sflag:s4], $0x2000  }
0x14b: {  	[sflag:s4] =	ssyncset.done @p0 $0x0  }
0x14c: {  	s7 =	simm.s32 @!p0 $0x16000;
	[sflag:s4] =	ssyncadd.s32 @p0 $0xFFFFE000;
	s4 =	simm.s32 @!p0 $0x40  }
0x14d: {  	[tilespmem:s7], [sflag:$0x3] =	stream.indirect.gather @!p0 [hbm4b:s18+s4], $0x80, s28, s4, $0xb8;
	v63 =	vld [tilespmem:$0x0]  }
0x14e: {  	s7 =	simm.s32 @!p0 $0x5  }
0x14f: {  	_ =	swait.ge @!p0 [sflag:s7], $0x2000  }
0x150: {  	[sflag:s7] =	ssyncset.done @!p0 $0x0  }
0x151: {  	s9 =	simm.s32 @!p0 $0x1A000;
	[sflag:s7] =	ssyncadd.s32 @!p0 $0xFFFFE000;
	s7 =	simm.s32 @!p0 $0x15B80  }
0x152: {  	[spmem:s15] =	stream.indirect.scatter.add.f32 @!p0 [tilespmem:s9], [sflag:$0x5], $0x80, s7, s4, $0xb8;
	v63 =	vld [tilespmem:$0x0]  }
0x153: {  	s7 =	simm.s32 @!p0 $0x4  }
0x154: {  	_ =	swait.ge @!p0 [sflag:s7], $0x2000  }
0x155: {  	[sflag:s7] =	ssyncset.done @!p0 $0x0  }
0x156: {  	s9 =	simm.s32 @!p0 $0x18000;
	[sflag:s7] =	ssyncadd.s32 @!p0 $0xFFFFE000;
	s7 =	simm.s32 @!p0 $0x14080  }
0x157: {  	[tilespmem:s9], [sflag:$0x4] =	stream.indirect.gather @!p0 [hbm4b:s18+s4], $0x80, s7, s4, $0xb8;
	v63 =	vld [tilespmem:$0x0]  }
0x158: {  	_ =	swait.ge [sflag:s25], $0x2000  }
0x159: {  	[sflag:s25] =	ssyncset.done $0x0  }
.Ltmp3:
0x15a: {  	[sflag:s25] =	ssyncadd.s32 $0xFFFFE000;
	(pc) =	sbr.rel @p0 .LBB2_6-.Ltmp3, $4  }
0x15b: {  	[spmem:s15] =	stream.indirect.scatter.add.f32 [tilespmem:s10], [sflag:$0x6], $0x80, s23, s5, $0xb8;
	v63 =	vld [tilespmem:$0x0]  }
0x15c: {  	_ =	swait.ge [sflag:s22], $0x2000  }
0x15d: {  	[sflag:s22] =	ssyncset.done $0x0  }
0x15e: {  	[sflag:s22] =	ssyncadd.s32 $0xFFFFE000  }
0x15f: {  	s4 =	simm.s32 $0x14100  }
0x160: {  	[tilespmem:s8], [sflag:$0x5] =	stream.indirect.gather [hbm4b:s18+s5], $0x80, s4, s5, $0xb8;
	v63 =	vld [tilespmem:$0x0]  }
0x161: {  	_ =	swait.ge [sflag:s29], $0x2000  }
0x162: {  	[sflag:s29] =	ssyncset.done $0x0  }
0x163: {  	[sflag:s29] =	ssyncadd.s32 $0xFFFFE000  }
0x164: {  	[spmem:s15] =	stream.indirect.scatter.add.f32 [tilespmem:s30], [sflag:$0x7], $0x80, s24, s5, $0xb8;
	v63 =	vld [tilespmem:$0x0]  }
.Ltmp4:
0x165: {  	_ = 	snop;
	(pc) =	sbr.rel .LBB2_4-.Ltmp4, $4  }
0x166: {  	_ =	swait.ge [sflag:s25], $0x2000  }
0x167: {  	[sflag:s25] =	ssyncset.done $0x0  }
0x168: {  	s28 =	simm.s32 $0x14180;
	s26 =	sadd.s32 $0x200, s26;
	[sflag:s25] =	ssyncadd.s32 $0xFFFFE000  }
0x169: {  	[tilespmem:s10], [sflag:$0x6] =	stream.indirect.gather [hbm4b:s18+s5], $0x80, s28, s5, $0xb8;
	v63 =	vld [tilespmem:$0x0]  }
.LBB2_7:
0x16a: {  	_ =	sfence.sel $0x180000  }
0x16b: {  	[bflag:$0x0] =	sbarrier.arrive $0xFFFF  }
0x16c: {  	_ =	strace $0x9000004A  }
0x16d: {  	s0 =	stileid.u32;
	[bflag:$0x2] =	sbarrier.arrive $0xFFFF  }
0x16e: {  	p0 =	sne.s32 s0, $0x0;
	s0 =	rddreg [dreg:$0x3]  }
0x16f: {  	s0 =	sadd.s32 @!p0 $0x100000, s0  }
0x170: {  	[sflag:s0] =	ssyncadd.tile.s32 @!p0 $0x1;
	_ =	shalt  }
.Lfunc_end2:
_tile_overlayer_lowered:
.L_overlay_start_2:
0x171: {  	(tag) =	ssettag $0x2  }
0x172: {  	s0 =	rddreg [dreg:$0x0];
	s2 =	stileid.u32  }
0x173: {  	s1 =	rddreg [dreg:$0x1];
	p0 =	sne.s32 s2, $0x0  }
0x174: {  	s3 =	rddreg [dreg:$0x2];
	[bflag:$0x3] =	sbarrier.arrive $0xFFFF;
	s2 =	simm.s32 @!p0 $0x1C08  }
0x175: {  	[timem:s3], [sflag:s2] =	dma.local @!p0 [hbm:s0], s1  }
0x176: {  	s0 =	simm.s32 @!p0 $0x8  }
0x177: {  	_ =	swait.ge @!p0 [sflag:s0], s1  }
0x178: {  	s1 =	ssub.s32 @!p0 $0x0, s1;
	[sflag:s0] =	ssyncset.done @!p0 $0x0  }
0x179: {  	[sflag:s0] =	ssyncadd.s32 @!p0 s1  }
0x17a: {  	[bflag:$0x3] =	sbarrier.arrive $0xFFFF  }
0x17b: {  	_ =	shalt  }

// kernel: kernel.7.cloned.1.call-start
scs
__scs_entry_jumppad:
0x0: {  	(pc) =	sbr.rel $0x88, $3  }
0x1: {  	(tag) =	ssettag $0x0;
	lr =	simm.s32 $0x1  }
0x2: {  	[smem:$0x3F9D] =	sst lr;
	_ =	strace $0xD0000000  }
0x3: {  	_ = 	snop  }
0x4: {  	_ = 	snop  }
0x5: {  	_ = 	snop  }
0x6: {  	_ = 	snop  }
0x7: {  	_ = 	snop  }
__scs_overlays_trampoline_lowered:
0x8: {  	[smem:$0x3FAC] =	sst s0  }
0x9: {  	[smem:$0x3FAD] =	sst s1  }
0xa: {  	[smem:$0x3FAE] =	sst s2  }
0xb: {  	[smem:$0x3FAF] =	sst s3  }
0xc: {  	[smem:$0x3FB0] =	sst s4  }
0xd: {  	[smem:$0x3FB1] =	sst s5  }
0xe: {  	[smem:$0x3FB2] =	sst s6  }
0xf: {  	[smem:$0x3FB3] =	sst s7  }
0x10: {  	[smem:$0x3FB4] =	sst s8  }
0x11: {  	[smem:$0x3FB5] =	sst s9;
	s0 =	simm.s32 @!p0 $0x0  }
0x12: {  	s1 =	sld [smem:$0x3F9B];
	s0 =	simm.s32 @p0 $0x1  }
0x13: {  	[smem:$0x3FB6] =	sst s0;
	s0 =	simm.s32 @!p1 $0x0  }
0x14: {  	s2 =	sld [smem:$0x3F9A];
	s0 =	simm.s32 @p1 $0x1  }
0x15: {  	[smem:$0x3FB7] =	sst s0;
	s0 =	simm.s32 @!p2 $0x0  }
0x16: {  	s3 =	sld [smem:$0x3FDB];
	s0 =	simm.s32 @p2 $0x1  }
0x17: {  	s4 =	simm.s32 $0x1BF5;
	[smem:$0x3FB9] =	sst s0  }
0x18: {  	s0 =	sld [smem:$0x3F9C];
	_ =	swait.ge [sflag:s4], $0x0  }
0x19: {  	s7 =	sld [smem:$0x3F9D]  }
0x1a: {  	s8 =	sadd.s32 $0xFFFFE003, lr  }
0x1b: {  	s9 =	sadd.s32 $0xFFFFFEF7, lr;
	s5 =	simm.s32 $0xFFFFFFFF;
	p2 =	slt.u32 s8, $0xFFFFF086  }
0x1c: {  	p1 =	slt.u32 s9, $0xF7A;
	s5 =	simm.s32 @!p2 $0x0  }
0x1d: {  	s5 =	simm.s32 @p1 $0x1;
	p0 =	seq.s32 s7, s2  }
0x1e: {  	s7 =	smul.u32 @!p0 $0xF7A, s2;
	p2 =	seq.s32 @!p0 s5, $0x0  }
0x1f: {  	s9 =	smul.u32 $0xF7A, s1;
	s8 =	simm.s32 @!p0 $0x1BF5;
	p2 =	por !p2, p0  }
0x20: {  	[sflag:s8] =	ssyncset.s32 @!p0 $0xFFFFF086;
	s6 =	sadd.s32 @!p0 s3, s7;
	s7 =	simm.s32 @!p0 $0x108  }
0x21: {  	s3 =	sadd.s32 s3, s9;
	s6 =	sadd.s32 @!p0 $0x88, s6;
	s7 =	simm.s32 @p2 $0x1082  }
0x22: {  	[simem:s7], [sflag:s8] =	dma.local @!p0 [hbm:s6], $0xF7A  }
0x23: {  	s9 =	sor.u32 $0xD0000000, s2;
	s6 =	simm.s32 $0x108;
	_ =	swait.ge @!p0 [sflag:s8], $0x0  }
0x24: {  	s3 =	sadd.s32 $0x88, s3;
	s6 =	simm.s32 @!p1 $0x1082;
	[sflag:s4] =	ssyncset.s32 $0xFFFFF086  }
0x25: {  	[simem:s6], [sflag:s4] =	dma.local [hbm:s3], $0xF7A  }
0x26: {  	[smem:$0x3F9D] =	sst s1;
	(tag) =	ssettag s2;
	_ =	strace s9  }
0x27: {  	s1 =	sld [smem:$0x3FAD]  }
0x28: {  	s2 =	sld [smem:$0x3FAE]  }
0x29: {  	s4 =	sld [smem:$0x3FB0]  }
0x2a: {  	p0 =	seq.s32 s5, $0x0;
	s5 =	sld [smem:$0x3FB1]  }
0x2b: {  	s6 =	sld [smem:$0x3FB2]  }
0x2c: {  	s7 =	sld [smem:$0x3FB3]  }
0x2d: {  	s3 =	simm.s32 $0x108;
	s8 =	sld [smem:$0x3FB4]  }
0x2e: {  	s3 =	simm.s32 @!p0 $0x1082;
	s9 =	sld [smem:$0x3FB5]  }
0x2f: {  	lr =	sadd.s32 s0, s3;
	s0 =	sld [smem:$0x3FAC]  }
0x30: {  	s3 =	sld [smem:$0x3FAF]  }
0x31: {  	[smem:$0x3FB8] =	sst s10  }
0x32: {  	s10 =	sld [smem:$0x3FB6];
	_ =	sdelay $0x3  }
0x33: {  	p0 =	seq.s32 s10, $0x1;
	s10 =	sld [smem:$0x3FB8];
	_ =	sdelay $0x3  }
0x34: {  	[smem:$0x3FB8] =	sst s10  }
0x35: {  	s10 =	sld [smem:$0x3FB7];
	_ =	sdelay $0x3  }
0x36: {  	p1 =	seq.s32 s10, $0x1;
	s10 =	sld [smem:$0x3FB8];
	_ =	sdelay $0x3  }
0x37: {  	[smem:$0x3FB8] =	sst s10  }
0x38: {  	s10 =	sld [smem:$0x3FB9]  }
0x39: {  	_ = 	snop;
	(pc) =	sbr.ind lr, $3  }
0x3a: {  	_ = 	snop  }
0x3b: {  	_ = 	snop  }
0x3c: {  	p2 =	seq.s32 s10, $0x1;
	s10 =	sld [smem:$0x3FB8]  }
0x3d: {  	_ =	shalt  }
0x3e: {  	_ =	shalt  }
0x3f: {  	_ =	shalt  }
0x40: {  	_ =	shalt  }
0x41: {  	_ =	shalt  }
0x42: {  	_ =	shalt  }
0x43: {  	_ =	shalt  }
0x44: {  	_ =	shalt  }
0x45: {  	_ =	shalt  }
0x46: {  	_ =	shalt  }
0x47: {  	_ =	shalt  }
0x48: {  	_ =	shalt  }
0x49: {  	_ =	shalt  }
0x4a: {  	_ =	shalt  }
0x4b: {  	_ =	shalt  }
0x4c: {  	_ =	shalt  }
0x4d: {  	_ =	shalt  }
0x4e: {  	_ =	shalt  }
0x4f: {  	_ =	shalt  }
0x50: {  	_ =	shalt  }
0x51: {  	_ =	shalt  }
0x52: {  	_ =	shalt  }
0x53: {  	_ =	shalt  }
0x54: {  	_ =	shalt  }
0x55: {  	_ =	shalt  }
0x56: {  	_ =	shalt  }
0x57: {  	_ =	shalt  }
0x58: {  	_ =	shalt  }
0x59: {  	_ =	shalt  }
0x5a: {  	_ =	shalt  }
0x5b: {  	_ =	shalt  }
0x5c: {  	_ =	shalt  }
0x5d: {  	_ =	shalt  }
0x5e: {  	_ =	shalt  }
0x5f: {  	_ =	shalt  }
0x60: {  	_ =	shalt  }
0x61: {  	_ =	shalt  }
0x62: {  	_ =	shalt  }
0x63: {  	_ =	shalt  }
0x64: {  	_ =	shalt  }
0x65: {  	_ =	shalt  }
0x66: {  	_ =	shalt  }
0x67: {  	_ =	shalt  }
0x68: {  	_ =	shalt  }
0x69: {  	_ =	shalt  }
0x6a: {  	_ =	shalt  }
0x6b: {  	_ =	shalt  }
0x6c: {  	_ =	shalt  }
0x6d: {  	_ =	shalt  }
0x6e: {  	_ =	shalt  }
0x6f: {  	_ =	shalt  }
0x70: {  	_ =	shalt  }
0x71: {  	_ =	shalt  }
0x72: {  	_ =	shalt  }
0x73: {  	_ =	shalt  }
0x74: {  	_ =	shalt  }
0x75: {  	_ =	shalt  }
0x76: {  	_ =	shalt  }
0x77: {  	_ =	shalt  }
0x78: {  	_ =	shalt  }
0x79: {  	_ =	shalt  }
0x7a: {  	_ =	shalt  }
0x7b: {  	_ =	shalt  }
0x7c: {  	_ =	shalt  }
0x7d: {  	_ =	shalt  }
0x7e: {  	_ =	shalt  }
0x7f: {  	_ =	shalt  }
0x80: {  	_ =	shalt  }
0x81: {  	_ =	shalt  }
0x82: {  	_ =	shalt  }
0x83: {  	_ =	shalt  }
0x84: {  	_ =	shalt  }
0x85: {  	_ =	shalt  }
0x86: {  	_ =	shalt  }
0x87: {  	_ =	shalt  }
.Lfunc_end0:
.L_simem_size_0:
called_computation_lowered:
.L_overlay_start_0:
0x88: {  	s2 =	sld [smem:$0x3FD9]  }
0x89: {  	s3 =	sld [smem:$0x3FFE];
	_ =	sdelay $0x1  }
0x8a: {  	s1 =	srdreg.scid  }
0x8b: {  	s0 =	sand.u32 $0x1, s1  }
0x8c: {  	s14 =	sshll.u32 s0, $0xA;
	s2 =	sadd.s32 s3, s2  }
0x8d: {  	s2 =	sadd.s32 s2, s14  }
0x8e: {  	[smem:$0x3FC4] =	sst s2  }
0x8f: {  	_ = 	snop  }
0x90: {  	s2 =	sld [smem:$0x3FD0];
	_ =	sdelay $0x2  }
0x91: {  	s15 =	simm.s32 $0xA;
	s4 =	simm.s32 $0x10  }
0x92: {  	[smem:s4], [sflag:s15] =	dma.local [hbm:s2], $0x1  }
0x93: {  	_ =	swait.eq [sflag:s15], $0x1  }
0x94: {  	[sflag:s15] =	ssyncset.done $0x0  }
0x95: {  	[sflag:s15] =	ssyncadd.s32 $0xFFFFFFFF  }
0x96: {  	s16 =	sld [smem:$0x11];
	(tm) =	ssettm $0x1  }
0x97: {  	s17 =	sld [smem:$0x3FFB];
	_ =	sdelay $0x3  }
0x98: {  	_ =	strace s17  }
0x99: {  	s3 =	sld [smem:$0x3FFC];
	_ =	sdelay $0x3  }
0x9a: {  	_ =	strace s3  }
0x9b: {  	s3 =	sld [smem:$0x3FFD];
	_ =	sdelay $0x3  }
0x9c: {  	_ =	strace s3  }
0x9d: {  	_ =	strace $0x8FFFFFFF  }
0x9e: {  	s18 =	sld [smem:$0x3FDB];
	_ =	sdelay $0x1  }
0x9f: {  	s19 =	simm.s32 $_scs_section_size  }
0xa0: {  	s5 =	simm.s32 $_size__tile_overlayer_lowered;
	s6 =	simm.s32 $_tile_overlayer_lowered  }
0xa1: {  	s22 =	simm.s32 $0x1BFF;
	s21 =	sshll.u32 s6, $0x1;
	s3 =	sadd.s32 s19, s18  }
0xa2: {  	s7 =	simm.s32 $0x0;
	s20 =	sshll.u32 s5, $0x1;
	s5 =	sadd.s32 s21, s3  }
0xa3: {  	[timem:s7], [sflag:s22] =	dma.local [hbm:s5], s20  }
0xa4: {  	_ =	swait.ge [sflag:s22], s20  }
0xa5: {  	s4 =	ssub.s32 $0x0, s20;
	[sflag:s22] =	ssyncset.done $0x0  }
0xa6: {  	[sflag:s22] =	ssyncadd.s32 s4;
	_ =	sdelay $0x1  }
0xa7: {  	s23 =	simm.s32 $0x1B8B  }
0xa8: {  	_ =	swait.ge [sflag:s23], $0x1  }
0xa9: {  	[sflag:s23] =	ssyncset.done $0x0  }
0xaa: {  	s25 =	simm.s32 $0x1B8E;
	s24 =	sld [smem:$0x3FFE];
	[sflag:s23] =	ssyncadd.s32 $0xFFFFFFFF  }
0xab: {  	s26 =	simm.s32 $execute0_lowered;
	[smem:$0x3FD2] =	sst s25  }
0xac: {  	s5 =	sshll.u32 s26, $0x1;
	_ =	strace $0x80000046;
	[dreg:$0x1] =	wrdreg $0xFFFFFFFF  }
0xad: {  	s28 =	simm.s32 $_size_execute0_lowered;
	s3 =	sadd.s32 s3, s5;
	[dreg:$0x0] =	wrdreg $0x0  }
0xae: {  	s5 =	sshll.u32 s28, $0x1;
	[dreg:$0x2] =	wrdreg s3  }
0xaf: {  	[dreg:$0x3] =	wrdreg s5  }
0xb0: {  	[dreg:$0x4] =	wrdreg $0xC0  }
0xb1: {  	_ =	task [dreg:s7], $0x5FFFF  }
0xb2: {  	[dreg:$0x1] =	wrdreg $0xFFFFFFFF  }
0xb3: {  	[dreg:$0x0] =	wrdreg $0x60  }
0xb4: {  	[dreg:$0x2] =	wrdreg s16  }
0xb5: {  	[dreg:$0x3] =	wrdreg s24  }
0xb6: {  	[dreg:$0x4] =	wrdreg $0x0  }
0xb7: {  	[dreg:$0x5] =	wrdreg $0x9  }
0xb8: {  	_ =	task.clear_ibuf [dreg:s7], $0x6FFFF;
	_ =	strace $0x90000046  }
0xb9: {  	s29 =	simm.s32 $0x9;
	_ =	strace $0x80000048  }
0xba: {  	_ =	swait.ge [sflag:s29], $0x1  }
0xbb: {  	[sflag:s29] =	ssyncadd.s32 $0xFFFFFFFF  }
0xbc: {  	_ =	strace $0x90000048  }
0xbd: {  	_ =	sfence  }
0xbe: {  	s30 =	sld [smem:$0x0];
	_ =	sdelay $0x2  }
0xbf: {  	s31 =	sshll.u32 s1, $0xD;
	s1 =	sshrl.u32 s1, $0x2  }
0xc0: {  	s3 =	sand.u32 $0x4000, s31;
	s1 =	sadd.s32 s1, s30  }
0xc1: {  	s0 =	sor.u32 s3, s0;
	s1 =	sshll.u32 s1, $0x11  }
0xc2: {  	s0 =	sor.u32 s1, s0  }
0xc3: {  	s0 =	sadd.s32 $0x8F2B, s0  }
0xc4: {  	[sflag:s0] =	ssyncadd.remote.s32 $0x1  }
0xc5: {  	_ =	sfence.sel $0xFFFF  }
0xc6: {  	[dreg:$0x0] =	wrdreg $0xFFFFFFFF;
	(pc) =	sbr.abs _section_cstart, $3  }
0xc7: {  	[dreg:$0x1] =	wrdreg $0xFFFFFFFF  }
0xc8: {  	_ =	task.clear_ibuf [dreg:s7], $0x2FFFF;
	_ =	strace $0x9FFFFFFF  }
0xc9: {  	(tm) =	ssettm $0x7FFFFFFF  }
tec
execute0_lowered:
.L_overlay_start_1:
0x0: {  	(tag) =	ssettag $0x1  }
0x1: {  	s5 =	rddreg [dreg:$0x0]  }
0x2: {  	s4 =	rddreg [dreg:$0x1]  }
0x3: {  	s2 =	rddreg [dreg:$0x2]  }
0x4: {  	s0 =	rddreg [dreg:$0x3];
	s6 =	srdreg.scid  }
0x5: {  	s1 =	stileid.u32;
	s3 =	simm.s32 $0x0;
	s11 =	simm.s32 $0x80  }
0x6: {  	s12 =	simm.s32 $0x2A80;
	s15 =	simm.s32 $0x20;
	s16 =	simm.s32 $0x10  }
0x7: {  	s17 =	simm.s32 $0x0;
	s6 =	sand.u32 $0x1, s6;
	s7 =	smul.u32 $0x500, s1  }
0x8: {  	[smem:$0x7FF] =	sst s3;
	s9 =	smul.u32 $0xA00, s1;
	s13 =	sshll.u32 s1, $0x6  }
0x9: {  	s8 =	sshll.u32 s6, $0x7;
	_ =	strace $0x80000047;
	s30 =	sshll.u32 s6, $0x4  }
0xa: {  	s6 =	ssub.s32 $0x2, s6;
	s13 =	sor.u32 $0x1C01, s13;
	s7 =	sor.u32 s8, s7  }
0xb: {  	s8 =	sor.u32 s1, s30;
	s10 =	sshrl.u32 s6, $0x1;
	s31 =	sshrl.u32 s9, $0x2  }
0xc: {  	s9 =	simm.s32 $0x1;
	s7 =	sshrl.u32 s7, $0x3;
	s8 =	smul.u32 $0x500, s8  }
0xd: {  	s10 =	ssub.s32 s6, s10;
	s7 =	sadd.s32 s7, s4;
	s4 =	sadd.s32 s31, s2  }
0xe: {  	s5 =	sadd.s32 s5, s8;
	s6 =	sadd.s32 $0x1600, s7;
	s7 =	smax.u32 s10, $0x1  }
0xf: {  	v0 =	vimm.f32 $0.0e+00;
	v1 =	vimm.f32 $1.000000000e+00;
	s8 =	simm.s32 $0x2B00;
	s10 =	simm.s32 $0x280;
	s14 =	sshrl.u32 s4, $0x3  }
.LBB2_1:
0x10: {  	[tilespmem:$0x2B00] =	vst v0  }
0x11: {  	[tilespmem:$0x2B10] =	vst v0  }
0x12: {  	[tilespmem:$0x2B20] =	vst v0  }
0x13: {  	[tilespmem:$0x2B30] =	vst v0  }
0x14: {  	[tilespmem:$0x2B40] =	vst v0  }
0x15: {  	[tilespmem:$0x2B50] =	vst v0  }
0x16: {  	[tilespmem:$0x2B60] =	vst v0  }
0x17: {  	[tilespmem:$0x2B70] =	vst v0  }
0x18: {  	[tilespmem:$0x2B80] =	vst v0  }
0x19: {  	[tilespmem:$0x2B90] =	vst v0  }
0x1a: {  	[tilespmem:$0x2BA0] =	vst v0  }
0x1b: {  	[tilespmem:$0x2BB0] =	vst v0  }
0x1c: {  	[tilespmem:$0x2BC0] =	vst v0  }
0x1d: {  	[tilespmem:$0x2BD0] =	vst v0  }
0x1e: {  	[tilespmem:$0x2BE0] =	vst v0  }
0x1f: {  	[tilespmem:$0x2BF0] =	vst v0  }
0x20: {  	[tilespmem:$0x2C00] =	vst v0  }
0x21: {  	[tilespmem:$0x2C10] =	vst v0  }
0x22: {  	[tilespmem:$0x2C20] =	vst v0  }
0x23: {  	[tilespmem:$0x2C30] =	vst v0  }
0x24: {  	[tilespmem:$0x2C40] =	vst v0  }
0x25: {  	[tilespmem:$0x2C50] =	vst v0  }
0x26: {  	[tilespmem:$0x2C60] =	vst v0  }
0x27: {  	[tilespmem:$0x2C70] =	vst v0  }
0x28: {  	[tilespmem:$0x2C80] =	vst v0  }
0x29: {  	[tilespmem:$0x2C90] =	vst v0  }
0x2a: {  	[tilespmem:$0x2CA0] =	vst v0  }
0x2b: {  	[tilespmem:$0x2CB0] =	vst v0  }
0x2c: {  	[tilespmem:$0x2CC0] =	vst v0  }
0x2d: {  	[tilespmem:$0x2CD0] =	vst v0  }
0x2e: {  	[tilespmem:$0x2CE0] =	vst v0  }
0x2f: {  	[tilespmem:$0x2CF0] =	vst v0  }
0x30: {  	[tilespmem:$0x2D00] =	vst v0  }
0x31: {  	[tilespmem:$0x2D10] =	vst v0  }
0x32: {  	[tilespmem:$0x2D20] =	vst v0  }
0x33: {  	[tilespmem:$0x2D30] =	vst v0  }
0x34: {  	[tilespmem:$0x2D40] =	vst v0  }
0x35: {  	[tilespmem:$0x2D50] =	vst v0  }
0x36: {  	[tilespmem:$0x2D60] =	vst v0  }
0x37: {  	[tilespmem:$0x2D70] =	vst v0  }
0x38: {  	[spmem:s4] =	stream.linear.scatter [tilespmem:s8], [sflag:$0x1], $0x280, $0x38;
	[tilespmem:$0x2D80] =	vst v63  }
0x39: {  	_ =	swait.ge [sflag:s9], $0x280  }
0x3a: {  	[sflag:s9] =	ssyncset.done $0x0  }
0x3b: {  	[sflag:s9] =	ssyncadd.s32 $0xFFFFFD80  }
0x3c: {  	[tilespmem:$0x2A80] =	vst v1  }
0x3d: {  	[tilespmem:$0x2A90] =	vst v1  }
0x3e: {  	[tilespmem:$0x2AA0] =	vst v1  }
0x3f: {  	[tilespmem:$0x2AB0] =	vst v1  }
0x40: {  	[tilespmem:$0x2AC0] =	vst v1  }
0x41: {  	[tilespmem:$0x2AD0] =	vst v1  }
0x42: {  	[tilespmem:$0x2AE0] =	vst v1  }
0x43: {  	[tilespmem:$0x2AF0] =	vst v1  }
0x44: {  	[tilespmem:s10], [sflag:$0x1] =	stream.linear.gather [hbm4b:s5+s3], $0x2800, $0x38;
	[tilespmem:$0x2D80] =	vst v63  }
0x45: {  	_ =	swait.ge [sflag:s9], $0x2800  }
0x46: {  	[sflag:s9] =	ssyncset.done $0x0  }
0x47: {  	[sflag:s9] =	ssyncadd.s32 $0xFFFFD800  }
0x48: {  	s18 =	simm.s32 $0x280;
	[bflag:$0x0] =	sbarrier.arrive $0xFFFF  }
0x49: {  	[spmem:s2] =	stream.indirect.scatter.add.f32 [tilespmem:s12], [sflag:$0x1], $0x1, s18, s11, $0xb8;
	[tilespmem:$0x2D80] =	vst v63  }
0x4a: {  	s18 =	simm.s32 $0x200;
	_ =	swait.ge [sflag:s9], $0x80  }
.LBB2_2:
0x4b: {  	s19 =	sshra.s32 s18, $0x2;
	[sflag:s9] =	ssyncset.done $0x0;
	p0 =	sne.s32 s18, $0x9E00  }
.Ltmp0:
0x4c: {  	s19 =	sadd.s32 $0x280, s19;
	[sflag:s9] =	ssyncadd.s32 $0xFFFFFF80;
	(pc) =	sbr.rel @p0 .LBB2_2-.Ltmp0, $3  }
0x4d: {  	[spmem:s2] =	stream.indirect.scatter.add.f32 [tilespmem:s12], [sflag:$0x1], $0x1, s19, s11, $0xb8;
	[tilespmem:$0x2D80] =	vst v63  }
0x4e: {  	s18 =	sadd.s32 $0x200, s18;
	_ =	sdelay $0x1  }
0x4f: {  	_ =	swait.ge [sflag:s9], $0x80  }
0x50: {  	[sflag:s9] =	ssyncset.done $0x0;
	s17 =	sadd.s32 $0x1, s17  }
0x51: {  	[sflag:s9] =	ssyncadd.s32 $0xFFFFFF80;
	p0 =	sne.s32 s17, s7  }
.Ltmp1:
0x52: {  	[bflag:$0x0] =	sbarrier.arrive $0xFFFF;
	(pc) =	sbr.rel @p0 .LBB2_1-.Ltmp1, $4  }
0x53: {  	[hbm:s6@s15], [sflag:s13] =	dma.strided [spmem:s14@s16], $0x50, s9, $0x10   }
0x54: {  	_ =	swait.ge [sflag:s9], $0x50  }
0x55: {  	[sflag:s9] =	ssyncset.done $0x0  }
0x56: {  	[sflag:s9] =	ssyncadd.s32 $0xFFFFFFB0  }
0x57: {  	_ =	sfence.sel $0x180000  }
0x58: {  	[bflag:$0x0] =	sbarrier.arrive $0xFFFF  }
0x59: {  	p0 =	sne.s32 s1, $0x0;
	_ =	strace $0x90000047  }
0x5a: {  	s0 =	sadd.s32 @!p0 $0x100000, s0;
	[bflag:$0x2] =	sbarrier.arrive $0xFFFF  }
0x5b: {  	[sflag:s0] =	ssyncadd.tile.s32 @!p0 $0x1;
	_ =	shalt  }
.Lfunc_end2:
_tile_overlayer_lowered:
.L_overlay_start_2:
0x5c: {  	(tag) =	ssettag $0x2  }
0x5d: {  	s0 =	rddreg [dreg:$0x0];
	s2 =	stileid.u32  }
0x5e: {  	s1 =	rddreg [dreg:$0x1];
	p0 =	sne.s32 s2, $0x0  }
0x5f: {  	s3 =	rddreg [dreg:$0x2];
	[bflag:$0x3] =	sbarrier.arrive $0xFFFF;
	s2 =	simm.s32 @!p0 $0x1C01  }
0x60: {  	[timem:s3], [sflag:s2] =	dma.local @!p0 [hbm:s0], s1  }
0x61: {  	s0 =	simm.s32 @!p0 $0x1  }
0x62: {  	_ =	swait.ge @!p0 [sflag:s0], s1  }
0x63: {  	s1 =	ssub.s32 @!p0 $0x0, s1;
	[sflag:s0] =	ssyncset.done @!p0 $0x0  }
0x64: {  	[sflag:s0] =	ssyncadd.s32 @!p0 s1  }
0x65: {  	[bflag:$0x3] =	sbarrier.arrive $0xFFFF  }
0x66: {  	_ =	shalt  }

</sc_bundles>
